<compile_context>
chip_gen: v7x
topology: tpu7x:2x2x1
jax: 0.10.2.dev20260603
libtpu: 0.0.44.dev20260713+nightly
codegen_flags: <defaults>
</compile_context>

<pallas_src>
import functools

import jax
import jax.numpy as jnp
from jax import lax
from jax.experimental import pallas as pl
from jax.experimental.pallas import tpu as pltpu, tpu_sc as plsc

N = 10000
P = 5000
E = 320000
D = 128

NC, NS, L = 2, 16, 16
NW = NC * NS
TRI_W = 384
N_PAD = NW * TRI_W
NV = 10240
EPW = E // NW
B = 40
NCHUNK = EPW // B
DC = D + 16
DCP = 256
RPT = N // NS
ZR = 25

_mesh = plsc.VectorSubcoreMesh(
    core_axis_name="c", subcore_axis_name="s", num_cores=NC, num_subcores=NS)


def _geom_body(px_hbm, py_hbm, pz_hbm, t0_hbm, t1_hbm, t2_hbm, g_hbm,
               px_v, py_v, pz_v, t0_v, t1_v, t2_v, gt_v):
    c = lax.axis_index("c")
    s = lax.axis_index("s")
    wid = s * NC + c
    base = pl.multiple_of(wid * TRI_W, 128)
    pltpu.sync_copy(px_hbm, px_v)
    pltpu.sync_copy(py_hbm, py_v)
    pltpu.sync_copy(pz_hbm, pz_v)
    pltpu.sync_copy(t0_hbm.at[pl.ds(base, TRI_W)], t0_v)
    pltpu.sync_copy(t1_hbm.at[pl.ds(base, TRI_W)], t1_v)
    pltpu.sync_copy(t2_hbm.at[pl.ds(base, TRI_W)], t2_v)

    zero = jnp.zeros((L,), jnp.float32)
    third = jnp.full((L,), 1.0 / 3.0, jnp.float32)
    coords = (px_v, py_v, pz_v)
    tcols = (t0_v, t1_v, t2_v)

    def group(i, _):
        sl = pl.ds(i * L, L)
        idx = [tcols[j][sl] for j in range(3)]
        for cc in range(3):
            p0 = plsc.load_gather(coords[cc], [idx[0]])
            p1 = plsc.load_gather(coords[cc], [idx[1]])
            p2 = plsc.load_gather(coords[cc], [idx[2]])
            e0 = p0 - p1
            e1 = p0 - p2
            e2 = p1 - p2
            gt_v[0 + cc, sl] = jnp.minimum(jnp.minimum(e0, e1), e2)
            gt_v[3 + cc, sl] = jnp.maximum(jnp.maximum(e0, e1), e2)
            gt_v[6 + cc, sl] = (p0 + p1 + p2) * third
        for r in range(9, 16):
            gt_v[r, sl] = zero
        return 0

    lax.fori_loop(0, TRI_W // L, group, 0)
    pltpu.sync_copy(gt_v, g_hbm.at[:, pl.ds(base, TRI_W)])


_geom = functools.partial(
    pl.kernel,
    out_type=jax.ShapeDtypeStruct((16, N_PAD), jnp.float32),
    mesh=_mesh,
    scratch_types=[
        pltpu.VMEM((P,), jnp.float32),
        pltpu.VMEM((P,), jnp.float32),
        pltpu.VMEM((P,), jnp.float32),
        pltpu.VMEM((TRI_W,), jnp.int32),
        pltpu.VMEM((TRI_W,), jnp.int32),
        pltpu.VMEM((TRI_W,), jnp.int32),
        pltpu.VMEM((16, TRI_W), jnp.float32),
    ],
    compiler_params=pltpu.CompilerParams(needs_layout_passes=False),
)(_geom_body)


def _edge_body(vp_hbm, v_hbm, src_hbm, tgt_hbm, hc_hbm,
               h_sp,
               idx_s0, idx_s1, idx_t0, idx_t1, idx_c0, idx_c1,
               rows_s0, rows_s1, rows_t0, rows_t1, hrows0, hrows1,
               zbuf,
               sem_i0, sem_i1, sem_g0, sem_g1, sem_c0, sem_c1):
    c = lax.axis_index("c")
    s = lax.axis_index("s")
    wid = s * NC + c
    ebase = wid * EPW

    idx_s = (idx_s0, idx_s1)
    idx_t = (idx_t0, idx_t1)
    idx_c = (idx_c0, idx_c1)
    rows_s = (rows_s0, rows_s1)
    rows_t = (rows_t0, rows_t1)
    hrows = (hrows0, hrows1)
    sem_i = (sem_i0, sem_i1)
    sem_g = (sem_g0, sem_g1)
    sem_c = (sem_c0, sem_c1)

    zero = jnp.zeros((L,), jnp.float32)
    lane = lax.iota(jnp.int32, L)
    cnt_one = jnp.where(lane == 0, 1.0, 0.0).astype(jnp.float32)

    def cinit(i, _):
        hrows0[i, pl.ds(D, L)] = cnt_one
        hrows1[i, pl.ds(D, L)] = cnt_one
        return 0

    lax.fori_loop(0, B, cinit, 0)

    def issue_idx(k, b):
        base = pl.multiple_of(ebase + k * B, 8)
        pltpu.async_copy(src_hbm.at[pl.ds(base, B)], idx_s[b], sem_i[b])
        pltpu.async_copy(tgt_hbm.at[pl.ds(base, B)], idx_t[b], sem_i[b])

    def wait_idx(b):
        pltpu.make_async_copy(src_hbm.at[pl.ds(0, B)], idx_s[b],
                              sem_i[b]).wait()
        pltpu.make_async_copy(tgt_hbm.at[pl.ds(0, B)], idx_t[b],
                              sem_i[b]).wait()

    def issue_gather(b):
        pltpu.async_copy(vp_hbm.at[idx_s[b]], rows_s[b], sem_g[b])
        pltpu.async_copy(v_hbm.at[idx_t[b]], rows_t[b], sem_g[b])

    def wait_gather(b):
        pltpu.make_async_copy(vp_hbm.at[idx_s[b]], rows_s[b], sem_g[b]).wait()
        pltpu.make_async_copy(v_hbm.at[idx_t[b]], rows_t[b], sem_g[b]).wait()

    def copy_idx(b):
        for o in (0, 16, B - 16):
            idx_c[b][pl.ds(o, L)] = idx_s[b][pl.ds(o, L)]

    def issue_scatter(b):
        pltpu.async_copy(hrows[b], h_sp.at[idx_c[b]], sem_c[b], add=True)

    def wait_scatter(b):
        pltpu.make_async_copy(hrows[b], h_sp.at[idx_c[b]], sem_c[b]).wait()

    def compute(b):
        @plsc.parallel_loop(0, B, unroll=8)
        def edge(i):
            for r in range(D // L):
                sl = pl.ds(r * L, L)
                hrows[b][i, sl] = jnp.maximum(
                    rows_s[b][i, sl] - rows_t[b][i, sl], 0.0)

    issue_idx(0, 0)
    issue_idx(1, 1)

    def zrow(i, _):
        for r in range(DC // L):
            zbuf[i, pl.ds(r * L, L)] = zero
        return 0

    lax.fori_loop(0, ZR, zrow, 0)
    for m in range(RPT // ZR):
        pltpu.sync_copy(zbuf, h_sp.at[pl.ds(s * RPT + m * ZR, ZR)])

    wait_idx(0)
    issue_gather(0)
    plsc.subcore_barrier()

    def outer(ko, _):
        for bb in range(2):
            k = ko * 2 + bb

            @pl.when(ko > 0)
            def _():
                wait_scatter(bb)

            copy_idx(bb)

            if bb == 0:
                wait_idx(1)
                issue_gather(1)
            else:
                @pl.when(ko < NCHUNK // 2 - 1)
                def _():
                    wait_idx(0)
                    issue_gather(0)

            wait_gather(bb)

            @pl.when(ko < NCHUNK // 2 - 1)
            def _():
                issue_idx(k + 2, bb)

            compute(bb)
            issue_scatter(bb)
        return 0

    lax.fori_loop(0, NCHUNK // 2, outer, 0)
    wait_scatter(0)
    wait_scatter(1)
    plsc.subcore_barrier()

    pltpu.sync_copy(h_sp.at[pl.ds(s * RPT, RPT)],
                    hc_hbm.at[pl.ds(c * N + s * RPT, RPT), pl.ds(0, DC)])


_edge = functools.partial(
    pl.kernel,
    out_type=jax.ShapeDtypeStruct((NC * N, DCP), jnp.float32),
    mesh=_mesh,
    scratch_types=[
        pltpu.VMEM_SHARED((N, DC), jnp.float32),
        pltpu.VMEM((B,), jnp.int32),
        pltpu.VMEM((B,), jnp.int32),
        pltpu.VMEM((B,), jnp.int32),
        pltpu.VMEM((B,), jnp.int32),
        pltpu.VMEM((B,), jnp.int32),
        pltpu.VMEM((B,), jnp.int32),
        pltpu.VMEM((B, D), jnp.float32),
        pltpu.VMEM((B, D), jnp.float32),
        pltpu.VMEM((B, D), jnp.float32),
        pltpu.VMEM((B, D), jnp.float32),
        pltpu.VMEM((B, DC), jnp.float32),
        pltpu.VMEM((B, DC), jnp.float32),
        pltpu.VMEM((ZR, DC), jnp.float32),
        pltpu.SemaphoreType.DMA,
        pltpu.SemaphoreType.DMA,
        pltpu.SemaphoreType.DMA,
        pltpu.SemaphoreType.DMA,
        pltpu.SemaphoreType.DMA,
        pltpu.SemaphoreType.DMA,
    ],
    compiler_params=pltpu.CompilerParams(
        needs_layout_passes=False, use_tc_tiling_on_sc=False),
)(_edge_body)


BN1 = 1024
BN2 = 1000


def _mm1_body(x_ref, g_ref, w1x_ref, w1g_ref, b1_ref, vp_ref, v_ref):
    v = (
        jnp.dot(x_ref[...], w1x_ref[...], preferred_element_type=jnp.float32)
        + lax.dot_general(
            g_ref[0], w1g_ref[...],
            dimension_numbers=(((0,), (0,)), ((), ())),
            preferred_element_type=jnp.float32))
    v_ref[...] = v
    vp_ref[...] = v + b1_ref[...]


def _mm1(x_in, g3, w1x, w1g_p, b1_row):
    return pl.pallas_call(
        _mm1_body,
        grid=(N // BN2,),
        in_specs=[
            pl.BlockSpec((BN2, D), lambda j: (j, 0)),
            pl.BlockSpec((1, 16, BN2), lambda j: (j, 0, 0)),
            pl.BlockSpec((D, D), lambda j: (0, 0)),
            pl.BlockSpec((16, D), lambda j: (0, 0)),
            pl.BlockSpec((1, D), lambda j: (0, 0)),
        ],
        out_specs=[
            pl.BlockSpec((BN2, D), lambda j: (j, 0)),
            pl.BlockSpec((BN2, D), lambda j: (j, 0)),
        ],
        out_shape=[
            jax.ShapeDtypeStruct((N, D), jnp.float32),
            jax.ShapeDtypeStruct((N, D), jnp.float32),
        ],
    )(x_in, g3, w1x, w1g_p, b1_row)


def _mm2_body(h0_ref, h1_ref, w2_ref, b2_ref, o_ref):
    a = h0_ref[:, :D] + h1_ref[:, :D]
    cnt = h0_ref[:, D:D + 1] + h1_ref[:, D:D + 1]
    o_ref[...] = (
        jnp.dot(a, w2_ref[...], preferred_element_type=jnp.float32)
        + cnt * b2_ref[...])


def _mm2(hc, w2, b2_row):
    return pl.pallas_call(
        _mm2_body,
        grid=(N // BN2,),
        in_specs=[
            pl.BlockSpec((BN2, DCP), lambda j: (j, 0)),
            pl.BlockSpec((BN2, DCP), lambda j: (j + N // BN2, 0)),
            pl.BlockSpec((D, D), lambda j: (0, 0)),
            pl.BlockSpec((1, D), lambda j: (0, 0)),
        ],
        out_specs=pl.BlockSpec((BN2, D), lambda j: (j, 0)),
        out_shape=jax.ShapeDtypeStruct((N, D), jnp.float32),
    )(hc, hc, w2, b2_row)


def kernel(x, points, triangles, triangle_edges, W1, b1, W2, b2):
    tri = triangles.astype(jnp.int32)
    tpad = jnp.zeros((N_PAD - N,), jnp.int32)
    t0 = jnp.concatenate([tri[:, 0], tpad])
    t1 = jnp.concatenate([tri[:, 1], tpad])
    t2 = jnp.concatenate([tri[:, 2], tpad])
    px, py, pz = points[:, 0], points[:, 1], points[:, 2]
    src = triangle_edges[0].astype(jnp.int32)
    tgt = triangle_edges[1].astype(jnp.int32)
    w1g_p = jnp.concatenate(
        [W1[:9], jnp.zeros((16 - 9, D), W1.dtype)], axis=0)
    w1x = W1[9:]
    g_t = _geom(px, py, pz, t0, t1, t2)
    g3 = jnp.moveaxis(g_t[:, :N].reshape(16, N // BN2, BN2), 1, 0)
    vp, v = _mm1(x, g3, w1x, w1g_p, b1.reshape(1, D))
    hc = _edge(vp, v, src, tgt)
    return _mm2(hc, W2, b2.reshape(1, D))

# --- scband reference (transcript-rebuilt; emitter-appended) ---
"""Pipeline reference for scband-tri-conv-38190849196538 (READ-ONLY COPY).

The authoritative reference and input builder live on the scoring server;
editing this copy changes nothing except your own understanding.
"""

import jax, jax.numpy as jnp
import numpy as np

N = 10000   # number of triangles (graph nodes)
P = 5000    # number of mesh points
E = 320000  # number of triangle-adjacency edges
D = 128     # hidden_dim


def setup_inputs(seed: int = 0) -> dict:
    key = jax.random.key(seed)
    ks = jax.random.split(key, 8)
    x = jax.random.normal(ks[0], (N, D), dtype=jnp.float32)
    points = jax.random.normal(ks[1], (P, 3), dtype=jnp.float32)
    triangles = jax.random.randint(ks[2], (N, 3), 0, P, dtype=jnp.int64)
    triangle_edges = jax.random.randint(ks[3], (2, E), 0, N, dtype=jnp.int64)
    # MLP params: Linear(D+9 -> D), ReLU, Linear(D -> D). Stored as (in, out) so y = h @ W + b.
    W1 = jax.random.normal(ks[4], (D + 9, D), dtype=jnp.float32) * 0.05
    b1 = jnp.zeros((D,), dtype=jnp.float32)
    W2 = jax.random.normal(ks[5], (D, D), dtype=jnp.float32) * 0.05
    b2 = jnp.zeros((D,), dtype=jnp.float32)
    return {"x": x, "points": points, "triangles": triangles,
            "triangle_edges": triangle_edges, "W1": W1, "b1": b1, "W2": W2, "b2": b2}


def reference(x, points, triangles, triangle_edges, W1, b1, W2, b2):
    # Gather per-triangle vertex coordinates: [N, 3, 3]
    triangle_points = points[triangles]
    e_ij = triangle_points[:, 0] - triangle_points[:, 1]
    e_ik = triangle_points[:, 0] - triangle_points[:, 2]
    e_jk = triangle_points[:, 1] - triangle_points[:, 2]
    edge_vectors = jnp.stack([e_ij, e_ik, e_jk], axis=1)  # [N, 3, 3]
    t_max = jnp.max(edge_vectors, axis=1)  # [N, 3]
    t_min = jnp.min(edge_vectors, axis=1)  # [N, 3]
    barycenters = jnp.mean(triangle_points, axis=1)  # [N, 3]
    t_max = t_max.astype(x.dtype)
    t_min = t_min.astype(x.dtype)
    barycenters = barycenters.astype(x.dtype)

    src_idx = triangle_edges[0]
    tgt_idx = triangle_edges[1]
    # Geometric relation features per edge: [E, 9]
    r_n_k = jnp.concatenate([
        t_min[src_idx] - t_min[tgt_idx],
        t_max[src_idx] - t_max[tgt_idx],
        barycenters[src_idx] - barycenters[tgt_idx],
    ], axis=1).astype(x.dtype)
    feature_diff = x[src_idx] - x[tgt_idx]  # [E, D]
    mlp_input = jnp.concatenate([r_n_k, feature_diff], axis=1)  # [E, D+9]
    h = jnp.maximum(mlp_input @ W1 + b1, 0.0)
    mlp_output = h @ W2 + b2  # [E, D]
    # scatter_add into src rows (the torch loop over batches of 512 edges is
    # mathematically identical to a single scatter-add over all edges)
    new_features = jnp.zeros_like(x).at[src_idx].add(mlp_output)
    return new_features

if __name__ == "__main__":
    import jax
    _d = setup_inputs()
    print(jax.jit(kernel)(*tuple(_d.values())))

</pallas_src>

<mosaic_0001>
#map = affine_map<(d0, d1) -> (0, 0)>
#map1 = affine_map<(d0, d1) -> (0)>
module attributes {stable_mosaic.version = 14 : i64} {
  func.func @_edge_body(%arg0: i32, %arg1: i32, %arg2: memref<10000x128xf32, #tpu.memory_space<hbm>>, %arg3: memref<10000x128xf32, #tpu.memory_space<hbm>>, %arg4: memref<320000xi32, #tpu.memory_space<hbm>>, %arg5: memref<320000xi32, #tpu.memory_space<hbm>>, %arg6: memref<20000x256xf32, #tpu.memory_space<hbm>>, %arg7: memref<10000x144xf32, #tpu.memory_space<vmem_shared>>, %arg8: memref<40xi32, #tpu.memory_space<vmem>>, %arg9: memref<40xi32, #tpu.memory_space<vmem>>, %arg10: memref<40xi32, #tpu.memory_space<vmem>>, %arg11: memref<40xi32, #tpu.memory_space<vmem>>, %arg12: memref<40xi32, #tpu.memory_space<vmem>>, %arg13: memref<40xi32, #tpu.memory_space<vmem>>, %arg14: memref<40x128xf32, #tpu.memory_space<vmem>>, %arg15: memref<40x128xf32, #tpu.memory_space<vmem>>, %arg16: memref<40x128xf32, #tpu.memory_space<vmem>>, %arg17: memref<40x128xf32, #tpu.memory_space<vmem>>, %arg18: memref<40x144xf32, #tpu.memory_space<vmem>>, %arg19: memref<40x144xf32, #tpu.memory_space<vmem>>, %arg20: memref<25x144xf32, #tpu.memory_space<vmem>>, %arg21: memref<!tpu.dma_semaphore, #tpu.memory_space<semaphore_mem>>, %arg22: memref<!tpu.dma_semaphore, #tpu.memory_space<semaphore_mem>>, %arg23: memref<!tpu.dma_semaphore, #tpu.memory_space<semaphore_mem>>, %arg24: memref<!tpu.dma_semaphore, #tpu.memory_space<semaphore_mem>>, %arg25: memref<!tpu.dma_semaphore, #tpu.memory_space<semaphore_mem>>, %arg26: memref<!tpu.dma_semaphore, #tpu.memory_space<semaphore_mem>>) attributes {dimension_semantics = [#tpu.dimension_semantics<core_parallel>, #tpu.dimension_semantics<subcore_parallel>], iteration_bounds = array<i64: 2, 16>, scalar_prefetch = 0 : i64, scratch_operands = 20 : i64, tpu.core_type = #tpu.core_type<sc_vector_subcore>, window_params = [{transform_indices = #map}, {transform_indices = #map}, {transform_indices = #map1}, {transform_indices = #map1}, {transform_indices = #map}]} {
    %mul3A = arith.constant 2 : i32
    %mul3A_0 = arith.muli %arg1, %mul3A : i32
    %add3A = arith.addi %mul3A_0, %arg0 : i32
    %mul3A_1 = arith.constant 10000 : i32
    %mul3A_2 = arith.muli %add3A, %mul3A_1 : i32
    %broadcast_in_dim3A = arith.constant 0.000000e+00 : f32
    %broadcast_in_dim3A_3 = vector.broadcast %broadcast_in_dim3A : f32 to vector<16xf32>
    %iota3A = tpu.iota {dimensions = array<i32: 0>} : vector<16xi32>
    %eq3A = arith.constant 0 : i32
    %eq3A_4 = vector.broadcast %eq3A : i32 to vector<16xi32>
    %eq3A_5 = arith.cmpi eq, %iota3A, %eq3A_4 : vector<16xi32>
    %jit3A = arith.constant 1.000000e+00 : f32
    %jit3A_6 = arith.constant 0.000000e+00 : f32
    %broadcast_in_dim3A_7 = vector.broadcast %jit3A : f32 to vector<16xf32>
    %broadcast_in_dim3A_8 = vector.broadcast %jit3A_6 : f32 to vector<16xf32>
    %select_n3A = arith.select %eq3A_5, %broadcast_in_dim3A_7, %broadcast_in_dim3A_8 : vector<16xi1>, vector<16xf32>
    %scan3A = arith.constant 0 : i32
    %scan3A_9 = arith.constant 0 : i32
    %scan3A_10 = arith.constant 40 : i32
    %scan3A_11 = arith.addi %scan3A_9, %scan3A_10 : i32
    %scan3A_12 = arith.constant 1 : i32
    %scan3A_13 = scf.for %scan3A_168 = %scan3A_9 to %scan3A_11 step %scan3A_12 iter_args(%scan3A_169 = %scan3A) -> (i32)  : i32 {
      %swap3A = arith.index_cast %scan3A_168 : i32 to index
      %swap3A_170 = arith.constant 128 : index
      %swap3A_171 = tpu.vector_load %arg18[%swap3A, %swap3A_170] {strides = array<i32>} : memref<40x144xf32, #tpu.memory_space<vmem>>, vector<16xf32>,
      tpu.vector_store %arg18[%swap3A, %swap3A_170], %select_n3A {strides = array<i32>} : memref<40x144xf32, #tpu.memory_space<vmem>>, vector<16xf32>,
      %swap3A_172 = arith.index_cast %scan3A_168 : i32 to index
      %swap3A_173 = arith.constant 128 : index
      %swap3A_174 = tpu.vector_load %arg19[%swap3A_172, %swap3A_173] {strides = array<i32>} : memref<40x144xf32, #tpu.memory_space<vmem>>, vector<16xf32>,
      tpu.vector_store %arg19[%swap3A_172, %swap3A_173], %select_n3A {strides = array<i32>} : memref<40x144xf32, #tpu.memory_space<vmem>>, vector<16xf32>,
      %scan3A_175 = arith.constant 0 : i32
      scf.yield %scan3A_175 : i32
    }
    %scan3A_14 = arith.constant 40 : i32
    %add3A_15 = arith.constant 0 : i32
    %add3A_16 = arith.addi %mul3A_2, %add3A_15 : i32
    %multiple_of3A = tpu.assume_multiple %add3A_16, 8 : i32
    %dma_start3A = tpu.memref_slice %arg4[%multiple_of3A] : memref<320000xi32, #tpu.memory_space<hbm>> -> memref<40xi32, #tpu.memory_space<hbm>>
    %dma_start3A_17 = tpu.memref_slice %arg4[%multiple_of3A] : memref<320000xi32, #tpu.memory_space<hbm>> -> memref<40xi32, #tpu.memory_space<hbm>>
    tpu.enqueue_dma source(%dma_start3A_17 : memref<40xi32, #tpu.memory_space<hbm>>) target(%arg8 : memref<40xi32, #tpu.memory_space<vmem>>) target_semaphore(%arg21 : memref<!tpu.dma_semaphore, #tpu.memory_space<semaphore_mem>>)
    %dma_start3A_18 = tpu.memref_slice %arg5[%multiple_of3A] : memref<320000xi32, #tpu.memory_space<hbm>> -> memref<40xi32, #tpu.memory_space<hbm>>
    %dma_start3A_19 = tpu.memref_slice %arg5[%multiple_of3A] : memref<320000xi32, #tpu.memory_space<hbm>> -> memref<40xi32, #tpu.memory_space<hbm>>
    tpu.enqueue_dma source(%dma_start3A_19 : memref<40xi32, #tpu.memory_space<hbm>>) target(%arg10 : memref<40xi32, #tpu.memory_space<vmem>>) target_semaphore(%arg21 : memref<!tpu.dma_semaphore, #tpu.memory_space<semaphore_mem>>)
    %add3A_20 = arith.constant 40 : i32
    %add3A_21 = arith.addi %mul3A_2, %add3A_20 : i32
    %multiple_of3A_22 = tpu.assume_multiple %add3A_21, 8 : i32
    %dma_start3A_23 = tpu.memref_slice %arg4[%multiple_of3A_22] : memref<320000xi32, #tpu.memory_space<hbm>> -> memref<40xi32, #tpu.memory_space<hbm>>
    %dma_start3A_24 = tpu.memref_slice %arg4[%multiple_of3A_22] : memref<320000xi32, #tpu.memory_space<hbm>> -> memref<40xi32, #tpu.memory_space<hbm>>
    tpu.enqueue_dma source(%dma_start3A_24 : memref<40xi32, #tpu.memory_space<hbm>>) target(%arg9 : memref<40xi32, #tpu.memory_space<vmem>>) target_semaphore(%arg22 : memref<!tpu.dma_semaphore, #tpu.memory_space<semaphore_mem>>)
    %dma_start3A_25 = tpu.memref_slice %arg5[%multiple_of3A_22] : memref<320000xi32, #tpu.memory_space<hbm>> -> memref<40xi32, #tpu.memory_space<hbm>>
    %dma_start3A_26 = tpu.memref_slice %arg5[%multiple_of3A_22] : memref<320000xi32, #tpu.memory_space<hbm>> -> memref<40xi32, #tpu.memory_space<hbm>>
    tpu.enqueue_dma source(%dma_start3A_26 : memref<40xi32, #tpu.memory_space<hbm>>) target(%arg11 : memref<40xi32, #tpu.memory_space<vmem>>) target_semaphore(%arg22 : memref<!tpu.dma_semaphore, #tpu.memory_space<semaphore_mem>>)
    %scan3A_27 = arith.constant 0 : i32
    %scan3A_28 = arith.constant 0 : i32
    %scan3A_29 = arith.constant 25 : i32
    %scan3A_30 = arith.addi %scan3A_28, %scan3A_29 : i32
    %scan3A_31 = arith.constant 1 : i32
    %scan3A_32 = scf.for %scan3A_168 = %scan3A_28 to %scan3A_30 step %scan3A_31 iter_args(%scan3A_169 = %scan3A_27) -> (i32)  : i32 {
      %swap3A = arith.index_cast %scan3A_168 : i32 to index
      %swap3A_170 = arith.constant 0 : index
      %swap3A_171 = tpu.vector_load %arg20[%swap3A, %swap3A_170] {strides = array<i32>} : memref<25x144xf32, #tpu.memory_space<vmem>>, vector<16xf32>,
      tpu.vector_store %arg20[%swap3A, %swap3A_170], %broadcast_in_dim3A_3 {strides = array<i32>} : memref<25x144xf32, #tpu.memory_space<vmem>>, vector<16xf32>,
      %swap3A_172 = arith.index_cast %scan3A_168 : i32 to index
      %swap3A_173 = arith.constant 16 : index
      %swap3A_174 = tpu.vector_load %arg20[%swap3A_172, %swap3A_173] {strides = array<i32>} : memref<25x144xf32, #tpu.memory_space<vmem>>, vector<16xf32>,
      tpu.vector_store %arg20[%swap3A_172, %swap3A_173], %broadcast_in_dim3A_3 {strides = array<i32>} : memref<25x144xf32, #tpu.memory_space<vmem>>, vector<16xf32>,
      %swap3A_175 = arith.index_cast %scan3A_168 : i32 to index
      %swap3A_176 = arith.constant 32 : index
      %swap3A_177 = tpu.vector_load %arg20[%swap3A_175, %swap3A_176] {strides = array<i32>} : memref<25x144xf32, #tpu.memory_space<vmem>>, vector<16xf32>,
      tpu.vector_store %arg20[%swap3A_175, %swap3A_176], %broadcast_in_dim3A_3 {strides = array<i32>} : memref<25x144xf32, #tpu.memory_space<vmem>>, vector<16xf32>,
      %swap3A_178 = arith.index_cast %scan3A_168 : i32 to index
      %swap3A_179 = arith.constant 48 : index
      %swap3A_180 = tpu.vector_load %arg20[%swap3A_178, %swap3A_179] {strides = array<i32>} : memref<25x144xf32, #tpu.memory_space<vmem>>, vector<16xf32>,
      tpu.vector_store %arg20[%swap3A_178, %swap3A_179], %broadcast_in_dim3A_3 {strides = array<i32>} : memref<25x144xf32, #tpu.memory_space<vmem>>, vector<16xf32>,
      %swap3A_181 = arith.index_cast %scan3A_168 : i32 to index
      %swap3A_182 = arith.constant 64 : index
      %swap3A_183 = tpu.vector_load %arg20[%swap3A_181, %swap3A_182] {strides = array<i32>} : memref<25x144xf32, #tpu.memory_space<vmem>>, vector<16xf32>,
      tpu.vector_store %arg20[%swap3A_181, %swap3A_182], %broadcast_in_dim3A_3 {strides = array<i32>} : memref<25x144xf32, #tpu.memory_space<vmem>>, vector<16xf32>,
      %swap3A_184 = arith.index_cast %scan3A_168 : i32 to index
      %swap3A_185 = arith.constant 80 : index
      %swap3A_186 = tpu.vector_load %arg20[%swap3A_184, %swap3A_185] {strides = array<i32>} : memref<25x144xf32, #tpu.memory_space<vmem>>, vector<16xf32>,
      tpu.vector_store %arg20[%swap3A_184, %swap3A_185], %broadcast_in_dim3A_3 {strides = array<i32>} : memref<25x144xf32, #tpu.memory_space<vmem>>, vector<16xf32>,
      %swap3A_187 = arith.index_cast %scan3A_168 : i32 to index
      %swap3A_188 = arith.constant 96 : index
      %swap3A_189 = tpu.vector_load %arg20[%swap3A_187, %swap3A_188] {strides = array<i32>} : memref<25x144xf32, #tpu.memory_space<vmem>>, vector<16xf32>,
      tpu.vector_store %arg20[%swap3A_187, %swap3A_188], %broadcast_in_dim3A_3 {strides = array<i32>} : memref<25x144xf32, #tpu.memory_space<vmem>>, vector<16xf32>,
      %swap3A_190 = arith.index_cast %scan3A_168 : i32 to index
      %swap3A_191 = arith.constant 112 : index
      %swap3A_192 = tpu.vector_load %arg20[%swap3A_190, %swap3A_191] {strides = array<i32>} : memref<25x144xf32, #tpu.memory_space<vmem>>, vector<16xf32>,
      tpu.vector_store %arg20[%swap3A_190, %swap3A_191], %broadcast_in_dim3A_3 {strides = array<i32>} : memref<25x144xf32, #tpu.memory_space<vmem>>, vector<16xf32>,
      %swap3A_193 = arith.index_cast %scan3A_168 : i32 to index
      %swap3A_194 = arith.constant 128 : index
      %swap3A_195 = tpu.vector_load %arg20[%swap3A_193, %swap3A_194] {strides = array<i32>} : memref<25x144xf32, #tpu.memory_space<vmem>>, vector<16xf32>,
      tpu.vector_store %arg20[%swap3A_193, %swap3A_194], %broadcast_in_dim3A_3 {strides = array<i32>} : memref<25x144xf32, #tpu.memory_space<vmem>>, vector<16xf32>,
      %scan3A_196 = arith.constant 0 : i32
      scf.yield %scan3A_196 : i32
    }
    %scan3A_33 = arith.constant 25 : i32
    %mul3A_34 = arith.constant 625 : i32
    %mul3A_35 = arith.muli %arg1, %mul3A_34 : i32
    %add3A_36 = arith.constant 0 : i32
    %add3A_37 = arith.addi %mul3A_35, %add3A_36 : i32
    "tpu.region"() ({
      %run_scoped3A = tpu.sem_alloc : memref<!tpu.dma_semaphore, #tpu.memory_space<semaphore_mem>>
      %dma_start3A_168 = arith.constant 0 : i32
      %dma_start3A_169 = tpu.memref_slice %arg7[%add3A_37, %dma_start3A_168] : memref<10000x144xf32, #tpu.memory_space<vmem_shared>> -> memref<25x144xf32, #tpu.memory_space<vmem_shared>>
      %dma_start3A_170 = arith.constant 0 : i32
      %dma_start3A_171 = tpu.memref_slice %arg7[%add3A_37, %dma_start3A_170] : memref<10000x144xf32, #tpu.memory_space<vmem_shared>> -> memref<25x144xf32, #tpu.memory_space<vmem_shared>>
      tpu.enqueue_dma source(%arg20 : memref<25x144xf32, #tpu.memory_space<vmem>>) target(%dma_start3A_171 : memref<25x144xf32, #tpu.memory_space<vmem_shared>>) target_semaphore(%run_scoped3A : memref<!tpu.dma_semaphore, #tpu.memory_space<semaphore_mem>>)
      %dma_wait3A_172 = arith.constant 0 : i32
      %dma_wait3A_173 = tpu.memref_slice %arg7[%add3A_37, %dma_wait3A_172] : memref<10000x144xf32, #tpu.memory_space<vmem_shared>> -> memref<25x144xf32, #tpu.memory_space<vmem_shared>>
      %dma_wait3A_174 = arith.constant 0 : i32
      %dma_wait3A_175 = tpu.memref_slice %arg7[%add3A_37, %dma_wait3A_174] : memref<10000x144xf32, #tpu.memory_space<vmem_shared>> -> memref<25x144xf32, #tpu.memory_space<vmem_shared>>
      tpu.wait_dma2 semaphore(%run_scoped3A : memref<!tpu.dma_semaphore, #tpu.memory_space<semaphore_mem>>) src(%arg20 : memref<25x144xf32, #tpu.memory_space<vmem>>) dst(%dma_wait3A_175 : memref<25x144xf32, #tpu.memory_space<vmem_shared>>)
      tpu.yield
    }) : () -> ()
    %mul3A_38 = arith.constant 625 : i32
    %mul3A_39 = arith.muli %arg1, %mul3A_38 : i32
    %add3A_40 = arith.constant 25 : i32
    %add3A_41 = arith.addi %mul3A_39, %add3A_40 : i32
    "tpu.region"() ({
      %run_scoped3A = tpu.sem_alloc : memref<!tpu.dma_semaphore, #tpu.memory_space<semaphore_mem>>
      %dma_start3A_168 = arith.constant 0 : i32
      %dma_start3A_169 = tpu.memref_slice %arg7[%add3A_41, %dma_start3A_168] : memref<10000x144xf32, #tpu.memory_space<vmem_shared>> -> memref<25x144xf32, #tpu.memory_space<vmem_shared>>
      %dma_start3A_170 = arith.constant 0 : i32
      %dma_start3A_171 = tpu.memref_slice %arg7[%add3A_41, %dma_start3A_170] : memref<10000x144xf32, #tpu.memory_space<vmem_shared>> -> memref<25x144xf32, #tpu.memory_space<vmem_shared>>
      tpu.enqueue_dma source(%arg20 : memref<25x144xf32, #tpu.memory_space<vmem>>) target(%dma_start3A_171 : memref<25x144xf32, #tpu.memory_space<vmem_shared>>) target_semaphore(%run_scoped3A : memref<!tpu.dma_semaphore, #tpu.memory_space<semaphore_mem>>)
      %dma_wait3A_172 = arith.constant 0 : i32
      %dma_wait3A_173 = tpu.memref_slice %arg7[%add3A_41, %dma_wait3A_172] : memref<10000x144xf32, #tpu.memory_space<vmem_shared>> -> memref<25x144xf32, #tpu.memory_space<vmem_shared>>
      %dma_wait3A_174 = arith.constant 0 : i32
      %dma_wait3A_175 = tpu.memref_slice %arg7[%add3A_41, %dma_wait3A_174] : memref<10000x144xf32, #tpu.memory_space<vmem_shared>> -> memref<25x144xf32, #tpu.memory_space<vmem_shared>>
      tpu.wait_dma2 semaphore(%run_scoped3A : memref<!tpu.dma_semaphore, #tpu.memory_space<semaphore_mem>>) src(%arg20 : memref<25x144xf32, #tpu.memory_space<vmem>>) dst(%dma_wait3A_175 : memref<25x144xf32, #tpu.memory_space<vmem_shared>>)
      tpu.yield
    }) : () -> ()
    %mul3A_42 = arith.constant 625 : i32
    %mul3A_43 = arith.muli %arg1, %mul3A_42 : i32
    %add3A_44 = arith.constant 50 : i32
    %add3A_45 = arith.addi %mul3A_43, %add3A_44 : i32
    "tpu.region"() ({
      %run_scoped3A = tpu.sem_alloc : memref<!tpu.dma_semaphore, #tpu.memory_space<semaphore_mem>>
      %dma_start3A_168 = arith.constant 0 : i32
      %dma_start3A_169 = tpu.memref_slice %arg7[%add3A_45, %dma_start3A_168] : memref<10000x144xf32, #tpu.memory_space<vmem_shared>> -> memref<25x144xf32, #tpu.memory_space<vmem_shared>>
      %dma_start3A_170 = arith.constant 0 : i32
      %dma_start3A_171 = tpu.memref_slice %arg7[%add3A_45, %dma_start3A_170] : memref<10000x144xf32, #tpu.memory_space<vmem_shared>> -> memref<25x144xf32, #tpu.memory_space<vmem_shared>>
      tpu.enqueue_dma source(%arg20 : memref<25x144xf32, #tpu.memory_space<vmem>>) target(%dma_start3A_171 : memref<25x144xf32, #tpu.memory_space<vmem_shared>>) target_semaphore(%run_scoped3A : memref<!tpu.dma_semaphore, #tpu.memory_space<semaphore_mem>>)
      %dma_wait3A_172 = arith.constant 0 : i32
      %dma_wait3A_173 = tpu.memref_slice %arg7[%add3A_45, %dma_wait3A_172] : memref<10000x144xf32, #tpu.memory_space<vmem_shared>> -> memref<25x144xf32, #tpu.memory_space<vmem_shared>>
      %dma_wait3A_174 = arith.constant 0 : i32
      %dma_wait3A_175 = tpu.memref_slice %arg7[%add3A_45, %dma_wait3A_174] : memref<10000x144xf32, #tpu.memory_space<vmem_shared>> -> memref<25x144xf32, #tpu.memory_space<vmem_shared>>
      tpu.wait_dma2 semaphore(%run_scoped3A : memref<!tpu.dma_semaphore, #tpu.memory_space<semaphore_mem>>) src(%arg20 : memref<25x144xf32, #tpu.memory_space<vmem>>) dst(%dma_wait3A_175 : memref<25x144xf32, #tpu.memory_space<vmem_shared>>)
      tpu.yield
    }) : () -> ()
    %mul3A_46 = arith.constant 625 : i32
    %mul3A_47 = arith.muli %arg1, %mul3A_46 : i32
    %add3A_48 = arith.constant 75 : i32
    %add3A_49 = arith.addi %mul3A_47, %add3A_48 : i32
    "tpu.region"() ({
      %run_scoped3A = tpu.sem_alloc : memref<!tpu.dma_semaphore, #tpu.memory_space<semaphore_mem>>
      %dma_start3A_168 = arith.constant 0 : i32
      %dma_start3A_169 = tpu.memref_slice %arg7[%add3A_49, %dma_start3A_168] : memref<10000x144xf32, #tpu.memory_space<vmem_shared>> -> memref<25x144xf32, #tpu.memory_space<vmem_shared>>
      %dma_start3A_170 = arith.constant 0 : i32
      %dma_start3A_171 = tpu.memref_slice %arg7[%add3A_49, %dma_start3A_170] : memref<10000x144xf32, #tpu.memory_space<vmem_shared>> -> memref<25x144xf32, #tpu.memory_space<vmem_shared>>
      tpu.enqueue_dma source(%arg20 : memref<25x144xf32, #tpu.memory_space<vmem>>) target(%dma_start3A_171 : memref<25x144xf32, #tpu.memory_space<vmem_shared>>) target_semaphore(%run_scoped3A : memref<!tpu.dma_semaphore, #tpu.memory_space<semaphore_mem>>)
      %dma_wait3A_172 = arith.constant 0 : i32
      %dma_wait3A_173 = tpu.memref_slice %arg7[%add3A_49, %dma_wait3A_172] : memref<10000x144xf32, #tpu.memory_space<vmem_shared>> -> memref<25x144xf32, #tpu.memory_space<vmem_shared>>
      %dma_wait3A_174 = arith.constant 0 : i32
      %dma_wait3A_175 = tpu.memref_slice %arg7[%add3A_49, %dma_wait3A_174] : memref<10000x144xf32, #tpu.memory_space<vmem_shared>> -> memref<25x144xf32, #tpu.memory_space<vmem_shared>>
      tpu.wait_dma2 semaphore(%run_scoped3A : memref<!tpu.dma_semaphore, #tpu.memory_space<semaphore_mem>>) src(%arg20 : memref<25x144xf32, #tpu.memory_space<vmem>>) dst(%dma_wait3A_175 : memref<25x144xf32, #tpu.memory_space<vmem_shared>>)
      tpu.yield
    }) : () -> ()
    %mul3A_50 = arith.constant 625 : i32
    %mul3A_51 = arith.muli %arg1, %mul3A_50 : i32
    %add3A_52 = arith.constant 100 : i32
    %add3A_53 = arith.addi %mul3A_51, %add3A_52 : i32
    "tpu.region"() ({
      %run_scoped3A = tpu.sem_alloc : memref<!tpu.dma_semaphore, #tpu.memory_space<semaphore_mem>>
      %dma_start3A_168 = arith.constant 0 : i32
      %dma_start3A_169 = tpu.memref_slice %arg7[%add3A_53, %dma_start3A_168] : memref<10000x144xf32, #tpu.memory_space<vmem_shared>> -> memref<25x144xf32, #tpu.memory_space<vmem_shared>>
      %dma_start3A_170 = arith.constant 0 : i32
      %dma_start3A_171 = tpu.memref_slice %arg7[%add3A_53, %dma_start3A_170] : memref<10000x144xf32, #tpu.memory_space<vmem_shared>> -> memref<25x144xf32, #tpu.memory_space<vmem_shared>>
      tpu.enqueue_dma source(%arg20 : memref<25x144xf32, #tpu.memory_space<vmem>>) target(%dma_start3A_171 : memref<25x144xf32, #tpu.memory_space<vmem_shared>>) target_semaphore(%run_scoped3A : memref<!tpu.dma_semaphore, #tpu.memory_space<semaphore_mem>>)
      %dma_wait3A_172 = arith.constant 0 : i32
      %dma_wait3A_173 = tpu.memref_slice %arg7[%add3A_53, %dma_wait3A_172] : memref<10000x144xf32, #tpu.memory_space<vmem_shared>> -> memref<25x144xf32, #tpu.memory_space<vmem_shared>>
      %dma_wait3A_174 = arith.constant 0 : i32
      %dma_wait3A_175 = tpu.memref_slice %arg7[%add3A_53, %dma_wait3A_174] : memref<10000x144xf32, #tpu.memory_space<vmem_shared>> -> memref<25x144xf32, #tpu.memory_space<vmem_shared>>
      tpu.wait_dma2 semaphore(%run_scoped3A : memref<!tpu.dma_semaphore, #tpu.memory_space<semaphore_mem>>) src(%arg20 : memref<25x144xf32, #tpu.memory_space<vmem>>) dst(%dma_wait3A_175 : memref<25x144xf32, #tpu.memory_space<vmem_shared>>)
      tpu.yield
    }) : () -> ()
    %mul3A_54 = arith.constant 625 : i32
    %mul3A_55 = arith.muli %arg1, %mul3A_54 : i32
    %add3A_56 = arith.constant 125 : i32
    %add3A_57 = arith.addi %mul3A_55, %add3A_56 : i32
    "tpu.region"() ({
      %run_scoped3A = tpu.sem_alloc : memref<!tpu.dma_semaphore, #tpu.memory_space<semaphore_mem>>
      %dma_start3A_168 = arith.constant 0 : i32
      %dma_start3A_169 = tpu.memref_slice %arg7[%add3A_57, %dma_start3A_168] : memref<10000x144xf32, #tpu.memory_space<vmem_shared>> -> memref<25x144xf32, #tpu.memory_space<vmem_shared>>
      %dma_start3A_170 = arith.constant 0 : i32
      %dma_start3A_171 = tpu.memref_slice %arg7[%add3A_57, %dma_start3A_170] : memref<10000x144xf32, #tpu.memory_space<vmem_shared>> -> memref<25x144xf32, #tpu.memory_space<vmem_shared>>
      tpu.enqueue_dma source(%arg20 : memref<25x144xf32, #tpu.memory_space<vmem>>) target(%dma_start3A_171 : memref<25x144xf32, #tpu.memory_space<vmem_shared>>) target_semaphore(%run_scoped3A : memref<!tpu.dma_semaphore, #tpu.memory_space<semaphore_mem>>)
      %dma_wait3A_172 = arith.constant 0 : i32
      %dma_wait3A_173 = tpu.memref_slice %arg7[%add3A_57, %dma_wait3A_172] : memref<10000x144xf32, #tpu.memory_space<vmem_shared>> -> memref<25x144xf32, #tpu.memory_space<vmem_shared>>
      %dma_wait3A_174 = arith.constant 0 : i32
      %dma_wait3A_175 = tpu.memref_slice %arg7[%add3A_57, %dma_wait3A_174] : memref<10000x144xf32, #tpu.memory_space<vmem_shared>> -> memref<25x144xf32, #tpu.memory_space<vmem_shared>>
      tpu.wait_dma2 semaphore(%run_scoped3A : memref<!tpu.dma_semaphore, #tpu.memory_space<semaphore_mem>>) src(%arg20 : memref<25x144xf32, #tpu.memory_space<vmem>>) dst(%dma_wait3A_175 : memref<25x144xf32, #tpu.memory_space<vmem_shared>>)
      tpu.yield
    }) : () -> ()
    %mul3A_58 = arith.constant 625 : i32
    %mul3A_59 = arith.muli %arg1, %mul3A_58 : i32
    %add3A_60 = arith.constant 150 : i32
    %add3A_61 = arith.addi %mul3A_59, %add3A_60 : i32
    "tpu.region"() ({
      %run_scoped3A = tpu.sem_alloc : memref<!tpu.dma_semaphore, #tpu.memory_space<semaphore_mem>>
      %dma_start3A_168 = arith.constant 0 : i32
      %dma_start3A_169 = tpu.memref_slice %arg7[%add3A_61, %dma_start3A_168] : memref<10000x144xf32, #tpu.memory_space<vmem_shared>> -> memref<25x144xf32, #tpu.memory_space<vmem_shared>>
      %dma_start3A_170 = arith.constant 0 : i32
      %dma_start3A_171 = tpu.memref_slice %arg7[%add3A_61, %dma_start3A_170] : memref<10000x144xf32, #tpu.memory_space<vmem_shared>> -> memref<25x144xf32, #tpu.memory_space<vmem_shared>>
      tpu.enqueue_dma source(%arg20 : memref<25x144xf32, #tpu.memory_space<vmem>>) target(%dma_start3A_171 : memref<25x144xf32, #tpu.memory_space<vmem_shared>>) target_semaphore(%run_scoped3A : memref<!tpu.dma_semaphore, #tpu.memory_space<semaphore_mem>>)
      %dma_wait3A_172 = arith.constant 0 : i32
      %dma_wait3A_173 = tpu.memref_slice %arg7[%add3A_61, %dma_wait3A_172] : memref<10000x144xf32, #tpu.memory_space<vmem_shared>> -> memref<25x144xf32, #tpu.memory_space<vmem_shared>>
      %dma_wait3A_174 = arith.constant 0 : i32
      %dma_wait3A_175 = tpu.memref_slice %arg7[%add3A_61, %dma_wait3A_174] : memref<10000x144xf32, #tpu.memory_space<vmem_shared>> -> memref<25x144xf32, #tpu.memory_space<vmem_shared>>
      tpu.wait_dma2 semaphore(%run_scoped3A : memref<!tpu.dma_semaphore, #tpu.memory_space<semaphore_mem>>) src(%arg20 : memref<25x144xf32, #tpu.memory_space<vmem>>) dst(%dma_wait3A_175 : memref<25x144xf32, #tpu.memory_space<vmem_shared>>)
      tpu.yield
    }) : () -> ()
    %mul3A_62 = arith.constant 625 : i32
    %mul3A_63 = arith.muli %arg1, %mul3A_62 : i32
    %add3A_64 = arith.constant 175 : i32
    %add3A_65 = arith.addi %mul3A_63, %add3A_64 : i32
    "tpu.region"() ({
      %run_scoped3A = tpu.sem_alloc : memref<!tpu.dma_semaphore, #tpu.memory_space<semaphore_mem>>
      %dma_start3A_168 = arith.constant 0 : i32
      %dma_start3A_169 = tpu.memref_slice %arg7[%add3A_65, %dma_start3A_168] : memref<10000x144xf32, #tpu.memory_space<vmem_shared>> -> memref<25x144xf32, #tpu.memory_space<vmem_shared>>
      %dma_start3A_170 = arith.constant 0 : i32
      %dma_start3A_171 = tpu.memref_slice %arg7[%add3A_65, %dma_start3A_170] : memref<10000x144xf32, #tpu.memory_space<vmem_shared>> -> memref<25x144xf32, #tpu.memory_space<vmem_shared>>
      tpu.enqueue_dma source(%arg20 : memref<25x144xf32, #tpu.memory_space<vmem>>) target(%dma_start3A_171 : memref<25x144xf32, #tpu.memory_space<vmem_shared>>) target_semaphore(%run_scoped3A : memref<!tpu.dma_semaphore, #tpu.memory_space<semaphore_mem>>)
      %dma_wait3A_172 = arith.constant 0 : i32
      %dma_wait3A_173 = tpu.memref_slice %arg7[%add3A_65, %dma_wait3A_172] : memref<10000x144xf32, #tpu.memory_space<vmem_shared>> -> memref<25x144xf32, #tpu.memory_space<vmem_shared>>
      %dma_wait3A_174 = arith.constant 0 : i32
      %dma_wait3A_175 = tpu.memref_slice %arg7[%add3A_65, %dma_wait3A_174] : memref<10000x144xf32, #tpu.memory_space<vmem_shared>> -> memref<25x144xf32, #tpu.memory_space<vmem_shared>>
      tpu.wait_dma2 semaphore(%run_scoped3A : memref<!tpu.dma_semaphore, #tpu.memory_space<semaphore_mem>>) src(%arg20 : memref<25x144xf32, #tpu.memory_space<vmem>>) dst(%dma_wait3A_175 : memref<25x144xf32, #tpu.memory_space<vmem_shared>>)
      tpu.yield
    }) : () -> ()
    %mul3A_66 = arith.constant 625 : i32
    %mul3A_67 = arith.muli %arg1, %mul3A_66 : i32
    %add3A_68 = arith.constant 200 : i32
    %add3A_69 = arith.addi %mul3A_67, %add3A_68 : i32
    "tpu.region"() ({
      %run_scoped3A = tpu.sem_alloc : memref<!tpu.dma_semaphore, #tpu.memory_space<semaphore_mem>>
      %dma_start3A_168 = arith.constant 0 : i32
      %dma_start3A_169 = tpu.memref_slice %arg7[%add3A_69, %dma_start3A_168] : memref<10000x144xf32, #tpu.memory_space<vmem_shared>> -> memref<25x144xf32, #tpu.memory_space<vmem_shared>>
      %dma_start3A_170 = arith.constant 0 : i32
      %dma_start3A_171 = tpu.memref_slice %arg7[%add3A_69, %dma_start3A_170] : memref<10000x144xf32, #tpu.memory_space<vmem_shared>> -> memref<25x144xf32, #tpu.memory_space<vmem_shared>>
      tpu.enqueue_dma source(%arg20 : memref<25x144xf32, #tpu.memory_space<vmem>>) target(%dma_start3A_171 : memref<25x144xf32, #tpu.memory_space<vmem_shared>>) target_semaphore(%run_scoped3A : memref<!tpu.dma_semaphore, #tpu.memory_space<semaphore_mem>>)
      %dma_wait3A_172 = arith.constant 0 : i32
      %dma_wait3A_173 = tpu.memref_slice %arg7[%add3A_69, %dma_wait3A_172] : memref<10000x144xf32, #tpu.memory_space<vmem_shared>> -> memref<25x144xf32, #tpu.memory_space<vmem_shared>>
      %dma_wait3A_174 = arith.constant 0 : i32
      %dma_wait3A_175 = tpu.memref_slice %arg7[%add3A_69, %dma_wait3A_174] : memref<10000x144xf32, #tpu.memory_space<vmem_shared>> -> memref<25x144xf32, #tpu.memory_space<vmem_shared>>
      tpu.wait_dma2 semaphore(%run_scoped3A : memref<!tpu.dma_semaphore, #tpu.memory_space<semaphore_mem>>) src(%arg20 : memref<25x144xf32, #tpu.memory_space<vmem>>) dst(%dma_wait3A_175 : memref<25x144xf32, #tpu.memory_space<vmem_shared>>)
      tpu.yield
    }) : () -> ()
    %mul3A_70 = arith.constant 625 : i32
    %mul3A_71 = arith.muli %arg1, %mul3A_70 : i32
    %add3A_72 = arith.constant 225 : i32
    %add3A_73 = arith.addi %mul3A_71, %add3A_72 : i32
    "tpu.region"() ({
      %run_scoped3A = tpu.sem_alloc : memref<!tpu.dma_semaphore, #tpu.memory_space<semaphore_mem>>
      %dma_start3A_168 = arith.constant 0 : i32
      %dma_start3A_169 = tpu.memref_slice %arg7[%add3A_73, %dma_start3A_168] : memref<10000x144xf32, #tpu.memory_space<vmem_shared>> -> memref<25x144xf32, #tpu.memory_space<vmem_shared>>
      %dma_start3A_170 = arith.constant 0 : i32
      %dma_start3A_171 = tpu.memref_slice %arg7[%add3A_73, %dma_start3A_170] : memref<10000x144xf32, #tpu.memory_space<vmem_shared>> -> memref<25x144xf32, #tpu.memory_space<vmem_shared>>
      tpu.enqueue_dma source(%arg20 : memref<25x144xf32, #tpu.memory_space<vmem>>) target(%dma_start3A_171 : memref<25x144xf32, #tpu.memory_space<vmem_shared>>) target_semaphore(%run_scoped3A : memref<!tpu.dma_semaphore, #tpu.memory_space<semaphore_mem>>)
      %dma_wait3A_172 = arith.constant 0 : i32
      %dma_wait3A_173 = tpu.memref_slice %arg7[%add3A_73, %dma_wait3A_172] : memref<10000x144xf32, #tpu.memory_space<vmem_shared>> -> memref<25x144xf32, #tpu.memory_space<vmem_shared>>
      %dma_wait3A_174 = arith.constant 0 : i32
      %dma_wait3A_175 = tpu.memref_slice %arg7[%add3A_73, %dma_wait3A_174] : memref<10000x144xf32, #tpu.memory_space<vmem_shared>> -> memref<25x144xf32, #tpu.memory_space<vmem_shared>>
      tpu.wait_dma2 semaphore(%run_scoped3A : memref<!tpu.dma_semaphore, #tpu.memory_space<semaphore_mem>>) src(%arg20 : memref<25x144xf32, #tpu.memory_space<vmem>>) dst(%dma_wait3A_175 : memref<25x144xf32, #tpu.memory_space<vmem_shared>>)
      tpu.yield
    }) : () -> ()
    %mul3A_74 = arith.constant 625 : i32
    %mul3A_75 = arith.muli %arg1, %mul3A_74 : i32
    %add3A_76 = arith.constant 250 : i32
    %add3A_77 = arith.addi %mul3A_75, %add3A_76 : i32
    "tpu.region"() ({
      %run_scoped3A = tpu.sem_alloc : memref<!tpu.dma_semaphore, #tpu.memory_space<semaphore_mem>>
      %dma_start3A_168 = arith.constant 0 : i32
      %dma_start3A_169 = tpu.memref_slice %arg7[%add3A_77, %dma_start3A_168] : memref<10000x144xf32, #tpu.memory_space<vmem_shared>> -> memref<25x144xf32, #tpu.memory_space<vmem_shared>>
      %dma_start3A_170 = arith.constant 0 : i32
      %dma_start3A_171 = tpu.memref_slice %arg7[%add3A_77, %dma_start3A_170] : memref<10000x144xf32, #tpu.memory_space<vmem_shared>> -> memref<25x144xf32, #tpu.memory_space<vmem_shared>>
      tpu.enqueue_dma source(%arg20 : memref<25x144xf32, #tpu.memory_space<vmem>>) target(%dma_start3A_171 : memref<25x144xf32, #tpu.memory_space<vmem_shared>>) target_semaphore(%run_scoped3A : memref<!tpu.dma_semaphore, #tpu.memory_space<semaphore_mem>>)
      %dma_wait3A_172 = arith.constant 0 : i32
      %dma_wait3A_173 = tpu.memref_slice %arg7[%add3A_77, %dma_wait3A_172] : memref<10000x144xf32, #tpu.memory_space<vmem_shared>> -> memref<25x144xf32, #tpu.memory_space<vmem_shared>>
      %dma_wait3A_174 = arith.constant 0 : i32
      %dma_wait3A_175 = tpu.memref_slice %arg7[%add3A_77, %dma_wait3A_174] : memref<10000x144xf32, #tpu.memory_space<vmem_shared>> -> memref<25x144xf32, #tpu.memory_space<vmem_shared>>
      tpu.wait_dma2 semaphore(%run_scoped3A : memref<!tpu.dma_semaphore, #tpu.memory_space<semaphore_mem>>) src(%arg20 : memref<25x144xf32, #tpu.memory_space<vmem>>) dst(%dma_wait3A_175 : memref<25x144xf32, #tpu.memory_space<vmem_shared>>)
      tpu.yield
    }) : () -> ()
    %mul3A_78 = arith.constant 625 : i32
    %mul3A_79 = arith.muli %arg1, %mul3A_78 : i32
    %add3A_80 = arith.constant 275 : i32
    %add3A_81 = arith.addi %mul3A_79, %add3A_80 : i32
    "tpu.region"() ({
      %run_scoped3A = tpu.sem_alloc : memref<!tpu.dma_semaphore, #tpu.memory_space<semaphore_mem>>
      %dma_start3A_168 = arith.constant 0 : i32
      %dma_start3A_169 = tpu.memref_slice %arg7[%add3A_81, %dma_start3A_168] : memref<10000x144xf32, #tpu.memory_space<vmem_shared>> -> memref<25x144xf32, #tpu.memory_space<vmem_shared>>
      %dma_start3A_170 = arith.constant 0 : i32
      %dma_start3A_171 = tpu.memref_slice %arg7[%add3A_81, %dma_start3A_170] : memref<10000x144xf32, #tpu.memory_space<vmem_shared>> -> memref<25x144xf32, #tpu.memory_space<vmem_shared>>
      tpu.enqueue_dma source(%arg20 : memref<25x144xf32, #tpu.memory_space<vmem>>) target(%dma_start3A_171 : memref<25x144xf32, #tpu.memory_space<vmem_shared>>) target_semaphore(%run_scoped3A : memref<!tpu.dma_semaphore, #tpu.memory_space<semaphore_mem>>)
      %dma_wait3A_172 = arith.constant 0 : i32
      %dma_wait3A_173 = tpu.memref_slice %arg7[%add3A_81, %dma_wait3A_172] : memref<10000x144xf32, #tpu.memory_space<vmem_shared>> -> memref<25x144xf32, #tpu.memory_space<vmem_shared>>
      %dma_wait3A_174 = arith.constant 0 : i32
      %dma_wait3A_175 = tpu.memref_slice %arg7[%add3A_81, %dma_wait3A_174] : memref<10000x144xf32, #tpu.memory_space<vmem_shared>> -> memref<25x144xf32, #tpu.memory_space<vmem_shared>>
      tpu.wait_dma2 semaphore(%run_scoped3A : memref<!tpu.dma_semaphore, #tpu.memory_space<semaphore_mem>>) src(%arg20 : memref<25x144xf32, #tpu.memory_space<vmem>>) dst(%dma_wait3A_175 : memref<25x144xf32, #tpu.memory_space<vmem_shared>>)
      tpu.yield
    }) : () -> ()
    %mul3A_82 = arith.constant 625 : i32
    %mul3A_83 = arith.muli %arg1, %mul3A_82 : i32
    %add3A_84 = arith.constant 300 : i32
    %add3A_85 = arith.addi %mul3A_83, %add3A_84 : i32
    "tpu.region"() ({
      %run_scoped3A = tpu.sem_alloc : memref<!tpu.dma_semaphore, #tpu.memory_space<semaphore_mem>>
      %dma_start3A_168 = arith.constant 0 : i32
      %dma_start3A_169 = tpu.memref_slice %arg7[%add3A_85, %dma_start3A_168] : memref<10000x144xf32, #tpu.memory_space<vmem_shared>> -> memref<25x144xf32, #tpu.memory_space<vmem_shared>>
      %dma_start3A_170 = arith.constant 0 : i32
      %dma_start3A_171 = tpu.memref_slice %arg7[%add3A_85, %dma_start3A_170] : memref<10000x144xf32, #tpu.memory_space<vmem_shared>> -> memref<25x144xf32, #tpu.memory_space<vmem_shared>>
      tpu.enqueue_dma source(%arg20 : memref<25x144xf32, #tpu.memory_space<vmem>>) target(%dma_start3A_171 : memref<25x144xf32, #tpu.memory_space<vmem_shared>>) target_semaphore(%run_scoped3A : memref<!tpu.dma_semaphore, #tpu.memory_space<semaphore_mem>>)
      %dma_wait3A_172 = arith.constant 0 : i32
      %dma_wait3A_173 = tpu.memref_slice %arg7[%add3A_85, %dma_wait3A_172] : memref<10000x144xf32, #tpu.memory_space<vmem_shared>> -> memref<25x144xf32, #tpu.memory_space<vmem_shared>>
      %dma_wait3A_174 = arith.constant 0 : i32
      %dma_wait3A_175 = tpu.memref_slice %arg7[%add3A_85, %dma_wait3A_174] : memref<10000x144xf32, #tpu.memory_space<vmem_shared>> -> memref<25x144xf32, #tpu.memory_space<vmem_shared>>
      tpu.wait_dma2 semaphore(%run_scoped3A : memref<!tpu.dma_semaphore, #tpu.memory_space<semaphore_mem>>) src(%arg20 : memref<25x144xf32, #tpu.memory_space<vmem>>) dst(%dma_wait3A_175 : memref<25x144xf32, #tpu.memory_space<vmem_shared>>)
      tpu.yield
    }) : () -> ()
    %mul3A_86 = arith.constant 625 : i32
    %mul3A_87 = arith.muli %arg1, %mul3A_86 : i32
    %add3A_88 = arith.constant 325 : i32
    %add3A_89 = arith.addi %mul3A_87, %add3A_88 : i32
    "tpu.region"() ({
      %run_scoped3A = tpu.sem_alloc : memref<!tpu.dma_semaphore, #tpu.memory_space<semaphore_mem>>
      %dma_start3A_168 = arith.constant 0 : i32
      %dma_start3A_169 = tpu.memref_slice %arg7[%add3A_89, %dma_start3A_168] : memref<10000x144xf32, #tpu.memory_space<vmem_shared>> -> memref<25x144xf32, #tpu.memory_space<vmem_shared>>
      %dma_start3A_170 = arith.constant 0 : i32
      %dma_start3A_171 = tpu.memref_slice %arg7[%add3A_89, %dma_start3A_170] : memref<10000x144xf32, #tpu.memory_space<vmem_shared>> -> memref<25x144xf32, #tpu.memory_space<vmem_shared>>
      tpu.enqueue_dma source(%arg20 : memref<25x144xf32, #tpu.memory_space<vmem>>) target(%dma_start3A_171 : memref<25x144xf32, #tpu.memory_space<vmem_shared>>) target_semaphore(%run_scoped3A : memref<!tpu.dma_semaphore, #tpu.memory_space<semaphore_mem>>)
      %dma_wait3A_172 = arith.constant 0 : i32
      %dma_wait3A_173 = tpu.memref_slice %arg7[%add3A_89, %dma_wait3A_172] : memref<10000x144xf32, #tpu.memory_space<vmem_shared>> -> memref<25x144xf32, #tpu.memory_space<vmem_shared>>
      %dma_wait3A_174 = arith.constant 0 : i32
      %dma_wait3A_175 = tpu.memref_slice %arg7[%add3A_89, %dma_wait3A_174] : memref<10000x144xf32, #tpu.memory_space<vmem_shared>> -> memref<25x144xf32, #tpu.memory_space<vmem_shared>>
      tpu.wait_dma2 semaphore(%run_scoped3A : memref<!tpu.dma_semaphore, #tpu.memory_space<semaphore_mem>>) src(%arg20 : memref<25x144xf32, #tpu.memory_space<vmem>>) dst(%dma_wait3A_175 : memref<25x144xf32, #tpu.memory_space<vmem_shared>>)
      tpu.yield
    }) : () -> ()
    %mul3A_90 = arith.constant 625 : i32
    %mul3A_91 = arith.muli %arg1, %mul3A_90 : i32
    %add3A_92 = arith.constant 350 : i32
    %add3A_93 = arith.addi %mul3A_91, %add3A_92 : i32
    "tpu.region"() ({
      %run_scoped3A = tpu.sem_alloc : memref<!tpu.dma_semaphore, #tpu.memory_space<semaphore_mem>>
      %dma_start3A_168 = arith.constant 0 : i32
      %dma_start3A_169 = tpu.memref_slice %arg7[%add3A_93, %dma_start3A_168] : memref<10000x144xf32, #tpu.memory_space<vmem_shared>> -> memref<25x144xf32, #tpu.memory_space<vmem_shared>>
      %dma_start3A_170 = arith.constant 0 : i32
      %dma_start3A_171 = tpu.memref_slice %arg7[%add3A_93, %dma_start3A_170] : memref<10000x144xf32, #tpu.memory_space<vmem_shared>> -> memref<25x144xf32, #tpu.memory_space<vmem_shared>>
      tpu.enqueue_dma source(%arg20 : memref<25x144xf32, #tpu.memory_space<vmem>>) target(%dma_start3A_171 : memref<25x144xf32, #tpu.memory_space<vmem_shared>>) target_semaphore(%run_scoped3A : memref<!tpu.dma_semaphore, #tpu.memory_space<semaphore_mem>>)
      %dma_wait3A_172 = arith.constant 0 : i32
      %dma_wait3A_173 = tpu.memref_slice %arg7[%add3A_93, %dma_wait3A_172] : memref<10000x144xf32, #tpu.memory_space<vmem_shared>> -> memref<25x144xf32, #tpu.memory_space<vmem_shared>>
      %dma_wait3A_174 = arith.constant 0 : i32
      %dma_wait3A_175 = tpu.memref_slice %arg7[%add3A_93, %dma_wait3A_174] : memref<10000x144xf32, #tpu.memory_space<vmem_shared>> -> memref<25x144xf32, #tpu.memory_space<vmem_shared>>
      tpu.wait_dma2 semaphore(%run_scoped3A : memref<!tpu.dma_semaphore, #tpu.memory_space<semaphore_mem>>) src(%arg20 : memref<25x144xf32, #tpu.memory_space<vmem>>) dst(%dma_wait3A_175 : memref<25x144xf32, #tpu.memory_space<vmem_shared>>)
      tpu.yield
    }) : () -> ()
    %mul3A_94 = arith.constant 625 : i32
    %mul3A_95 = arith.muli %arg1, %mul3A_94 : i32
    %add3A_96 = arith.constant 375 : i32
    %add3A_97 = arith.addi %mul3A_95, %add3A_96 : i32
    "tpu.region"() ({
      %run_scoped3A = tpu.sem_alloc : memref<!tpu.dma_semaphore, #tpu.memory_space<semaphore_mem>>
      %dma_start3A_168 = arith.constant 0 : i32
      %dma_start3A_169 = tpu.memref_slice %arg7[%add3A_97, %dma_start3A_168] : memref<10000x144xf32, #tpu.memory_space<vmem_shared>> -> memref<25x144xf32, #tpu.memory_space<vmem_shared>>
      %dma_start3A_170 = arith.constant 0 : i32
      %dma_start3A_171 = tpu.memref_slice %arg7[%add3A_97, %dma_start3A_170] : memref<10000x144xf32, #tpu.memory_space<vmem_shared>> -> memref<25x144xf32, #tpu.memory_space<vmem_shared>>
      tpu.enqueue_dma source(%arg20 : memref<25x144xf32, #tpu.memory_space<vmem>>) target(%dma_start3A_171 : memref<25x144xf32, #tpu.memory_space<vmem_shared>>) target_semaphore(%run_scoped3A : memref<!tpu.dma_semaphore, #tpu.memory_space<semaphore_mem>>)
      %dma_wait3A_172 = arith.constant 0 : i32
      %dma_wait3A_173 = tpu.memref_slice %arg7[%add3A_97, %dma_wait3A_172] : memref<10000x144xf32, #tpu.memory_space<vmem_shared>> -> memref<25x144xf32, #tpu.memory_space<vmem_shared>>
      %dma_wait3A_174 = arith.constant 0 : i32
      %dma_wait3A_175 = tpu.memref_slice %arg7[%add3A_97, %dma_wait3A_174] : memref<10000x144xf32, #tpu.memory_space<vmem_shared>> -> memref<25x144xf32, #tpu.memory_space<vmem_shared>>
      tpu.wait_dma2 semaphore(%run_scoped3A : memref<!tpu.dma_semaphore, #tpu.memory_space<semaphore_mem>>) src(%arg20 : memref<25x144xf32, #tpu.memory_space<vmem>>) dst(%dma_wait3A_175 : memref<25x144xf32, #tpu.memory_space<vmem_shared>>)
      tpu.yield
    }) : () -> ()
    %mul3A_98 = arith.constant 625 : i32
    %mul3A_99 = arith.muli %arg1, %mul3A_98 : i32
    %add3A_100 = arith.constant 400 : i32
    %add3A_101 = arith.addi %mul3A_99, %add3A_100 : i32
    "tpu.region"() ({
      %run_scoped3A = tpu.sem_alloc : memref<!tpu.dma_semaphore, #tpu.memory_space<semaphore_mem>>
      %dma_start3A_168 = arith.constant 0 : i32
      %dma_start3A_169 = tpu.memref_slice %arg7[%add3A_101, %dma_start3A_168] : memref<10000x144xf32, #tpu.memory_space<vmem_shared>> -> memref<25x144xf32, #tpu.memory_space<vmem_shared>>
      %dma_start3A_170 = arith.constant 0 : i32
      %dma_start3A_171 = tpu.memref_slice %arg7[%add3A_101, %dma_start3A_170] : memref<10000x144xf32, #tpu.memory_space<vmem_shared>> -> memref<25x144xf32, #tpu.memory_space<vmem_shared>>
      tpu.enqueue_dma source(%arg20 : memref<25x144xf32, #tpu.memory_space<vmem>>) target(%dma_start3A_171 : memref<25x144xf32, #tpu.memory_space<vmem_shared>>) target_semaphore(%run_scoped3A : memref<!tpu.dma_semaphore, #tpu.memory_space<semaphore_mem>>)
      %dma_wait3A_172 = arith.constant 0 : i32
      %dma_wait3A_173 = tpu.memref_slice %arg7[%add3A_101, %dma_wait3A_172] : memref<10000x144xf32, #tpu.memory_space<vmem_shared>> -> memref<25x144xf32, #tpu.memory_space<vmem_shared>>
      %dma_wait3A_174 = arith.constant 0 : i32
      %dma_wait3A_175 = tpu.memref_slice %arg7[%add3A_101, %dma_wait3A_174] : memref<10000x144xf32, #tpu.memory_space<vmem_shared>> -> memref<25x144xf32, #tpu.memory_space<vmem_shared>>
      tpu.wait_dma2 semaphore(%run_scoped3A : memref<!tpu.dma_semaphore, #tpu.memory_space<semaphore_mem>>) src(%arg20 : memref<25x144xf32, #tpu.memory_space<vmem>>) dst(%dma_wait3A_175 : memref<25x144xf32, #tpu.memory_space<vmem_shared>>)
      tpu.yield
    }) : () -> ()
    %mul3A_102 = arith.constant 625 : i32
    %mul3A_103 = arith.muli %arg1, %mul3A_102 : i32
    %add3A_104 = arith.constant 425 : i32
    %add3A_105 = arith.addi %mul3A_103, %add3A_104 : i32
    "tpu.region"() ({
      %run_scoped3A = tpu.sem_alloc : memref<!tpu.dma_semaphore, #tpu.memory_space<semaphore_mem>>
      %dma_start3A_168 = arith.constant 0 : i32
      %dma_start3A_169 = tpu.memref_slice %arg7[%add3A_105, %dma_start3A_168] : memref<10000x144xf32, #tpu.memory_space<vmem_shared>> -> memref<25x144xf32, #tpu.memory_space<vmem_shared>>
      %dma_start3A_170 = arith.constant 0 : i32
      %dma_start3A_171 = tpu.memref_slice %arg7[%add3A_105, %dma_start3A_170] : memref<10000x144xf32, #tpu.memory_space<vmem_shared>> -> memref<25x144xf32, #tpu.memory_space<vmem_shared>>
      tpu.enqueue_dma source(%arg20 : memref<25x144xf32, #tpu.memory_space<vmem>>) target(%dma_start3A_171 : memref<25x144xf32, #tpu.memory_space<vmem_shared>>) target_semaphore(%run_scoped3A : memref<!tpu.dma_semaphore, #tpu.memory_space<semaphore_mem>>)
      %dma_wait3A_172 = arith.constant 0 : i32
      %dma_wait3A_173 = tpu.memref_slice %arg7[%add3A_105, %dma_wait3A_172] : memref<10000x144xf32, #tpu.memory_space<vmem_shared>> -> memref<25x144xf32, #tpu.memory_space<vmem_shared>>
      %dma_wait3A_174 = arith.constant 0 : i32
      %dma_wait3A_175 = tpu.memref_slice %arg7[%add3A_105, %dma_wait3A_174] : memref<10000x144xf32, #tpu.memory_space<vmem_shared>> -> memref<25x144xf32, #tpu.memory_space<vmem_shared>>
      tpu.wait_dma2 semaphore(%run_scoped3A : memref<!tpu.dma_semaphore, #tpu.memory_space<semaphore_mem>>) src(%arg20 : memref<25x144xf32, #tpu.memory_space<vmem>>) dst(%dma_wait3A_175 : memref<25x144xf32, #tpu.memory_space<vmem_shared>>)
      tpu.yield
    }) : () -> ()
    %mul3A_106 = arith.constant 625 : i32
    %mul3A_107 = arith.muli %arg1, %mul3A_106 : i32
    %add3A_108 = arith.constant 450 : i32
    %add3A_109 = arith.addi %mul3A_107, %add3A_108 : i32
    "tpu.region"() ({
      %run_scoped3A = tpu.sem_alloc : memref<!tpu.dma_semaphore, #tpu.memory_space<semaphore_mem>>
      %dma_start3A_168 = arith.constant 0 : i32
      %dma_start3A_169 = tpu.memref_slice %arg7[%add3A_109, %dma_start3A_168] : memref<10000x144xf32, #tpu.memory_space<vmem_shared>> -> memref<25x144xf32, #tpu.memory_space<vmem_shared>>
      %dma_start3A_170 = arith.constant 0 : i32
      %dma_start3A_171 = tpu.memref_slice %arg7[%add3A_109, %dma_start3A_170] : memref<10000x144xf32, #tpu.memory_space<vmem_shared>> -> memref<25x144xf32, #tpu.memory_space<vmem_shared>>
      tpu.enqueue_dma source(%arg20 : memref<25x144xf32, #tpu.memory_space<vmem>>) target(%dma_start3A_171 : memref<25x144xf32, #tpu.memory_space<vmem_shared>>) target_semaphore(%run_scoped3A : memref<!tpu.dma_semaphore, #tpu.memory_space<semaphore_mem>>)
      %dma_wait3A_172 = arith.constant 0 : i32
      %dma_wait3A_173 = tpu.memref_slice %arg7[%add3A_109, %dma_wait3A_172] : memref<10000x144xf32, #tpu.memory_space<vmem_shared>> -> memref<25x144xf32, #tpu.memory_space<vmem_shared>>
      %dma_wait3A_174 = arith.constant 0 : i32
      %dma_wait3A_175 = tpu.memref_slice %arg7[%add3A_109, %dma_wait3A_174] : memref<10000x144xf32, #tpu.memory_space<vmem_shared>> -> memref<25x144xf32, #tpu.memory_space<vmem_shared>>
      tpu.wait_dma2 semaphore(%run_scoped3A : memref<!tpu.dma_semaphore, #tpu.memory_space<semaphore_mem>>) src(%arg20 : memref<25x144xf32, #tpu.memory_space<vmem>>) dst(%dma_wait3A_175 : memref<25x144xf32, #tpu.memory_space<vmem_shared>>)
      tpu.yield
    }) : () -> ()
    %mul3A_110 = arith.constant 625 : i32
    %mul3A_111 = arith.muli %arg1, %mul3A_110 : i32
    %add3A_112 = arith.constant 475 : i32
    %add3A_113 = arith.addi %mul3A_111, %add3A_112 : i32
    "tpu.region"() ({
      %run_scoped3A = tpu.sem_alloc : memref<!tpu.dma_semaphore, #tpu.memory_space<semaphore_mem>>
      %dma_start3A_168 = arith.constant 0 : i32
      %dma_start3A_169 = tpu.memref_slice %arg7[%add3A_113, %dma_start3A_168] : memref<10000x144xf32, #tpu.memory_space<vmem_shared>> -> memref<25x144xf32, #tpu.memory_space<vmem_shared>>
      %dma_start3A_170 = arith.constant 0 : i32
      %dma_start3A_171 = tpu.memref_slice %arg7[%add3A_113, %dma_start3A_170] : memref<10000x144xf32, #tpu.memory_space<vmem_shared>> -> memref<25x144xf32, #tpu.memory_space<vmem_shared>>
      tpu.enqueue_dma source(%arg20 : memref<25x144xf32, #tpu.memory_space<vmem>>) target(%dma_start3A_171 : memref<25x144xf32, #tpu.memory_space<vmem_shared>>) target_semaphore(%run_scoped3A : memref<!tpu.dma_semaphore, #tpu.memory_space<semaphore_mem>>)
      %dma_wait3A_172 = arith.constant 0 : i32
      %dma_wait3A_173 = tpu.memref_slice %arg7[%add3A_113, %dma_wait3A_172] : memref<10000x144xf32, #tpu.memory_space<vmem_shared>> -> memref<25x144xf32, #tpu.memory_space<vmem_shared>>
      %dma_wait3A_174 = arith.constant 0 : i32
      %dma_wait3A_175 = tpu.memref_slice %arg7[%add3A_113, %dma_wait3A_174] : memref<10000x144xf32, #tpu.memory_space<vmem_shared>> -> memref<25x144xf32, #tpu.memory_space<vmem_shared>>
      tpu.wait_dma2 semaphore(%run_scoped3A : memref<!tpu.dma_semaphore, #tpu.memory_space<semaphore_mem>>) src(%arg20 : memref<25x144xf32, #tpu.memory_space<vmem>>) dst(%dma_wait3A_175 : memref<25x144xf32, #tpu.memory_space<vmem_shared>>)
      tpu.yield
    }) : () -> ()
    %mul3A_114 = arith.constant 625 : i32
    %mul3A_115 = arith.muli %arg1, %mul3A_114 : i32
    %add3A_116 = arith.constant 500 : i32
    %add3A_117 = arith.addi %mul3A_115, %add3A_116 : i32
    "tpu.region"() ({
      %run_scoped3A = tpu.sem_alloc : memref<!tpu.dma_semaphore, #tpu.memory_space<semaphore_mem>>
      %dma_start3A_168 = arith.constant 0 : i32
      %dma_start3A_169 = tpu.memref_slice %arg7[%add3A_117, %dma_start3A_168] : memref<10000x144xf32, #tpu.memory_space<vmem_shared>> -> memref<25x144xf32, #tpu.memory_space<vmem_shared>>
      %dma_start3A_170 = arith.constant 0 : i32
      %dma_start3A_171 = tpu.memref_slice %arg7[%add3A_117, %dma_start3A_170] : memref<10000x144xf32, #tpu.memory_space<vmem_shared>> -> memref<25x144xf32, #tpu.memory_space<vmem_shared>>
      tpu.enqueue_dma source(%arg20 : memref<25x144xf32, #tpu.memory_space<vmem>>) target(%dma_start3A_171 : memref<25x144xf32, #tpu.memory_space<vmem_shared>>) target_semaphore(%run_scoped3A : memref<!tpu.dma_semaphore, #tpu.memory_space<semaphore_mem>>)
      %dma_wait3A_172 = arith.constant 0 : i32
      %dma_wait3A_173 = tpu.memref_slice %arg7[%add3A_117, %dma_wait3A_172] : memref<10000x144xf32, #tpu.memory_space<vmem_shared>> -> memref<25x144xf32, #tpu.memory_space<vmem_shared>>
      %dma_wait3A_174 = arith.constant 0 : i32
      %dma_wait3A_175 = tpu.memref_slice %arg7[%add3A_117, %dma_wait3A_174] : memref<10000x144xf32, #tpu.memory_space<vmem_shared>> -> memref<25x144xf32, #tpu.memory_space<vmem_shared>>
      tpu.wait_dma2 semaphore(%run_scoped3A : memref<!tpu.dma_semaphore, #tpu.memory_space<semaphore_mem>>) src(%arg20 : memref<25x144xf32, #tpu.memory_space<vmem>>) dst(%dma_wait3A_175 : memref<25x144xf32, #tpu.memory_space<vmem_shared>>)
      tpu.yield
    }) : () -> ()
    %mul3A_118 = arith.constant 625 : i32
    %mul3A_119 = arith.muli %arg1, %mul3A_118 : i32
    %add3A_120 = arith.constant 525 : i32
    %add3A_121 = arith.addi %mul3A_119, %add3A_120 : i32
    "tpu.region"() ({
      %run_scoped3A = tpu.sem_alloc : memref<!tpu.dma_semaphore, #tpu.memory_space<semaphore_mem>>
      %dma_start3A_168 = arith.constant 0 : i32
      %dma_start3A_169 = tpu.memref_slice %arg7[%add3A_121, %dma_start3A_168] : memref<10000x144xf32, #tpu.memory_space<vmem_shared>> -> memref<25x144xf32, #tpu.memory_space<vmem_shared>>
      %dma_start3A_170 = arith.constant 0 : i32
      %dma_start3A_171 = tpu.memref_slice %arg7[%add3A_121, %dma_start3A_170] : memref<10000x144xf32, #tpu.memory_space<vmem_shared>> -> memref<25x144xf32, #tpu.memory_space<vmem_shared>>
      tpu.enqueue_dma source(%arg20 : memref<25x144xf32, #tpu.memory_space<vmem>>) target(%dma_start3A_171 : memref<25x144xf32, #tpu.memory_space<vmem_shared>>) target_semaphore(%run_scoped3A : memref<!tpu.dma_semaphore, #tpu.memory_space<semaphore_mem>>)
      %dma_wait3A_172 = arith.constant 0 : i32
      %dma_wait3A_173 = tpu.memref_slice %arg7[%add3A_121, %dma_wait3A_172] : memref<10000x144xf32, #tpu.memory_space<vmem_shared>> -> memref<25x144xf32, #tpu.memory_space<vmem_shared>>
      %dma_wait3A_174 = arith.constant 0 : i32
      %dma_wait3A_175 = tpu.memref_slice %arg7[%add3A_121, %dma_wait3A_174] : memref<10000x144xf32, #tpu.memory_space<vmem_shared>> -> memref<25x144xf32, #tpu.memory_space<vmem_shared>>
      tpu.wait_dma2 semaphore(%run_scoped3A : memref<!tpu.dma_semaphore, #tpu.memory_space<semaphore_mem>>) src(%arg20 : memref<25x144xf32, #tpu.memory_space<vmem>>) dst(%dma_wait3A_175 : memref<25x144xf32, #tpu.memory_space<vmem_shared>>)
      tpu.yield
    }) : () -> ()
    %mul3A_122 = arith.constant 625 : i32
    %mul3A_123 = arith.muli %arg1, %mul3A_122 : i32
    %add3A_124 = arith.constant 550 : i32
    %add3A_125 = arith.addi %mul3A_123, %add3A_124 : i32
    "tpu.region"() ({
      %run_scoped3A = tpu.sem_alloc : memref<!tpu.dma_semaphore, #tpu.memory_space<semaphore_mem>>
      %dma_start3A_168 = arith.constant 0 : i32
      %dma_start3A_169 = tpu.memref_slice %arg7[%add3A_125, %dma_start3A_168] : memref<10000x144xf32, #tpu.memory_space<vmem_shared>> -> memref<25x144xf32, #tpu.memory_space<vmem_shared>>
      %dma_start3A_170 = arith.constant 0 : i32
      %dma_start3A_171 = tpu.memref_slice %arg7[%add3A_125, %dma_start3A_170] : memref<10000x144xf32, #tpu.memory_space<vmem_shared>> -> memref<25x144xf32, #tpu.memory_space<vmem_shared>>
      tpu.enqueue_dma source(%arg20 : memref<25x144xf32, #tpu.memory_space<vmem>>) target(%dma_start3A_171 : memref<25x144xf32, #tpu.memory_space<vmem_shared>>) target_semaphore(%run_scoped3A : memref<!tpu.dma_semaphore, #tpu.memory_space<semaphore_mem>>)
      %dma_wait3A_172 = arith.constant 0 : i32
      %dma_wait3A_173 = tpu.memref_slice %arg7[%add3A_125, %dma_wait3A_172] : memref<10000x144xf32, #tpu.memory_space<vmem_shared>> -> memref<25x144xf32, #tpu.memory_space<vmem_shared>>
      %dma_wait3A_174 = arith.constant 0 : i32
      %dma_wait3A_175 = tpu.memref_slice %arg7[%add3A_125, %dma_wait3A_174] : memref<10000x144xf32, #tpu.memory_space<vmem_shared>> -> memref<25x144xf32, #tpu.memory_space<vmem_shared>>
      tpu.wait_dma2 semaphore(%run_scoped3A : memref<!tpu.dma_semaphore, #tpu.memory_space<semaphore_mem>>) src(%arg20 : memref<25x144xf32, #tpu.memory_space<vmem>>) dst(%dma_wait3A_175 : memref<25x144xf32, #tpu.memory_space<vmem_shared>>)
      tpu.yield
    }) : () -> ()
    %mul3A_126 = arith.constant 625 : i32
    %mul3A_127 = arith.muli %arg1, %mul3A_126 : i32
    %add3A_128 = arith.constant 575 : i32
    %add3A_129 = arith.addi %mul3A_127, %add3A_128 : i32
    "tpu.region"() ({
      %run_scoped3A = tpu.sem_alloc : memref<!tpu.dma_semaphore, #tpu.memory_space<semaphore_mem>>
      %dma_start3A_168 = arith.constant 0 : i32
      %dma_start3A_169 = tpu.memref_slice %arg7[%add3A_129, %dma_start3A_168] : memref<10000x144xf32, #tpu.memory_space<vmem_shared>> -> memref<25x144xf32, #tpu.memory_space<vmem_shared>>
      %dma_start3A_170 = arith.constant 0 : i32
      %dma_start3A_171 = tpu.memref_slice %arg7[%add3A_129, %dma_start3A_170] : memref<10000x144xf32, #tpu.memory_space<vmem_shared>> -> memref<25x144xf32, #tpu.memory_space<vmem_shared>>
      tpu.enqueue_dma source(%arg20 : memref<25x144xf32, #tpu.memory_space<vmem>>) target(%dma_start3A_171 : memref<25x144xf32, #tpu.memory_space<vmem_shared>>) target_semaphore(%run_scoped3A : memref<!tpu.dma_semaphore, #tpu.memory_space<semaphore_mem>>)
      %dma_wait3A_172 = arith.constant 0 : i32
      %dma_wait3A_173 = tpu.memref_slice %arg7[%add3A_129, %dma_wait3A_172] : memref<10000x144xf32, #tpu.memory_space<vmem_shared>> -> memref<25x144xf32, #tpu.memory_space<vmem_shared>>
      %dma_wait3A_174 = arith.constant 0 : i32
      %dma_wait3A_175 = tpu.memref_slice %arg7[%add3A_129, %dma_wait3A_174] : memref<10000x144xf32, #tpu.memory_space<vmem_shared>> -> memref<25x144xf32, #tpu.memory_space<vmem_shared>>
      tpu.wait_dma2 semaphore(%run_scoped3A : memref<!tpu.dma_semaphore, #tpu.memory_space<semaphore_mem>>) src(%arg20 : memref<25x144xf32, #tpu.memory_space<vmem>>) dst(%dma_wait3A_175 : memref<25x144xf32, #tpu.memory_space<vmem_shared>>)
      tpu.yield
    }) : () -> ()
    %mul3A_130 = arith.constant 625 : i32
    %mul3A_131 = arith.muli %arg1, %mul3A_130 : i32
    %add3A_132 = arith.constant 600 : i32
    %add3A_133 = arith.addi %mul3A_131, %add3A_132 : i32
    "tpu.region"() ({
      %run_scoped3A = tpu.sem_alloc : memref<!tpu.dma_semaphore, #tpu.memory_space<semaphore_mem>>
      %dma_start3A_168 = arith.constant 0 : i32
      %dma_start3A_169 = tpu.memref_slice %arg7[%add3A_133, %dma_start3A_168] : memref<10000x144xf32, #tpu.memory_space<vmem_shared>> -> memref<25x144xf32, #tpu.memory_space<vmem_shared>>
      %dma_start3A_170 = arith.constant 0 : i32
      %dma_start3A_171 = tpu.memref_slice %arg7[%add3A_133, %dma_start3A_170] : memref<10000x144xf32, #tpu.memory_space<vmem_shared>> -> memref<25x144xf32, #tpu.memory_space<vmem_shared>>
      tpu.enqueue_dma source(%arg20 : memref<25x144xf32, #tpu.memory_space<vmem>>) target(%dma_start3A_171 : memref<25x144xf32, #tpu.memory_space<vmem_shared>>) target_semaphore(%run_scoped3A : memref<!tpu.dma_semaphore, #tpu.memory_space<semaphore_mem>>)
      %dma_wait3A_172 = arith.constant 0 : i32
      %dma_wait3A_173 = tpu.memref_slice %arg7[%add3A_133, %dma_wait3A_172] : memref<10000x144xf32, #tpu.memory_space<vmem_shared>> -> memref<25x144xf32, #tpu.memory_space<vmem_shared>>
      %dma_wait3A_174 = arith.constant 0 : i32
      %dma_wait3A_175 = tpu.memref_slice %arg7[%add3A_133, %dma_wait3A_174] : memref<10000x144xf32, #tpu.memory_space<vmem_shared>> -> memref<25x144xf32, #tpu.memory_space<vmem_shared>>
      tpu.wait_dma2 semaphore(%run_scoped3A : memref<!tpu.dma_semaphore, #tpu.memory_space<semaphore_mem>>) src(%arg20 : memref<25x144xf32, #tpu.memory_space<vmem>>) dst(%dma_wait3A_175 : memref<25x144xf32, #tpu.memory_space<vmem_shared>>)
      tpu.yield
    }) : () -> ()
    %dma_wait3A = arith.constant 0 : i32
    %dma_wait3A_134 = tpu.memref_slice %arg4[%dma_wait3A] : memref<320000xi32, #tpu.memory_space<hbm>> -> memref<40xi32, #tpu.memory_space<hbm>>
    %dma_wait3A_135 = arith.constant 0 : i32
    %dma_wait3A_136 = tpu.memref_slice %arg4[%dma_wait3A_135] : memref<320000xi32, #tpu.memory_space<hbm>> -> memref<40xi32, #tpu.memory_space<hbm>>
    tpu.wait_dma2 semaphore(%arg21 : memref<!tpu.dma_semaphore, #tpu.memory_space<semaphore_mem>>) src(%dma_wait3A_136 : memref<40xi32, #tpu.memory_space<hbm>>) dst(%arg8 : memref<40xi32, #tpu.memory_space<vmem>>)
    %dma_wait3A_137 = arith.constant 0 : i32
    %dma_wait3A_138 = tpu.memref_slice %arg5[%dma_wait3A_137] : memref<320000xi32, #tpu.memory_space<hbm>> -> memref<40xi32, #tpu.memory_space<hbm>>
    %dma_wait3A_139 = arith.constant 0 : i32
    %dma_wait3A_140 = tpu.memref_slice %arg5[%dma_wait3A_139] : memref<320000xi32, #tpu.memory_space<hbm>> -> memref<40xi32, #tpu.memory_space<hbm>>
    tpu.wait_dma2 semaphore(%arg21 : memref<!tpu.dma_semaphore, #tpu.memory_space<semaphore_mem>>) src(%dma_wait3A_140 : memref<40xi32, #tpu.memory_space<hbm>>) dst(%arg10 : memref<40xi32, #tpu.memory_space<vmem>>)
    %dma_start3A_141 = arith.constant 0 : i32
    %dma_start3A_142 = arith.constant 0 : i32
    %dma_start3A_143 = tpu.memref_slice %arg2[%dma_start3A_141, %dma_start3A_142] : memref<10000x128xf32, #tpu.memory_space<hbm>> -> memref<10000x128xf32, #tpu.memory_space<hbm>>
    tpu.enqueue_indirect_dma source(%dma_start3A_143 : memref<10000x128xf32, #tpu.memory_space<hbm>>) target(%arg14 : memref<40x128xf32, #tpu.memory_space<vmem>>) offsets(%arg8 : memref<40xi32, #tpu.memory_space<vmem>>) semaphore(%arg23 : memref<!tpu.dma_semaphore, #tpu.memory_space<semaphore_mem>>)
    %dma_start3A_144 = arith.constant 0 : i32
    %dma_start3A_145 = arith.constant 0 : i32
    %dma_start3A_146 = tpu.memref_slice %arg3[%dma_start3A_144, %dma_start3A_145] : memref<10000x128xf32, #tpu.memory_space<hbm>> -> memref<10000x128xf32, #tpu.memory_space<hbm>>
    tpu.enqueue_indirect_dma source(%dma_start3A_146 : memref<10000x128xf32, #tpu.memory_space<hbm>>) target(%arg16 : memref<40x128xf32, #tpu.memory_space<vmem>>) offsets(%arg10 : memref<40xi32, #tpu.memory_space<vmem>>) semaphore(%arg23 : memref<!tpu.dma_semaphore, #tpu.memory_space<semaphore_mem>>)
    %barrier3A = arith.constant 0 : index
    tpu.barrier barrier_id(%barrier3A)
    %scan3A_147 = arith.constant 0 : i32
    %scan3A_148 = arith.constant 0 : i32
    %scan3A_149 = arith.constant 125 : i32
    %scan3A_150 = arith.addi %scan3A_148, %scan3A_149 : i32
    %scan3A_151 = arith.constant 1 : i32
    %scan3A_152 = scf.for %scan3A_168 = %scan3A_148 to %scan3A_150 step %scan3A_151 iter_args(%scan3A_169 = %scan3A_147) -> (i32)  : i32 {
      %mul3A_170 = arith.constant 2 : i32
      %mul3A_171 = arith.muli %scan3A_168, %mul3A_170 : i32
      %add3A_172 = arith.constant 0 : i32
      %add3A_173 = arith.addi %mul3A_171, %add3A_172 : i32
      %gt3A = arith.constant 0 : i32
      %gt3A_174 = arith.cmpi sgt, %scan3A_168, %gt3A : i32
      %convert_element_type3A = arith.extui %gt3A_174 : i1 to i32
      %cond3A = arith.constant 0 : i32
      %cond3A_175 = arith.cmpi ne, %convert_element_type3A, %cond3A : i32
      scf.if %cond3A_175 {
        %dma_wait3A_259 = arith.constant 0 : i32
        %dma_wait3A_260 = arith.constant 0 : i32
        %dma_wait3A_261 = tpu.memref_slice %arg7[%dma_wait3A_259, %dma_wait3A_260] : memref<10000x144xf32, #tpu.memory_space<vmem_shared>> -> memref<10000x144xf32, #tpu.memory_space<vmem_shared>>
        tpu.wait_indirect_dma semaphore(%arg25 : memref<!tpu.dma_semaphore, #tpu.memory_space<semaphore_mem>>) src(%arg18 : memref<40x144xf32, #tpu.memory_space<vmem>>) dst(%dma_wait3A_261 : memref<10000x144xf32, #tpu.memory_space<vmem_shared>>)
      } else {
      }
      %get3A = arith.constant 0 : index
      %get3A_176 = tpu.vector_load %arg8[%get3A] {strides = array<i32>} : memref<40xi32, #tpu.memory_space<vmem>>, vector<16xi32>,
      %swap3A = arith.constant 0 : index
      %swap3A_177 = tpu.vector_load %arg12[%swap3A] {strides = array<i32>} : memref<40xi32, #tpu.memory_space<vmem>>, vector<16xi32>,
      tpu.vector_store %arg12[%swap3A], %get3A_176 {strides = array<i32>} : memref<40xi32, #tpu.memory_space<vmem>>, vector<16xi32>,
      %get3A_178 = arith.constant 16 : index
      %get3A_179 = tpu.vector_load %arg8[%get3A_178] {strides = array<i32>} : memref<40xi32, #tpu.memory_space<vmem>>, vector<16xi32>,
      %swap3A_180 = arith.constant 16 : index
      %swap3A_181 = tpu.vector_load %arg12[%swap3A_180] {strides = array<i32>} : memref<40xi32, #tpu.memory_space<vmem>>, vector<16xi32>,
      tpu.vector_store %arg12[%swap3A_180], %get3A_179 {strides = array<i32>} : memref<40xi32, #tpu.memory_space<vmem>>, vector<16xi32>,
      %get3A_182 = arith.constant 24 : index
      %get3A_183 = tpu.vector_load %arg8[%get3A_182] {strides = array<i32>} : memref<40xi32, #tpu.memory_space<vmem>>, vector<16xi32>,
      %swap3A_184 = arith.constant 24 : index
      %swap3A_185 = tpu.vector_load %arg12[%swap3A_184] {strides = array<i32>} : memref<40xi32, #tpu.memory_space<vmem>>, vector<16xi32>,
      tpu.vector_store %arg12[%swap3A_184], %get3A_183 {strides = array<i32>} : memref<40xi32, #tpu.memory_space<vmem>>, vector<16xi32>,
      %dma_wait3A_186 = arith.constant 0 : i32
      %dma_wait3A_187 = tpu.memref_slice %arg4[%dma_wait3A_186] : memref<320000xi32, #tpu.memory_space<hbm>> -> memref<40xi32, #tpu.memory_space<hbm>>
      %dma_wait3A_188 = arith.constant 0 : i32
      %dma_wait3A_189 = tpu.memref_slice %arg4[%dma_wait3A_188] : memref<320000xi32, #tpu.memory_space<hbm>> -> memref<40xi32, #tpu.memory_space<hbm>>
      tpu.wait_dma2 semaphore(%arg22 : memref<!tpu.dma_semaphore, #tpu.memory_space<semaphore_mem>>) src(%dma_wait3A_189 : memref<40xi32, #tpu.memory_space<hbm>>) dst(%arg9 : memref<40xi32, #tpu.memory_space<vmem>>)
      %dma_wait3A_190 = arith.constant 0 : i32
      %dma_wait3A_191 = tpu.memref_slice %arg5[%dma_wait3A_190] : memref<320000xi32, #tpu.memory_space<hbm>> -> memref<40xi32, #tpu.memory_space<hbm>>
      %dma_wait3A_192 = arith.constant 0 : i32
      %dma_wait3A_193 = tpu.memref_slice %arg5[%dma_wait3A_192] : memref<320000xi32, #tpu.memory_space<hbm>> -> memref<40xi32, #tpu.memory_space<hbm>>
      tpu.wait_dma2 semaphore(%arg22 : memref<!tpu.dma_semaphore, #tpu.memory_space<semaphore_mem>>) src(%dma_wait3A_193 : memref<40xi32, #tpu.memory_space<hbm>>) dst(%arg11 : memref<40xi32, #tpu.memory_space<vmem>>)
      %dma_start3A_194 = arith.constant 0 : i32
      %dma_start3A_195 = arith.constant 0 : i32
      %dma_start3A_196 = tpu.memref_slice %arg2[%dma_start3A_194, %dma_start3A_195] : memref<10000x128xf32, #tpu.memory_space<hbm>> -> memref<10000x128xf32, #tpu.memory_space<hbm>>
      tpu.enqueue_indirect_dma source(%dma_start3A_196 : memref<10000x128xf32, #tpu.memory_space<hbm>>) target(%arg15 : memref<40x128xf32, #tpu.memory_space<vmem>>) offsets(%arg9 : memref<40xi32, #tpu.memory_space<vmem>>) semaphore(%arg24 : memref<!tpu.dma_semaphore, #tpu.memory_space<semaphore_mem>>)
      %dma_start3A_197 = arith.constant 0 : i32
      %dma_start3A_198 = arith.constant 0 : i32
      %dma_start3A_199 = tpu.memref_slice %arg3[%dma_start3A_197, %dma_start3A_198] : memref<10000x128xf32, #tpu.memory_space<hbm>> -> memref<10000x128xf32, #tpu.memory_space<hbm>>
      tpu.enqueue_indirect_dma source(%dma_start3A_199 : memref<10000x128xf32, #tpu.memory_space<hbm>>) target(%arg17 : memref<40x128xf32, #tpu.memory_space<vmem>>) offsets(%arg11 : memref<40xi32, #tpu.memory_space<vmem>>) semaphore(%arg24 : memref<!tpu.dma_semaphore, #tpu.memory_space<semaphore_mem>>)
      %dma_wait3A_200 = arith.constant 0 : i32
      %dma_wait3A_201 = arith.constant 0 : i32
      %dma_wait3A_202 = tpu.memref_slice %arg2[%dma_wait3A_200, %dma_wait3A_201] : memref<10000x128xf32, #tpu.memory_space<hbm>> -> memref<10000x128xf32, #tpu.memory_space<hbm>>
      tpu.wait_indirect_dma semaphore(%arg23 : memref<!tpu.dma_semaphore, #tpu.memory_space<semaphore_mem>>) src(%dma_wait3A_202 : memref<10000x128xf32, #tpu.memory_space<hbm>>) dst(%arg14 : memref<40x128xf32, #tpu.memory_space<vmem>>)
      %dma_wait3A_203 = arith.constant 0 : i32
      %dma_wait3A_204 = arith.constant 0 : i32
      %dma_wait3A_205 = tpu.memref_slice %arg3[%dma_wait3A_203, %dma_wait3A_204] : memref<10000x128xf32, #tpu.memory_space<hbm>> -> memref<10000x128xf32, #tpu.memory_space<hbm>>
      tpu.wait_indirect_dma semaphore(%arg23 : memref<!tpu.dma_semaphore, #tpu.memory_space<semaphore_mem>>) src(%dma_wait3A_205 : memref<10000x128xf32, #tpu.memory_space<hbm>>) dst(%arg16 : memref<40x128xf32, #tpu.memory_space<vmem>>)
      %lt3A = arith.constant 124 : i32
      %lt3A_206 = arith.cmpi slt, %scan3A_168, %lt3A : i32
      %convert_element_type3A_207 = arith.extui %lt3A_206 : i1 to i32
      %cond3A_208 = arith.constant 0 : i32
      %cond3A_209 = arith.cmpi ne, %convert_element_type3A_207, %cond3A_208 : i32
      scf.if %cond3A_209 {
        %add3A_259 = arith.constant 2 : i32
        %add3A_260 = arith.addi %add3A_173, %add3A_259 : i32
        %mul3A_261 = arith.constant 40 : i32
        %mul3A_262 = arith.muli %add3A_260, %mul3A_261 : i32
        %add3A_263 = arith.addi %mul3A_2, %mul3A_262 : i32
        %multiple_of3A_264 = tpu.assume_multiple %add3A_263, 8 : i32
        %dma_start3A_265 = tpu.memref_slice %arg4[%multiple_of3A_264] : memref<320000xi32, #tpu.memory_space<hbm>> -> memref<40xi32, #tpu.memory_space<hbm>>
        %dma_start3A_266 = tpu.memref_slice %arg4[%multiple_of3A_264] : memref<320000xi32, #tpu.memory_space<hbm>> -> memref<40xi32, #tpu.memory_space<hbm>>
        tpu.enqueue_dma source(%dma_start3A_266 : memref<40xi32, #tpu.memory_space<hbm>>) target(%arg8 : memref<40xi32, #tpu.memory_space<vmem>>) target_semaphore(%arg21 : memref<!tpu.dma_semaphore, #tpu.memory_space<semaphore_mem>>)
        %dma_start3A_267 = tpu.memref_slice %arg5[%multiple_of3A_264] : memref<320000xi32, #tpu.memory_space<hbm>> -> memref<40xi32, #tpu.memory_space<hbm>>
        %dma_start3A_268 = tpu.memref_slice %arg5[%multiple_of3A_264] : memref<320000xi32, #tpu.memory_space<hbm>> -> memref<40xi32, #tpu.memory_space<hbm>>
        tpu.enqueue_dma source(%dma_start3A_268 : memref<40xi32, #tpu.memory_space<hbm>>) target(%arg10 : memref<40xi32, #tpu.memory_space<vmem>>) target_semaphore(%arg21 : memref<!tpu.dma_semaphore, #tpu.memory_space<semaphore_mem>>)
      } else {
      }
      %parallel_loop3A = arith.constant 0 : i32
      %parallel_loop3A_210 = arith.constant 40 : i32
      %parallel_loop3A_211 = arith.constant 1 : i32
      scf.for %parallel_loop3A_259 = %parallel_loop3A to %parallel_loop3A_210 step %parallel_loop3A_211  : i32 {
        %parallel_loop3A_260 = arith.index_cast %parallel_loop3A_259 : i32 to index
        %parallel_loop3A_261 = arith.constant 0 : index
        %parallel_loop3A_262 = tpu.vector_load %arg14[%parallel_loop3A_260, %parallel_loop3A_261] {strides = array<i32>} : memref<40x128xf32, #tpu.memory_space<vmem>>, vector<16xf32>,
        %parallel_loop3A_263 = arith.index_cast %parallel_loop3A_259 : i32 to index
        %parallel_loop3A_264 = arith.constant 0 : index
        %parallel_loop3A_265 = tpu.vector_load %arg16[%parallel_loop3A_263, %parallel_loop3A_264] {strides = array<i32>} : memref<40x128xf32, #tpu.memory_space<vmem>>, vector<16xf32>,
        %parallel_loop3A_266 = arith.subf %parallel_loop3A_262, %parallel_loop3A_265 : vector<16xf32>
        %parallel_loop3A_267 = arith.constant 0.000000e+00 : f32
        %parallel_loop3A_268 = vector.broadcast %parallel_loop3A_267 : f32 to vector<16xf32>
        %parallel_loop3A_269 = arith.maximumf %parallel_loop3A_266, %parallel_loop3A_268 : vector<16xf32>
        %parallel_loop3A_270 = arith.index_cast %parallel_loop3A_259 : i32 to index
        %parallel_loop3A_271 = arith.constant 0 : index
        %parallel_loop3A_272 = tpu.vector_load %arg18[%parallel_loop3A_270, %parallel_loop3A_271] {strides = array<i32>} : memref<40x144xf32, #tpu.memory_space<vmem>>, vector<16xf32>,
        tpu.vector_store %arg18[%parallel_loop3A_270, %parallel_loop3A_271], %parallel_loop3A_269 {strides = array<i32>} : memref<40x144xf32, #tpu.memory_space<vmem>>, vector<16xf32>,
        %parallel_loop3A_273 = arith.index_cast %parallel_loop3A_259 : i32 to index
        %parallel_loop3A_274 = arith.constant 16 : index
        %parallel_loop3A_275 = tpu.vector_load %arg14[%parallel_loop3A_273, %parallel_loop3A_274] {strides = array<i32>} : memref<40x128xf32, #tpu.memory_space<vmem>>, vector<16xf32>,
        %parallel_loop3A_276 = arith.index_cast %parallel_loop3A_259 : i32 to index
        %parallel_loop3A_277 = arith.constant 16 : index
        %parallel_loop3A_278 = tpu.vector_load %arg16[%parallel_loop3A_276, %parallel_loop3A_277] {strides = array<i32>} : memref<40x128xf32, #tpu.memory_space<vmem>>, vector<16xf32>,
        %parallel_loop3A_279 = arith.subf %parallel_loop3A_275, %parallel_loop3A_278 : vector<16xf32>
        %parallel_loop3A_280 = arith.constant 0.000000e+00 : f32
        %parallel_loop3A_281 = vector.broadcast %parallel_loop3A_280 : f32 to vector<16xf32>
        %parallel_loop3A_282 = arith.maximumf %parallel_loop3A_279, %parallel_loop3A_281 : vector<16xf32>
        %parallel_loop3A_283 = arith.index_cast %parallel_loop3A_259 : i32 to index
        %parallel_loop3A_284 = arith.constant 16 : index
        %parallel_loop3A_285 = tpu.vector_load %arg18[%parallel_loop3A_283, %parallel_loop3A_284] {strides = array<i32>} : memref<40x144xf32, #tpu.memory_space<vmem>>, vector<16xf32>,
        tpu.vector_store %arg18[%parallel_loop3A_283, %parallel_loop3A_284], %parallel_loop3A_282 {strides = array<i32>} : memref<40x144xf32, #tpu.memory_space<vmem>>, vector<16xf32>,
        %parallel_loop3A_286 = arith.index_cast %parallel_loop3A_259 : i32 to index
        %parallel_loop3A_287 = arith.constant 32 : index
        %parallel_loop3A_288 = tpu.vector_load %arg14[%parallel_loop3A_286, %parallel_loop3A_287] {strides = array<i32>} : memref<40x128xf32, #tpu.memory_space<vmem>>, vector<16xf32>,
        %parallel_loop3A_289 = arith.index_cast %parallel_loop3A_259 : i32 to index
        %parallel_loop3A_290 = arith.constant 32 : index
        %parallel_loop3A_291 = tpu.vector_load %arg16[%parallel_loop3A_289, %parallel_loop3A_290] {strides = array<i32>} : memref<40x128xf32, #tpu.memory_space<vmem>>, vector<16xf32>,
        %parallel_loop3A_292 = arith.subf %parallel_loop3A_288, %parallel_loop3A_291 : vector<16xf32>
        %parallel_loop3A_293 = arith.constant 0.000000e+00 : f32
        %parallel_loop3A_294 = vector.broadcast %parallel_loop3A_293 : f32 to vector<16xf32>
        %parallel_loop3A_295 = arith.maximumf %parallel_loop3A_292, %parallel_loop3A_294 : vector<16xf32>
        %parallel_loop3A_296 = arith.index_cast %parallel_loop3A_259 : i32 to index
        %parallel_loop3A_297 = arith.constant 32 : index
        %parallel_loop3A_298 = tpu.vector_load %arg18[%parallel_loop3A_296, %parallel_loop3A_297] {strides = array<i32>} : memref<40x144xf32, #tpu.memory_space<vmem>>, vector<16xf32>,
        tpu.vector_store %arg18[%parallel_loop3A_296, %parallel_loop3A_297], %parallel_loop3A_295 {strides = array<i32>} : memref<40x144xf32, #tpu.memory_space<vmem>>, vector<16xf32>,
        %parallel_loop3A_299 = arith.index_cast %parallel_loop3A_259 : i32 to index
        %parallel_loop3A_300 = arith.constant 48 : index
        %parallel_loop3A_301 = tpu.vector_load %arg14[%parallel_loop3A_299, %parallel_loop3A_300] {strides = array<i32>} : memref<40x128xf32, #tpu.memory_space<vmem>>, vector<16xf32>,
        %parallel_loop3A_302 = arith.index_cast %parallel_loop3A_259 : i32 to index
        %parallel_loop3A_303 = arith.constant 48 : index
        %parallel_loop3A_304 = tpu.vector_load %arg16[%parallel_loop3A_302, %parallel_loop3A_303] {strides = array<i32>} : memref<40x128xf32, #tpu.memory_space<vmem>>, vector<16xf32>,
        %parallel_loop3A_305 = arith.subf %parallel_loop3A_301, %parallel_loop3A_304 : vector<16xf32>
        %parallel_loop3A_306 = arith.constant 0.000000e+00 : f32
        %parallel_loop3A_307 = vector.broadcast %parallel_loop3A_306 : f32 to vector<16xf32>
        %parallel_loop3A_308 = arith.maximumf %parallel_loop3A_305, %parallel_loop3A_307 : vector<16xf32>
        %parallel_loop3A_309 = arith.index_cast %parallel_loop3A_259 : i32 to index
        %parallel_loop3A_310 = arith.constant 48 : index
        %parallel_loop3A_311 = tpu.vector_load %arg18[%parallel_loop3A_309, %parallel_loop3A_310] {strides = array<i32>} : memref<40x144xf32, #tpu.memory_space<vmem>>, vector<16xf32>,
        tpu.vector_store %arg18[%parallel_loop3A_309, %parallel_loop3A_310], %parallel_loop3A_308 {strides = array<i32>} : memref<40x144xf32, #tpu.memory_space<vmem>>, vector<16xf32>,
        %parallel_loop3A_312 = arith.index_cast %parallel_loop3A_259 : i32 to index
        %parallel_loop3A_313 = arith.constant 64 : index
        %parallel_loop3A_314 = tpu.vector_load %arg14[%parallel_loop3A_312, %parallel_loop3A_313] {strides = array<i32>} : memref<40x128xf32, #tpu.memory_space<vmem>>, vector<16xf32>,
        %parallel_loop3A_315 = arith.index_cast %parallel_loop3A_259 : i32 to index
        %parallel_loop3A_316 = arith.constant 64 : index
        %parallel_loop3A_317 = tpu.vector_load %arg16[%parallel_loop3A_315, %parallel_loop3A_316] {strides = array<i32>} : memref<40x128xf32, #tpu.memory_space<vmem>>, vector<16xf32>,
        %parallel_loop3A_318 = arith.subf %parallel_loop3A_314, %parallel_loop3A_317 : vector<16xf32>
        %parallel_loop3A_319 = arith.constant 0.000000e+00 : f32
        %parallel_loop3A_320 = vector.broadcast %parallel_loop3A_319 : f32 to vector<16xf32>
        %parallel_loop3A_321 = arith.maximumf %parallel_loop3A_318, %parallel_loop3A_320 : vector<16xf32>
        %parallel_loop3A_322 = arith.index_cast %parallel_loop3A_259 : i32 to index
        %parallel_loop3A_323 = arith.constant 64 : index
        %parallel_loop3A_324 = tpu.vector_load %arg18[%parallel_loop3A_322, %parallel_loop3A_323] {strides = array<i32>} : memref<40x144xf32, #tpu.memory_space<vmem>>, vector<16xf32>,
        tpu.vector_store %arg18[%parallel_loop3A_322, %parallel_loop3A_323], %parallel_loop3A_321 {strides = array<i32>} : memref<40x144xf32, #tpu.memory_space<vmem>>, vector<16xf32>,
        %parallel_loop3A_325 = arith.index_cast %parallel_loop3A_259 : i32 to index
        %parallel_loop3A_326 = arith.constant 80 : index
        %parallel_loop3A_327 = tpu.vector_load %arg14[%parallel_loop3A_325, %parallel_loop3A_326] {strides = array<i32>} : memref<40x128xf32, #tpu.memory_space<vmem>>, vector<16xf32>,
        %parallel_loop3A_328 = arith.index_cast %parallel_loop3A_259 : i32 to index
        %parallel_loop3A_329 = arith.constant 80 : index
        %parallel_loop3A_330 = tpu.vector_load %arg16[%parallel_loop3A_328, %parallel_loop3A_329] {strides = array<i32>} : memref<40x128xf32, #tpu.memory_space<vmem>>, vector<16xf32>,
        %parallel_loop3A_331 = arith.subf %parallel_loop3A_327, %parallel_loop3A_330 : vector<16xf32>
        %parallel_loop3A_332 = arith.constant 0.000000e+00 : f32
        %parallel_loop3A_333 = vector.broadcast %parallel_loop3A_332 : f32 to vector<16xf32>
        %parallel_loop3A_334 = arith.maximumf %parallel_loop3A_331, %parallel_loop3A_333 : vector<16xf32>
        %parallel_loop3A_335 = arith.index_cast %parallel_loop3A_259 : i32 to index
        %parallel_loop3A_336 = arith.constant 80 : index
        %parallel_loop3A_337 = tpu.vector_load %arg18[%parallel_loop3A_335, %parallel_loop3A_336] {strides = array<i32>} : memref<40x144xf32, #tpu.memory_space<vmem>>, vector<16xf32>,
        tpu.vector_store %arg18[%parallel_loop3A_335, %parallel_loop3A_336], %parallel_loop3A_334 {strides = array<i32>} : memref<40x144xf32, #tpu.memory_space<vmem>>, vector<16xf32>,
        %parallel_loop3A_338 = arith.index_cast %parallel_loop3A_259 : i32 to index
        %parallel_loop3A_339 = arith.constant 96 : index
        %parallel_loop3A_340 = tpu.vector_load %arg14[%parallel_loop3A_338, %parallel_loop3A_339] {strides = array<i32>} : memref<40x128xf32, #tpu.memory_space<vmem>>, vector<16xf32>,
        %parallel_loop3A_341 = arith.index_cast %parallel_loop3A_259 : i32 to index
        %parallel_loop3A_342 = arith.constant 96 : index
        %parallel_loop3A_343 = tpu.vector_load %arg16[%parallel_loop3A_341, %parallel_loop3A_342] {strides = array<i32>} : memref<40x128xf32, #tpu.memory_space<vmem>>, vector<16xf32>,
        %parallel_loop3A_344 = arith.subf %parallel_loop3A_340, %parallel_loop3A_343 : vector<16xf32>
        %parallel_loop3A_345 = arith.constant 0.000000e+00 : f32
        %parallel_loop3A_346 = vector.broadcast %parallel_loop3A_345 : f32 to vector<16xf32>
        %parallel_loop3A_347 = arith.maximumf %parallel_loop3A_344, %parallel_loop3A_346 : vector<16xf32>
        %parallel_loop3A_348 = arith.index_cast %parallel_loop3A_259 : i32 to index
        %parallel_loop3A_349 = arith.constant 96 : index
        %parallel_loop3A_350 = tpu.vector_load %arg18[%parallel_loop3A_348, %parallel_loop3A_349] {strides = array<i32>} : memref<40x144xf32, #tpu.memory_space<vmem>>, vector<16xf32>,
        tpu.vector_store %arg18[%parallel_loop3A_348, %parallel_loop3A_349], %parallel_loop3A_347 {strides = array<i32>} : memref<40x144xf32, #tpu.memory_space<vmem>>, vector<16xf32>,
        %parallel_loop3A_351 = arith.index_cast %parallel_loop3A_259 : i32 to index
        %parallel_loop3A_352 = arith.constant 112 : index
        %parallel_loop3A_353 = tpu.vector_load %arg14[%parallel_loop3A_351, %parallel_loop3A_352] {strides = array<i32>} : memref<40x128xf32, #tpu.memory_space<vmem>>, vector<16xf32>,
        %parallel_loop3A_354 = arith.index_cast %parallel_loop3A_259 : i32 to index
        %parallel_loop3A_355 = arith.constant 112 : index
        %parallel_loop3A_356 = tpu.vector_load %arg16[%parallel_loop3A_354, %parallel_loop3A_355] {strides = array<i32>} : memref<40x128xf32, #tpu.memory_space<vmem>>, vector<16xf32>,
        %parallel_loop3A_357 = arith.subf %parallel_loop3A_353, %parallel_loop3A_356 : vector<16xf32>
        %parallel_loop3A_358 = arith.constant 0.000000e+00 : f32
        %parallel_loop3A_359 = vector.broadcast %parallel_loop3A_358 : f32 to vector<16xf32>
        %parallel_loop3A_360 = arith.maximumf %parallel_loop3A_357, %parallel_loop3A_359 : vector<16xf32>
        %parallel_loop3A_361 = arith.index_cast %parallel_loop3A_259 : i32 to index
        %parallel_loop3A_362 = arith.constant 112 : index
        %parallel_loop3A_363 = tpu.vector_load %arg18[%parallel_loop3A_361, %parallel_loop3A_362] {strides = array<i32>} : memref<40x144xf32, #tpu.memory_space<vmem>>, vector<16xf32>,
        tpu.vector_store %arg18[%parallel_loop3A_361, %parallel_loop3A_362], %parallel_loop3A_360 {strides = array<i32>} : memref<40x144xf32, #tpu.memory_space<vmem>>, vector<16xf32>,
      } {sc.loop_unroll_factor = 8 : i64, sc.parallel_access}
      %dma_start3A_212 = arith.constant 0 : i32
      %dma_start3A_213 = arith.constant 0 : i32
      %dma_start3A_214 = tpu.memref_slice %arg7[%dma_start3A_212, %dma_start3A_213] : memref<10000x144xf32, #tpu.memory_space<vmem_shared>> -> memref<10000x144xf32, #tpu.memory_space<vmem_shared>>
      tpu.enqueue_indirect_dma source(%arg18 : memref<40x144xf32, #tpu.memory_space<vmem>>) target(%dma_start3A_214 : memref<10000x144xf32, #tpu.memory_space<vmem_shared>>) offsets(%arg12 : memref<40xi32, #tpu.memory_space<vmem>>) semaphore(%arg25 : memref<!tpu.dma_semaphore, #tpu.memory_space<semaphore_mem>>) {add = true}
      %mul3A_215 = arith.constant 2 : i32
      %mul3A_216 = arith.muli %scan3A_168, %mul3A_215 : i32
      %add3A_217 = arith.constant 1 : i32
      %add3A_218 = arith.addi %mul3A_216, %add3A_217 : i32
      %gt3A_219 = arith.constant 0 : i32
      %gt3A_220 = arith.cmpi sgt, %scan3A_168, %gt3A_219 : i32
      %convert_element_type3A_221 = arith.extui %gt3A_220 : i1 to i32
      %cond3A_222 = arith.constant 0 : i32
      %cond3A_223 = arith.cmpi ne, %convert_element_type3A_221, %cond3A_222 : i32
      scf.if %cond3A_223 {
        %dma_wait3A_259 = arith.constant 0 : i32
        %dma_wait3A_260 = arith.constant 0 : i32
        %dma_wait3A_261 = tpu.memref_slice %arg7[%dma_wait3A_259, %dma_wait3A_260] : memref<10000x144xf32, #tpu.memory_space<vmem_shared>> -> memref<10000x144xf32, #tpu.memory_space<vmem_shared>>
        tpu.wait_indirect_dma semaphore(%arg26 : memref<!tpu.dma_semaphore, #tpu.memory_space<semaphore_mem>>) src(%arg19 : memref<40x144xf32, #tpu.memory_space<vmem>>) dst(%dma_wait3A_261 : memref<10000x144xf32, #tpu.memory_space<vmem_shared>>)
      } else {
      }
      %get3A_224 = arith.constant 0 : index
      %get3A_225 = tpu.vector_load %arg9[%get3A_224] {strides = array<i32>} : memref<40xi32, #tpu.memory_space<vmem>>, vector<16xi32>,
      %swap3A_226 = arith.constant 0 : index
      %swap3A_227 = tpu.vector_load %arg13[%swap3A_226] {strides = array<i32>} : memref<40xi32, #tpu.memory_space<vmem>>, vector<16xi32>,
      tpu.vector_store %arg13[%swap3A_226], %get3A_225 {strides = array<i32>} : memref<40xi32, #tpu.memory_space<vmem>>, vector<16xi32>,
      %get3A_228 = arith.constant 16 : index
      %get3A_229 = tpu.vector_load %arg9[%get3A_228] {strides = array<i32>} : memref<40xi32, #tpu.memory_space<vmem>>, vector<16xi32>,
      %swap3A_230 = arith.constant 16 : index
      %swap3A_231 = tpu.vector_load %arg13[%swap3A_230] {strides = array<i32>} : memref<40xi32, #tpu.memory_space<vmem>>, vector<16xi32>,
      tpu.vector_store %arg13[%swap3A_230], %get3A_229 {strides = array<i32>} : memref<40xi32, #tpu.memory_space<vmem>>, vector<16xi32>,
      %get3A_232 = arith.constant 24 : index
      %get3A_233 = tpu.vector_load %arg9[%get3A_232] {strides = array<i32>} : memref<40xi32, #tpu.memory_space<vmem>>, vector<16xi32>,
      %swap3A_234 = arith.constant 24 : index
      %swap3A_235 = tpu.vector_load %arg13[%swap3A_234] {strides = array<i32>} : memref<40xi32, #tpu.memory_space<vmem>>, vector<16xi32>,
      tpu.vector_store %arg13[%swap3A_234], %get3A_233 {strides = array<i32>} : memref<40xi32, #tpu.memory_space<vmem>>, vector<16xi32>,
      %lt3A_236 = arith.constant 124 : i32
      %lt3A_237 = arith.cmpi slt, %scan3A_168, %lt3A_236 : i32
      %convert_element_type3A_238 = arith.extui %lt3A_237 : i1 to i32
      %cond3A_239 = arith.constant 0 : i32
      %cond3A_240 = arith.cmpi ne, %convert_element_type3A_238, %cond3A_239 : i32
      scf.if %cond3A_240 {
        %dma_wait3A_259 = arith.constant 0 : i32
        %dma_wait3A_260 = tpu.memref_slice %arg4[%dma_wait3A_259] : memref<320000xi32, #tpu.memory_space<hbm>> -> memref<40xi32, #tpu.memory_space<hbm>>
        %dma_wait3A_261 = arith.constant 0 : i32
        %dma_wait3A_262 = tpu.memref_slice %arg4[%dma_wait3A_261] : memref<320000xi32, #tpu.memory_space<hbm>> -> memref<40xi32, #tpu.memory_space<hbm>>
        tpu.wait_dma2 semaphore(%arg21 : memref<!tpu.dma_semaphore, #tpu.memory_space<semaphore_mem>>) src(%dma_wait3A_262 : memref<40xi32, #tpu.memory_space<hbm>>) dst(%arg8 : memref<40xi32, #tpu.memory_space<vmem>>)
        %dma_wait3A_263 = arith.constant 0 : i32
        %dma_wait3A_264 = tpu.memref_slice %arg5[%dma_wait3A_263] : memref<320000xi32, #tpu.memory_space<hbm>> -> memref<40xi32, #tpu.memory_space<hbm>>
        %dma_wait3A_265 = arith.constant 0 : i32
        %dma_wait3A_266 = tpu.memref_slice %arg5[%dma_wait3A_265] : memref<320000xi32, #tpu.memory_space<hbm>> -> memref<40xi32, #tpu.memory_space<hbm>>
        tpu.wait_dma2 semaphore(%arg21 : memref<!tpu.dma_semaphore, #tpu.memory_space<semaphore_mem>>) src(%dma_wait3A_266 : memref<40xi32, #tpu.memory_space<hbm>>) dst(%arg10 : memref<40xi32, #tpu.memory_space<vmem>>)
        %dma_start3A_267 = arith.constant 0 : i32
        %dma_start3A_268 = arith.constant 0 : i32
        %dma_start3A_269 = tpu.memref_slice %arg2[%dma_start3A_267, %dma_start3A_268] : memref<10000x128xf32, #tpu.memory_space<hbm>> -> memref<10000x128xf32, #tpu.memory_space<hbm>>
        tpu.enqueue_indirect_dma source(%dma_start3A_269 : memref<10000x128xf32, #tpu.memory_space<hbm>>) target(%arg14 : memref<40x128xf32, #tpu.memory_space<vmem>>) offsets(%arg8 : memref<40xi32, #tpu.memory_space<vmem>>) semaphore(%arg23 : memref<!tpu.dma_semaphore, #tpu.memory_space<semaphore_mem>>)
        %dma_start3A_270 = arith.constant 0 : i32
        %dma_start3A_271 = arith.constant 0 : i32
        %dma_start3A_272 = tpu.memref_slice %arg3[%dma_start3A_270, %dma_start3A_271] : memref<10000x128xf32, #tpu.memory_space<hbm>> -> memref<10000x128xf32, #tpu.memory_space<hbm>>
        tpu.enqueue_indirect_dma source(%dma_start3A_272 : memref<10000x128xf32, #tpu.memory_space<hbm>>) target(%arg16 : memref<40x128xf32, #tpu.memory_space<vmem>>) offsets(%arg10 : memref<40xi32, #tpu.memory_space<vmem>>) semaphore(%arg23 : memref<!tpu.dma_semaphore, #tpu.memory_space<semaphore_mem>>)
      } else {
      }
      %dma_wait3A_241 = arith.constant 0 : i32
      %dma_wait3A_242 = arith.constant 0 : i32
      %dma_wait3A_243 = tpu.memref_slice %arg2[%dma_wait3A_241, %dma_wait3A_242] : memref<10000x128xf32, #tpu.memory_space<hbm>> -> memref<10000x128xf32, #tpu.memory_space<hbm>>
      tpu.wait_indirect_dma semaphore(%arg24 : memref<!tpu.dma_semaphore, #tpu.memory_space<semaphore_mem>>) src(%dma_wait3A_243 : memref<10000x128xf32, #tpu.memory_space<hbm>>) dst(%arg15 : memref<40x128xf32, #tpu.memory_space<vmem>>)
      %dma_wait3A_244 = arith.constant 0 : i32
      %dma_wait3A_245 = arith.constant 0 : i32
      %dma_wait3A_246 = tpu.memref_slice %arg3[%dma_wait3A_244, %dma_wait3A_245] : memref<10000x128xf32, #tpu.memory_space<hbm>> -> memref<10000x128xf32, #tpu.memory_space<hbm>>
      tpu.wait_indirect_dma semaphore(%arg24 : memref<!tpu.dma_semaphore, #tpu.memory_space<semaphore_mem>>) src(%dma_wait3A_246 : memref<10000x128xf32, #tpu.memory_space<hbm>>) dst(%arg17 : memref<40x128xf32, #tpu.memory_space<vmem>>)
      %lt3A_247 = arith.constant 124 : i32
      %lt3A_248 = arith.cmpi slt, %scan3A_168, %lt3A_247 : i32
      %convert_element_type3A_249 = arith.extui %lt3A_248 : i1 to i32
      %cond3A_250 = arith.constant 0 : i32
      %cond3A_251 = arith.cmpi ne, %convert_element_type3A_249, %cond3A_250 : i32
      scf.if %cond3A_251 {
        %add3A_259 = arith.constant 2 : i32
        %add3A_260 = arith.addi %add3A_218, %add3A_259 : i32
        %mul3A_261 = arith.constant 40 : i32
        %mul3A_262 = arith.muli %add3A_260, %mul3A_261 : i32
        %add3A_263 = arith.addi %mul3A_2, %mul3A_262 : i32
        %multiple_of3A_264 = tpu.assume_multiple %add3A_263, 8 : i32
        %dma_start3A_265 = tpu.memref_slice %arg4[%multiple_of3A_264] : memref<320000xi32, #tpu.memory_space<hbm>> -> memref<40xi32, #tpu.memory_space<hbm>>
        %dma_start3A_266 = tpu.memref_slice %arg4[%multiple_of3A_264] : memref<320000xi32, #tpu.memory_space<hbm>> -> memref<40xi32, #tpu.memory_space<hbm>>
        tpu.enqueue_dma source(%dma_start3A_266 : memref<40xi32, #tpu.memory_space<hbm>>) target(%arg9 : memref<40xi32, #tpu.memory_space<vmem>>) target_semaphore(%arg22 : memref<!tpu.dma_semaphore, #tpu.memory_space<semaphore_mem>>)
        %dma_start3A_267 = tpu.memref_slice %arg5[%multiple_of3A_264] : memref<320000xi32, #tpu.memory_space<hbm>> -> memref<40xi32, #tpu.memory_space<hbm>>
        %dma_start3A_268 = tpu.memref_slice %arg5[%multiple_of3A_264] : memref<320000xi32, #tpu.memory_space<hbm>> -> memref<40xi32, #tpu.memory_space<hbm>>
        tpu.enqueue_dma source(%dma_start3A_268 : memref<40xi32, #tpu.memory_space<hbm>>) target(%arg11 : memref<40xi32, #tpu.memory_space<vmem>>) target_semaphore(%arg22 : memref<!tpu.dma_semaphore, #tpu.memory_space<semaphore_mem>>)
      } else {
      }
      %parallel_loop3A_252 = arith.constant 0 : i32
      %parallel_loop3A_253 = arith.constant 40 : i32
      %parallel_loop3A_254 = arith.constant 1 : i32
      scf.for %parallel_loop3A_259 = %parallel_loop3A_252 to %parallel_loop3A_253 step %parallel_loop3A_254  : i32 {
        %parallel_loop3A_260 = arith.index_cast %parallel_loop3A_259 : i32 to index
        %parallel_loop3A_261 = arith.constant 0 : index
        %parallel_loop3A_262 = tpu.vector_load %arg15[%parallel_loop3A_260, %parallel_loop3A_261] {strides = array<i32>} : memref<40x128xf32, #tpu.memory_space<vmem>>, vector<16xf32>,
        %parallel_loop3A_263 = arith.index_cast %parallel_loop3A_259 : i32 to index
        %parallel_loop3A_264 = arith.constant 0 : index
        %parallel_loop3A_265 = tpu.vector_load %arg17[%parallel_loop3A_263, %parallel_loop3A_264] {strides = array<i32>} : memref<40x128xf32, #tpu.memory_space<vmem>>, vector<16xf32>,
        %parallel_loop3A_266 = arith.subf %parallel_loop3A_262, %parallel_loop3A_265 : vector<16xf32>
        %parallel_loop3A_267 = arith.constant 0.000000e+00 : f32
        %parallel_loop3A_268 = vector.broadcast %parallel_loop3A_267 : f32 to vector<16xf32>
        %parallel_loop3A_269 = arith.maximumf %parallel_loop3A_266, %parallel_loop3A_268 : vector<16xf32>
        %parallel_loop3A_270 = arith.index_cast %parallel_loop3A_259 : i32 to index
        %parallel_loop3A_271 = arith.constant 0 : index
        %parallel_loop3A_272 = tpu.vector_load %arg19[%parallel_loop3A_270, %parallel_loop3A_271] {strides = array<i32>} : memref<40x144xf32, #tpu.memory_space<vmem>>, vector<16xf32>,
        tpu.vector_store %arg19[%parallel_loop3A_270, %parallel_loop3A_271], %parallel_loop3A_269 {strides = array<i32>} : memref<40x144xf32, #tpu.memory_space<vmem>>, vector<16xf32>,
        %parallel_loop3A_273 = arith.index_cast %parallel_loop3A_259 : i32 to index
        %parallel_loop3A_274 = arith.constant 16 : index
        %parallel_loop3A_275 = tpu.vector_load %arg15[%parallel_loop3A_273, %parallel_loop3A_274] {strides = array<i32>} : memref<40x128xf32, #tpu.memory_space<vmem>>, vector<16xf32>,
        %parallel_loop3A_276 = arith.index_cast %parallel_loop3A_259 : i32 to index
        %parallel_loop3A_277 = arith.constant 16 : index
        %parallel_loop3A_278 = tpu.vector_load %arg17[%parallel_loop3A_276, %parallel_loop3A_277] {strides = array<i32>} : memref<40x128xf32, #tpu.memory_space<vmem>>, vector<16xf32>,
        %parallel_loop3A_279 = arith.subf %parallel_loop3A_275, %parallel_loop3A_278 : vector<16xf32>
        %parallel_loop3A_280 = arith.constant 0.000000e+00 : f32
        %parallel_loop3A_281 = vector.broadcast %parallel_loop3A_280 : f32 to vector<16xf32>
        %parallel_loop3A_282 = arith.maximumf %parallel_loop3A_279, %parallel_loop3A_281 : vector<16xf32>
        %parallel_loop3A_283 = arith.index_cast %parallel_loop3A_259 : i32 to index
        %parallel_loop3A_284 = arith.constant 16 : index
        %parallel_loop3A_285 = tpu.vector_load %arg19[%parallel_loop3A_283, %parallel_loop3A_284] {strides = array<i32>} : memref<40x144xf32, #tpu.memory_space<vmem>>, vector<16xf32>,
        tpu.vector_store %arg19[%parallel_loop3A_283, %parallel_loop3A_284], %parallel_loop3A_282 {strides = array<i32>} : memref<40x144xf32, #tpu.memory_space<vmem>>, vector<16xf32>,
        %parallel_loop3A_286 = arith.index_cast %parallel_loop3A_259 : i32 to index
        %parallel_loop3A_287 = arith.constant 32 : index
        %parallel_loop3A_288 = tpu.vector_load %arg15[%parallel_loop3A_286, %parallel_loop3A_287] {strides = array<i32>} : memref<40x128xf32, #tpu.memory_space<vmem>>, vector<16xf32>,
        %parallel_loop3A_289 = arith.index_cast %parallel_loop3A_259 : i32 to index
        %parallel_loop3A_290 = arith.constant 32 : index
        %parallel_loop3A_291 = tpu.vector_load %arg17[%parallel_loop3A_289, %parallel_loop3A_290] {strides = array<i32>} : memref<40x128xf32, #tpu.memory_space<vmem>>, vector<16xf32>,
        %parallel_loop3A_292 = arith.subf %parallel_loop3A_288, %parallel_loop3A_291 : vector<16xf32>
        %parallel_loop3A_293 = arith.constant 0.000000e+00 : f32
        %parallel_loop3A_294 = vector.broadcast %parallel_loop3A_293 : f32 to vector<16xf32>
        %parallel_loop3A_295 = arith.maximumf %parallel_loop3A_292, %parallel_loop3A_294 : vector<16xf32>
        %parallel_loop3A_296 = arith.index_cast %parallel_loop3A_259 : i32 to index
        %parallel_loop3A_297 = arith.constant 32 : index
        %parallel_loop3A_298 = tpu.vector_load %arg19[%parallel_loop3A_296, %parallel_loop3A_297] {strides = array<i32>} : memref<40x144xf32, #tpu.memory_space<vmem>>, vector<16xf32>,
        tpu.vector_store %arg19[%parallel_loop3A_296, %parallel_loop3A_297], %parallel_loop3A_295 {strides = array<i32>} : memref<40x144xf32, #tpu.memory_space<vmem>>, vector<16xf32>,
        %parallel_loop3A_299 = arith.index_cast %parallel_loop3A_259 : i32 to index
        %parallel_loop3A_300 = arith.constant 48 : index
        %parallel_loop3A_301 = tpu.vector_load %arg15[%parallel_loop3A_299, %parallel_loop3A_300] {strides = array<i32>} : memref<40x128xf32, #tpu.memory_space<vmem>>, vector<16xf32>,
        %parallel_loop3A_302 = arith.index_cast %parallel_loop3A_259 : i32 to index
        %parallel_loop3A_303 = arith.constant 48 : index
        %parallel_loop3A_304 = tpu.vector_load %arg17[%parallel_loop3A_302, %parallel_loop3A_303] {strides = array<i32>} : memref<40x128xf32, #tpu.memory_space<vmem>>, vector<16xf32>,
        %parallel_loop3A_305 = arith.subf %parallel_loop3A_301, %parallel_loop3A_304 : vector<16xf32>
        %parallel_loop3A_306 = arith.constant 0.000000e+00 : f32
        %parallel_loop3A_307 = vector.broadcast %parallel_loop3A_306 : f32 to vector<16xf32>
        %parallel_loop3A_308 = arith.maximumf %parallel_loop3A_305, %parallel_loop3A_307 : vector<16xf32>
        %parallel_loop3A_309 = arith.index_cast %parallel_loop3A_259 : i32 to index
        %parallel_loop3A_310 = arith.constant 48 : index
        %parallel_loop3A_311 = tpu.vector_load %arg19[%parallel_loop3A_309, %parallel_loop3A_310] {strides = array<i32>} : memref<40x144xf32, #tpu.memory_space<vmem>>, vector<16xf32>,
        tpu.vector_store %arg19[%parallel_loop3A_309, %parallel_loop3A_310], %parallel_loop3A_308 {strides = array<i32>} : memref<40x144xf32, #tpu.memory_space<vmem>>, vector<16xf32>,
        %parallel_loop3A_312 = arith.index_cast %parallel_loop3A_259 : i32 to index
        %parallel_loop3A_313 = arith.constant 64 : index
        %parallel_loop3A_314 = tpu.vector_load %arg15[%parallel_loop3A_312, %parallel_loop3A_313] {strides = array<i32>} : memref<40x128xf32, #tpu.memory_space<vmem>>, vector<16xf32>,
        %parallel_loop3A_315 = arith.index_cast %parallel_loop3A_259 : i32 to index
        %parallel_loop3A_316 = arith.constant 64 : index
        %parallel_loop3A_317 = tpu.vector_load %arg17[%parallel_loop3A_315, %parallel_loop3A_316] {strides = array<i32>} : memref<40x128xf32, #tpu.memory_space<vmem>>, vector<16xf32>,
        %parallel_loop3A_318 = arith.subf %parallel_loop3A_314, %parallel_loop3A_317 : vector<16xf32>
        %parallel_loop3A_319 = arith.constant 0.000000e+00 : f32
        %parallel_loop3A_320 = vector.broadcast %parallel_loop3A_319 : f32 to vector<16xf32>
        %parallel_loop3A_321 = arith.maximumf %parallel_loop3A_318, %parallel_loop3A_320 : vector<16xf32>
        %parallel_loop3A_322 = arith.index_cast %parallel_loop3A_259 : i32 to index
        %parallel_loop3A_323 = arith.constant 64 : index
        %parallel_loop3A_324 = tpu.vector_load %arg19[%parallel_loop3A_322, %parallel_loop3A_323] {strides = array<i32>} : memref<40x144xf32, #tpu.memory_space<vmem>>, vector<16xf32>,
        tpu.vector_store %arg19[%parallel_loop3A_322, %parallel_loop3A_323], %parallel_loop3A_321 {strides = array<i32>} : memref<40x144xf32, #tpu.memory_space<vmem>>, vector<16xf32>,
        %parallel_loop3A_325 = arith.index_cast %parallel_loop3A_259 : i32 to index
        %parallel_loop3A_326 = arith.constant 80 : index
        %parallel_loop3A_327 = tpu.vector_load %arg15[%parallel_loop3A_325, %parallel_loop3A_326] {strides = array<i32>} : memref<40x128xf32, #tpu.memory_space<vmem>>, vector<16xf32>,
        %parallel_loop3A_328 = arith.index_cast %parallel_loop3A_259 : i32 to index
        %parallel_loop3A_329 = arith.constant 80 : index
        %parallel_loop3A_330 = tpu.vector_load %arg17[%parallel_loop3A_328, %parallel_loop3A_329] {strides = array<i32>} : memref<40x128xf32, #tpu.memory_space<vmem>>, vector<16xf32>,
        %parallel_loop3A_331 = arith.subf %parallel_loop3A_327, %parallel_loop3A_330 : vector<16xf32>
        %parallel_loop3A_332 = arith.constant 0.000000e+00 : f32
        %parallel_loop3A_333 = vector.broadcast %parallel_loop3A_332 : f32 to vector<16xf32>
        %parallel_loop3A_334 = arith.maximumf %parallel_loop3A_331, %parallel_loop3A_333 : vector<16xf32>
        %parallel_loop3A_335 = arith.index_cast %parallel_loop3A_259 : i32 to index
        %parallel_loop3A_336 = arith.constant 80 : index
        %parallel_loop3A_337 = tpu.vector_load %arg19[%parallel_loop3A_335, %parallel_loop3A_336] {strides = array<i32>} : memref<40x144xf32, #tpu.memory_space<vmem>>, vector<16xf32>,
        tpu.vector_store %arg19[%parallel_loop3A_335, %parallel_loop3A_336], %parallel_loop3A_334 {strides = array<i32>} : memref<40x144xf32, #tpu.memory_space<vmem>>, vector<16xf32>,
        %parallel_loop3A_338 = arith.index_cast %parallel_loop3A_259 : i32 to index
        %parallel_loop3A_339 = arith.constant 96 : index
        %parallel_loop3A_340 = tpu.vector_load %arg15[%parallel_loop3A_338, %parallel_loop3A_339] {strides = array<i32>} : memref<40x128xf32, #tpu.memory_space<vmem>>, vector<16xf32>,
        %parallel_loop3A_341 = arith.index_cast %parallel_loop3A_259 : i32 to index
        %parallel_loop3A_342 = arith.constant 96 : index
        %parallel_loop3A_343 = tpu.vector_load %arg17[%parallel_loop3A_341, %parallel_loop3A_342] {strides = array<i32>} : memref<40x128xf32, #tpu.memory_space<vmem>>, vector<16xf32>,
        %parallel_loop3A_344 = arith.subf %parallel_loop3A_340, %parallel_loop3A_343 : vector<16xf32>
        %parallel_loop3A_345 = arith.constant 0.000000e+00 : f32
        %parallel_loop3A_346 = vector.broadcast %parallel_loop3A_345 : f32 to vector<16xf32>
        %parallel_loop3A_347 = arith.maximumf %parallel_loop3A_344, %parallel_loop3A_346 : vector<16xf32>
        %parallel_loop3A_348 = arith.index_cast %parallel_loop3A_259 : i32 to index
        %parallel_loop3A_349 = arith.constant 96 : index
        %parallel_loop3A_350 = tpu.vector_load %arg19[%parallel_loop3A_348, %parallel_loop3A_349] {strides = array<i32>} : memref<40x144xf32, #tpu.memory_space<vmem>>, vector<16xf32>,
        tpu.vector_store %arg19[%parallel_loop3A_348, %parallel_loop3A_349], %parallel_loop3A_347 {strides = array<i32>} : memref<40x144xf32, #tpu.memory_space<vmem>>, vector<16xf32>,
        %parallel_loop3A_351 = arith.index_cast %parallel_loop3A_259 : i32 to index
        %parallel_loop3A_352 = arith.constant 112 : index
        %parallel_loop3A_353 = tpu.vector_load %arg15[%parallel_loop3A_351, %parallel_loop3A_352] {strides = array<i32>} : memref<40x128xf32, #tpu.memory_space<vmem>>, vector<16xf32>,
        %parallel_loop3A_354 = arith.index_cast %parallel_loop3A_259 : i32 to index
        %parallel_loop3A_355 = arith.constant 112 : index
        %parallel_loop3A_356 = tpu.vector_load %arg17[%parallel_loop3A_354, %parallel_loop3A_355] {strides = array<i32>} : memref<40x128xf32, #tpu.memory_space<vmem>>, vector<16xf32>,
        %parallel_loop3A_357 = arith.subf %parallel_loop3A_353, %parallel_loop3A_356 : vector<16xf32>
        %parallel_loop3A_358 = arith.constant 0.000000e+00 : f32
        %parallel_loop3A_359 = vector.broadcast %parallel_loop3A_358 : f32 to vector<16xf32>
        %parallel_loop3A_360 = arith.maximumf %parallel_loop3A_357, %parallel_loop3A_359 : vector<16xf32>
        %parallel_loop3A_361 = arith.index_cast %parallel_loop3A_259 : i32 to index
        %parallel_loop3A_362 = arith.constant 112 : index
        %parallel_loop3A_363 = tpu.vector_load %arg19[%parallel_loop3A_361, %parallel_loop3A_362] {strides = array<i32>} : memref<40x144xf32, #tpu.memory_space<vmem>>, vector<16xf32>,
        tpu.vector_store %arg19[%parallel_loop3A_361, %parallel_loop3A_362], %parallel_loop3A_360 {strides = array<i32>} : memref<40x144xf32, #tpu.memory_space<vmem>>, vector<16xf32>,
      } {sc.loop_unroll_factor = 8 : i64, sc.parallel_access}
      %dma_start3A_255 = arith.constant 0 : i32
      %dma_start3A_256 = arith.constant 0 : i32
      %dma_start3A_257 = tpu.memref_slice %arg7[%dma_start3A_255, %dma_start3A_256] : memref<10000x144xf32, #tpu.memory_space<vmem_shared>> -> memref<10000x144xf32, #tpu.memory_space<vmem_shared>>
      tpu.enqueue_indirect_dma source(%arg19 : memref<40x144xf32, #tpu.memory_space<vmem>>) target(%dma_start3A_257 : memref<10000x144xf32, #tpu.memory_space<vmem_shared>>) offsets(%arg13 : memref<40xi32, #tpu.memory_space<vmem>>) semaphore(%arg26 : memref<!tpu.dma_semaphore, #tpu.memory_space<semaphore_mem>>) {add = true}
      %scan3A_258 = arith.constant 0 : i32
      scf.yield %scan3A_258 : i32
    }
    %scan3A_153 = arith.constant 125 : i32
    %dma_wait3A_154 = arith.constant 0 : i32
    %dma_wait3A_155 = arith.constant 0 : i32
    %dma_wait3A_156 = tpu.memref_slice %arg7[%dma_wait3A_154, %dma_wait3A_155] : memref<10000x144xf32, #tpu.memory_space<vmem_shared>> -> memref<10000x144xf32, #tpu.memory_space<vmem_shared>>
    tpu.wait_indirect_dma semaphore(%arg25 : memref<!tpu.dma_semaphore, #tpu.memory_space<semaphore_mem>>) src(%arg18 : memref<40x144xf32, #tpu.memory_space<vmem>>) dst(%dma_wait3A_156 : memref<10000x144xf32, #tpu.memory_space<vmem_shared>>)
    %dma_wait3A_157 = arith.constant 0 : i32
    %dma_wait3A_158 = arith.constant 0 : i32
    %dma_wait3A_159 = tpu.memref_slice %arg7[%dma_wait3A_157, %dma_wait3A_158] : memref<10000x144xf32, #tpu.memory_space<vmem_shared>> -> memref<10000x144xf32, #tpu.memory_space<vmem_shared>>
    tpu.wait_indirect_dma semaphore(%arg26 : memref<!tpu.dma_semaphore, #tpu.memory_space<semaphore_mem>>) src(%arg19 : memref<40x144xf32, #tpu.memory_space<vmem>>) dst(%dma_wait3A_159 : memref<10000x144xf32, #tpu.memory_space<vmem_shared>>)
    %barrier3A_160 = arith.constant 0 : index
    tpu.barrier barrier_id(%barrier3A_160)
    %mul3A_161 = arith.constant 625 : i32
    %mul3A_162 = arith.muli %arg1, %mul3A_161 : i32
    %mul3A_163 = arith.constant 10000 : i32
    %mul3A_164 = arith.muli %arg0, %mul3A_163 : i32
    %mul3A_165 = arith.constant 625 : i32
    %mul3A_166 = arith.muli %arg1, %mul3A_165 : i32
    %add3A_167 = arith.addi %mul3A_164, %mul3A_166 : i32
    "tpu.region"() ({
      %run_scoped3A = tpu.sem_alloc : memref<!tpu.dma_semaphore, #tpu.memory_space<semaphore_mem>>
      %dma_start3A_168 = arith.constant 0 : i32
      %dma_start3A_169 = tpu.memref_slice %arg6[%add3A_167, %dma_start3A_168] : memref<20000x256xf32, #tpu.memory_space<hbm>> -> memref<625x144xf32, #tpu.memory_space<hbm>>
      %dma_start3A_170 = arith.constant 0 : i32
      %dma_start3A_171 = tpu.memref_slice %arg7[%mul3A_162, %dma_start3A_170] : memref<10000x144xf32, #tpu.memory_space<vmem_shared>> -> memref<625x144xf32, #tpu.memory_space<vmem_shared>>
      tpu.enqueue_dma source(%dma_start3A_171 : memref<625x144xf32, #tpu.memory_space<vmem_shared>>) target(%dma_start3A_169 : memref<625x144xf32, #tpu.memory_space<hbm>>) target_semaphore(%run_scoped3A : memref<!tpu.dma_semaphore, #tpu.memory_space<semaphore_mem>>)
      %dma_wait3A_172 = arith.constant 0 : i32
      %dma_wait3A_173 = tpu.memref_slice %arg6[%add3A_167, %dma_wait3A_172] : memref<20000x256xf32, #tpu.memory_space<hbm>> -> memref<625x144xf32, #tpu.memory_space<hbm>>
      %dma_wait3A_174 = arith.constant 0 : i32
      %dma_wait3A_175 = tpu.memref_slice %arg7[%mul3A_162, %dma_wait3A_174] : memref<10000x144xf32, #tpu.memory_space<vmem_shared>> -> memref<625x144xf32, #tpu.memory_space<vmem_shared>>
      tpu.wait_dma2 semaphore(%run_scoped3A : memref<!tpu.dma_semaphore, #tpu.memory_space<semaphore_mem>>) src(%dma_wait3A_175 : memref<625x144xf32, #tpu.memory_space<vmem_shared>>) dst(%dma_wait3A_173 : memref<625x144xf32, #tpu.memory_space<hbm>>)
      tpu.yield
    }) : () -> ()
    return
  }
}

#map = affine_map<(d0, d1) -> (0)>
#map1 = affine_map<(d0, d1) -> (0, 0)>
module attributes {stable_mosaic.version = 14 : i64} {
  func.func @_geom_body(%arg0: i32, %arg1: i32, %arg2: memref<5000xf32, #tpu.memory_space<hbm>>, %arg3: memref<5000xf32, #tpu.memory_space<hbm>>, %arg4: memref<5000xf32, #tpu.memory_space<hbm>>, %arg5: memref<12288xi32, #tpu.memory_space<hbm>>, %arg6: memref<12288xi32, #tpu.memory_space<hbm>>, %arg7: memref<12288xi32, #tpu.memory_space<hbm>>, %arg8: memref<16x12288xf32, #tpu.memory_space<hbm>>, %arg9: memref<5000xf32, #tpu.memory_space<vmem>>, %arg10: memref<5000xf32, #tpu.memory_space<vmem>>, %arg11: memref<5000xf32, #tpu.memory_space<vmem>>, %arg12: memref<384xi32, #tpu.memory_space<vmem>>, %arg13: memref<384xi32, #tpu.memory_space<vmem>>, %arg14: memref<384xi32, #tpu.memory_space<vmem>>, %arg15: memref<16x384xf32, #tpu.memory_space<vmem>>) attributes {dimension_semantics = [#tpu.dimension_semantics<core_parallel>, #tpu.dimension_semantics<subcore_parallel>], iteration_bounds = array<i64: 2, 16>, scalar_prefetch = 0 : i64, scratch_operands = 7 : i64, tpu.core_type = #tpu.core_type<sc_vector_subcore>, window_params = [{transform_indices = #map}, {transform_indices = #map}, {transform_indices = #map}, {transform_indices = #map}, {transform_indices = #map}, {transform_indices = #map}, {transform_indices = #map1}]} {
    %mul3A = arith.constant 2 : i32
    %mul3A_0 = arith.muli %arg1, %mul3A : i32
    %add3A = arith.addi %mul3A_0, %arg0 : i32
    %mul3A_1 = arith.constant 384 : i32
    %mul3A_2 = arith.muli %add3A, %mul3A_1 : i32
    %multiple_of3A = tpu.assume_multiple %mul3A_2, 128 : i32
    "tpu.region"() ({
      %run_scoped3A = tpu.sem_alloc : memref<!tpu.dma_semaphore, #tpu.memory_space<semaphore_mem>>
      tpu.enqueue_dma source(%arg2 : memref<5000xf32, #tpu.memory_space<hbm>>) target(%arg9 : memref<5000xf32, #tpu.memory_space<vmem>>) target_semaphore(%run_scoped3A : memref<!tpu.dma_semaphore, #tpu.memory_space<semaphore_mem>>)
      tpu.wait_dma2 semaphore(%run_scoped3A : memref<!tpu.dma_semaphore, #tpu.memory_space<semaphore_mem>>) src(%arg2 : memref<5000xf32, #tpu.memory_space<hbm>>) dst(%arg9 : memref<5000xf32, #tpu.memory_space<vmem>>)
      tpu.yield
    }) : () -> ()
    "tpu.region"() ({
      %run_scoped3A = tpu.sem_alloc : memref<!tpu.dma_semaphore, #tpu.memory_space<semaphore_mem>>
      tpu.enqueue_dma source(%arg3 : memref<5000xf32, #tpu.memory_space<hbm>>) target(%arg10 : memref<5000xf32, #tpu.memory_space<vmem>>) target_semaphore(%run_scoped3A : memref<!tpu.dma_semaphore, #tpu.memory_space<semaphore_mem>>)
      tpu.wait_dma2 semaphore(%run_scoped3A : memref<!tpu.dma_semaphore, #tpu.memory_space<semaphore_mem>>) src(%arg3 : memref<5000xf32, #tpu.memory_space<hbm>>) dst(%arg10 : memref<5000xf32, #tpu.memory_space<vmem>>)
      tpu.yield
    }) : () -> ()
    "tpu.region"() ({
      %run_scoped3A = tpu.sem_alloc : memref<!tpu.dma_semaphore, #tpu.memory_space<semaphore_mem>>
      tpu.enqueue_dma source(%arg4 : memref<5000xf32, #tpu.memory_space<hbm>>) target(%arg11 : memref<5000xf32, #tpu.memory_space<vmem>>) target_semaphore(%run_scoped3A : memref<!tpu.dma_semaphore, #tpu.memory_space<semaphore_mem>>)
      tpu.wait_dma2 semaphore(%run_scoped3A : memref<!tpu.dma_semaphore, #tpu.memory_space<semaphore_mem>>) src(%arg4 : memref<5000xf32, #tpu.memory_space<hbm>>) dst(%arg11 : memref<5000xf32, #tpu.memory_space<vmem>>)
      tpu.yield
    }) : () -> ()
    "tpu.region"() ({
      %run_scoped3A = tpu.sem_alloc : memref<!tpu.dma_semaphore, #tpu.memory_space<semaphore_mem>>
      %dma_start3A = tpu.memref_slice %arg5[%multiple_of3A] : memref<12288xi32, #tpu.memory_space<hbm>> -> memref<384xi32, #tpu.memory_space<hbm>>
      %dma_start3A_12 = tpu.memref_slice %arg5[%multiple_of3A] : memref<12288xi32, #tpu.memory_space<hbm>> -> memref<384xi32, #tpu.memory_space<hbm>>
      tpu.enqueue_dma source(%dma_start3A_12 : memref<384xi32, #tpu.memory_space<hbm>>) target(%arg12 : memref<384xi32, #tpu.memory_space<vmem>>) target_semaphore(%run_scoped3A : memref<!tpu.dma_semaphore, #tpu.memory_space<semaphore_mem>>)
      %dma_wait3A = tpu.memref_slice %arg5[%multiple_of3A] : memref<12288xi32, #tpu.memory_space<hbm>> -> memref<384xi32, #tpu.memory_space<hbm>>
      %dma_wait3A_13 = tpu.memref_slice %arg5[%multiple_of3A] : memref<12288xi32, #tpu.memory_space<hbm>> -> memref<384xi32, #tpu.memory_space<hbm>>
      tpu.wait_dma2 semaphore(%run_scoped3A : memref<!tpu.dma_semaphore, #tpu.memory_space<semaphore_mem>>) src(%dma_wait3A_13 : memref<384xi32, #tpu.memory_space<hbm>>) dst(%arg12 : memref<384xi32, #tpu.memory_space<vmem>>)
      tpu.yield
    }) : () -> ()
    "tpu.region"() ({
      %run_scoped3A = tpu.sem_alloc : memref<!tpu.dma_semaphore, #tpu.memory_space<semaphore_mem>>
      %dma_start3A = tpu.memref_slice %arg6[%multiple_of3A] : memref<12288xi32, #tpu.memory_space<hbm>> -> memref<384xi32, #tpu.memory_space<hbm>>
      %dma_start3A_12 = tpu.memref_slice %arg6[%multiple_of3A] : memref<12288xi32, #tpu.memory_space<hbm>> -> memref<384xi32, #tpu.memory_space<hbm>>
      tpu.enqueue_dma source(%dma_start3A_12 : memref<384xi32, #tpu.memory_space<hbm>>) target(%arg13 : memref<384xi32, #tpu.memory_space<vmem>>) target_semaphore(%run_scoped3A : memref<!tpu.dma_semaphore, #tpu.memory_space<semaphore_mem>>)
      %dma_wait3A = tpu.memref_slice %arg6[%multiple_of3A] : memref<12288xi32, #tpu.memory_space<hbm>> -> memref<384xi32, #tpu.memory_space<hbm>>
      %dma_wait3A_13 = tpu.memref_slice %arg6[%multiple_of3A] : memref<12288xi32, #tpu.memory_space<hbm>> -> memref<384xi32, #tpu.memory_space<hbm>>
      tpu.wait_dma2 semaphore(%run_scoped3A : memref<!tpu.dma_semaphore, #tpu.memory_space<semaphore_mem>>) src(%dma_wait3A_13 : memref<384xi32, #tpu.memory_space<hbm>>) dst(%arg13 : memref<384xi32, #tpu.memory_space<vmem>>)
      tpu.yield
    }) : () -> ()
    "tpu.region"() ({
      %run_scoped3A = tpu.sem_alloc : memref<!tpu.dma_semaphore, #tpu.memory_space<semaphore_mem>>
      %dma_start3A = tpu.memref_slice %arg7[%multiple_of3A] : memref<12288xi32, #tpu.memory_space<hbm>> -> memref<384xi32, #tpu.memory_space<hbm>>
      %dma_start3A_12 = tpu.memref_slice %arg7[%multiple_of3A] : memref<12288xi32, #tpu.memory_space<hbm>> -> memref<384xi32, #tpu.memory_space<hbm>>
      tpu.enqueue_dma source(%dma_start3A_12 : memref<384xi32, #tpu.memory_space<hbm>>) target(%arg14 : memref<384xi32, #tpu.memory_space<vmem>>) target_semaphore(%run_scoped3A : memref<!tpu.dma_semaphore, #tpu.memory_space<semaphore_mem>>)
      %dma_wait3A = tpu.memref_slice %arg7[%multiple_of3A] : memref<12288xi32, #tpu.memory_space<hbm>> -> memref<384xi32, #tpu.memory_space<hbm>>
      %dma_wait3A_13 = tpu.memref_slice %arg7[%multiple_of3A] : memref<12288xi32, #tpu.memory_space<hbm>> -> memref<384xi32, #tpu.memory_space<hbm>>
      tpu.wait_dma2 semaphore(%run_scoped3A : memref<!tpu.dma_semaphore, #tpu.memory_space<semaphore_mem>>) src(%dma_wait3A_13 : memref<384xi32, #tpu.memory_space<hbm>>) dst(%arg14 : memref<384xi32, #tpu.memory_space<vmem>>)
      tpu.yield
    }) : () -> ()
    %broadcast_in_dim3A = arith.constant 0.000000e+00 : f32
    %broadcast_in_dim3A_3 = vector.broadcast %broadcast_in_dim3A : f32 to vector<16xf32>
    %broadcast_in_dim3A_4 = arith.constant 0.333333343 : f32
    %broadcast_in_dim3A_5 = vector.broadcast %broadcast_in_dim3A_4 : f32 to vector<16xf32>
    %scan3A = arith.constant 0 : i32
    %scan3A_6 = arith.constant 0 : i32
    %scan3A_7 = arith.constant 24 : i32
    %scan3A_8 = arith.addi %scan3A_6, %scan3A_7 : i32
    %scan3A_9 = arith.constant 1 : i32
    %scan3A_10 = scf.for %scan3A_12 = %scan3A_6 to %scan3A_8 step %scan3A_9 iter_args(%scan3A_13 = %scan3A) -> (i32)  : i32 {
      %mul3A_14 = arith.constant 16 : i32
      %mul3A_15 = arith.muli %scan3A_12, %mul3A_14 : i32
      %get3A = arith.index_cast %mul3A_15 : i32 to index
      %get3A_16 = tpu.vector_load %arg12[%get3A] {strides = array<i32>} : memref<384xi32, #tpu.memory_space<vmem>>, vector<16xi32>,
      %get3A_17 = arith.index_cast %mul3A_15 : i32 to index
      %get3A_18 = tpu.vector_load %arg13[%get3A_17] {strides = array<i32>} : memref<384xi32, #tpu.memory_space<vmem>>, vector<16xi32>,
      %get3A_19 = arith.index_cast %mul3A_15 : i32 to index
      %get3A_20 = tpu.vector_load %arg14[%get3A_19] {strides = array<i32>} : memref<384xi32, #tpu.memory_space<vmem>>, vector<16xi32>,
      %gather3A = tpu.vector_load_idx %arg9[%get3A_16] : memref<5000xf32, #tpu.memory_space<vmem>>[vector<16xi32>], vector<16xf32>,
      %gather3A_21 = tpu.vector_load_idx %arg9[%get3A_18] : memref<5000xf32, #tpu.memory_space<vmem>>[vector<16xi32>], vector<16xf32>,
      %gather3A_22 = tpu.vector_load_idx %arg9[%get3A_20] : memref<5000xf32, #tpu.memory_space<vmem>>[vector<16xi32>], vector<16xf32>,
      %sub3A = arith.subf %gather3A, %gather3A_21 : vector<16xf32>
      %sub3A_23 = arith.subf %gather3A, %gather3A_22 : vector<16xf32>
      %sub3A_24 = arith.subf %gather3A_21, %gather3A_22 : vector<16xf32>
      %min3A = arith.minimumf %sub3A, %sub3A_23 : vector<16xf32>
      %min3A_25 = arith.minimumf %min3A, %sub3A_24 : vector<16xf32>
      %swap3A = arith.constant 0 : i32
      %swap3A_26 = arith.index_cast %swap3A : i32 to index
      %swap3A_27 = arith.index_cast %mul3A_15 : i32 to index
      %swap3A_28 = tpu.vector_load %arg15[%swap3A_26, %swap3A_27] {strides = array<i32>} : memref<16x384xf32, #tpu.memory_space<vmem>>, vector<16xf32>,
      tpu.vector_store %arg15[%swap3A_26, %swap3A_27], %min3A_25 {strides = array<i32>} : memref<16x384xf32, #tpu.memory_space<vmem>>, vector<16xf32>,
      %max3A = arith.maximumf %sub3A, %sub3A_23 : vector<16xf32>
      %max3A_29 = arith.maximumf %max3A, %sub3A_24 : vector<16xf32>
      %swap3A_30 = arith.constant 3 : i32
      %swap3A_31 = arith.index_cast %swap3A_30 : i32 to index
      %swap3A_32 = arith.index_cast %mul3A_15 : i32 to index
      %swap3A_33 = tpu.vector_load %arg15[%swap3A_31, %swap3A_32] {strides = array<i32>} : memref<16x384xf32, #tpu.memory_space<vmem>>, vector<16xf32>,
      tpu.vector_store %arg15[%swap3A_31, %swap3A_32], %max3A_29 {strides = array<i32>} : memref<16x384xf32, #tpu.memory_space<vmem>>, vector<16xf32>,
      %add3A_34 = arith.addf %gather3A, %gather3A_21 : vector<16xf32>
      %add3A_35 = arith.addf %add3A_34, %gather3A_22 : vector<16xf32>
      %mul3A_36 = arith.mulf %add3A_35, %broadcast_in_dim3A_5 : vector<16xf32>
      %swap3A_37 = arith.constant 6 : i32
      %swap3A_38 = arith.index_cast %swap3A_37 : i32 to index
      %swap3A_39 = arith.index_cast %mul3A_15 : i32 to index
      %swap3A_40 = tpu.vector_load %arg15[%swap3A_38, %swap3A_39] {strides = array<i32>} : memref<16x384xf32, #tpu.memory_space<vmem>>, vector<16xf32>,
      tpu.vector_store %arg15[%swap3A_38, %swap3A_39], %mul3A_36 {strides = array<i32>} : memref<16x384xf32, #tpu.memory_space<vmem>>, vector<16xf32>,
      %gather3A_41 = tpu.vector_load_idx %arg10[%get3A_16] : memref<5000xf32, #tpu.memory_space<vmem>>[vector<16xi32>], vector<16xf32>,
      %gather3A_42 = tpu.vector_load_idx %arg10[%get3A_18] : memref<5000xf32, #tpu.memory_space<vmem>>[vector<16xi32>], vector<16xf32>,
      %gather3A_43 = tpu.vector_load_idx %arg10[%get3A_20] : memref<5000xf32, #tpu.memory_space<vmem>>[vector<16xi32>], vector<16xf32>,
      %sub3A_44 = arith.subf %gather3A_41, %gather3A_42 : vector<16xf32>
      %sub3A_45 = arith.subf %gather3A_41, %gather3A_43 : vector<16xf32>
      %sub3A_46 = arith.subf %gather3A_42, %gather3A_43 : vector<16xf32>
      %min3A_47 = arith.minimumf %sub3A_44, %sub3A_45 : vector<16xf32>
      %min3A_48 = arith.minimumf %min3A_47, %sub3A_46 : vector<16xf32>
      %swap3A_49 = arith.constant 1 : i32
      %swap3A_50 = arith.index_cast %swap3A_49 : i32 to index
      %swap3A_51 = arith.index_cast %mul3A_15 : i32 to index
      %swap3A_52 = tpu.vector_load %arg15[%swap3A_50, %swap3A_51] {strides = array<i32>} : memref<16x384xf32, #tpu.memory_space<vmem>>, vector<16xf32>,
      tpu.vector_store %arg15[%swap3A_50, %swap3A_51], %min3A_48 {strides = array<i32>} : memref<16x384xf32, #tpu.memory_space<vmem>>, vector<16xf32>,
      %max3A_53 = arith.maximumf %sub3A_44, %sub3A_45 : vector<16xf32>
      %max3A_54 = arith.maximumf %max3A_53, %sub3A_46 : vector<16xf32>
      %swap3A_55 = arith.constant 4 : i32
      %swap3A_56 = arith.index_cast %swap3A_55 : i32 to index
      %swap3A_57 = arith.index_cast %mul3A_15 : i32 to index
      %swap3A_58 = tpu.vector_load %arg15[%swap3A_56, %swap3A_57] {strides = array<i32>} : memref<16x384xf32, #tpu.memory_space<vmem>>, vector<16xf32>,
      tpu.vector_store %arg15[%swap3A_56, %swap3A_57], %max3A_54 {strides = array<i32>} : memref<16x384xf32, #tpu.memory_space<vmem>>, vector<16xf32>,
      %add3A_59 = arith.addf %gather3A_41, %gather3A_42 : vector<16xf32>
      %add3A_60 = arith.addf %add3A_59, %gather3A_43 : vector<16xf32>
      %mul3A_61 = arith.mulf %add3A_60, %broadcast_in_dim3A_5 : vector<16xf32>
      %swap3A_62 = arith.constant 7 : i32
      %swap3A_63 = arith.index_cast %swap3A_62 : i32 to index
      %swap3A_64 = arith.index_cast %mul3A_15 : i32 to index
      %swap3A_65 = tpu.vector_load %arg15[%swap3A_63, %swap3A_64] {strides = array<i32>} : memref<16x384xf32, #tpu.memory_space<vmem>>, vector<16xf32>,
      tpu.vector_store %arg15[%swap3A_63, %swap3A_64], %mul3A_61 {strides = array<i32>} : memref<16x384xf32, #tpu.memory_space<vmem>>, vector<16xf32>,
      %gather3A_66 = tpu.vector_load_idx %arg11[%get3A_16] : memref<5000xf32, #tpu.memory_space<vmem>>[vector<16xi32>], vector<16xf32>,
      %gather3A_67 = tpu.vector_load_idx %arg11[%get3A_18] : memref<5000xf32, #tpu.memory_space<vmem>>[vector<16xi32>], vector<16xf32>,
      %gather3A_68 = tpu.vector_load_idx %arg11[%get3A_20] : memref<5000xf32, #tpu.memory_space<vmem>>[vector<16xi32>], vector<16xf32>,
      %sub3A_69 = arith.subf %gather3A_66, %gather3A_67 : vector<16xf32>
      %sub3A_70 = arith.subf %gather3A_66, %gather3A_68 : vector<16xf32>
      %sub3A_71 = arith.subf %gather3A_67, %gather3A_68 : vector<16xf32>
      %min3A_72 = arith.minimumf %sub3A_69, %sub3A_70 : vector<16xf32>
      %min3A_73 = arith.minimumf %min3A_72, %sub3A_71 : vector<16xf32>
      %swap3A_74 = arith.constant 2 : i32
      %swap3A_75 = arith.index_cast %swap3A_74 : i32 to index
      %swap3A_76 = arith.index_cast %mul3A_15 : i32 to index
      %swap3A_77 = tpu.vector_load %arg15[%swap3A_75, %swap3A_76] {strides = array<i32>} : memref<16x384xf32, #tpu.memory_space<vmem>>, vector<16xf32>,
      tpu.vector_store %arg15[%swap3A_75, %swap3A_76], %min3A_73 {strides = array<i32>} : memref<16x384xf32, #tpu.memory_space<vmem>>, vector<16xf32>,
      %max3A_78 = arith.maximumf %sub3A_69, %sub3A_70 : vector<16xf32>
      %max3A_79 = arith.maximumf %max3A_78, %sub3A_71 : vector<16xf32>
      %swap3A_80 = arith.constant 5 : i32
      %swap3A_81 = arith.index_cast %swap3A_80 : i32 to index
      %swap3A_82 = arith.index_cast %mul3A_15 : i32 to index
      %swap3A_83 = tpu.vector_load %arg15[%swap3A_81, %swap3A_82] {strides = array<i32>} : memref<16x384xf32, #tpu.memory_space<vmem>>, vector<16xf32>,
      tpu.vector_store %arg15[%swap3A_81, %swap3A_82], %max3A_79 {strides = array<i32>} : memref<16x384xf32, #tpu.memory_space<vmem>>, vector<16xf32>,
      %add3A_84 = arith.addf %gather3A_66, %gather3A_67 : vector<16xf32>
      %add3A_85 = arith.addf %add3A_84, %gather3A_68 : vector<16xf32>
      %mul3A_86 = arith.mulf %add3A_85, %broadcast_in_dim3A_5 : vector<16xf32>
      %swap3A_87 = arith.constant 8 : i32
      %swap3A_88 = arith.index_cast %swap3A_87 : i32 to index
      %swap3A_89 = arith.index_cast %mul3A_15 : i32 to index
      %swap3A_90 = tpu.vector_load %arg15[%swap3A_88, %swap3A_89] {strides = array<i32>} : memref<16x384xf32, #tpu.memory_space<vmem>>, vector<16xf32>,
      tpu.vector_store %arg15[%swap3A_88, %swap3A_89], %mul3A_86 {strides = array<i32>} : memref<16x384xf32, #tpu.memory_space<vmem>>, vector<16xf32>,
      %swap3A_91 = arith.constant 9 : i32
      %swap3A_92 = arith.index_cast %swap3A_91 : i32 to index
      %swap3A_93 = arith.index_cast %mul3A_15 : i32 to index
      %swap3A_94 = tpu.vector_load %arg15[%swap3A_92, %swap3A_93] {strides = array<i32>} : memref<16x384xf32, #tpu.memory_space<vmem>>, vector<16xf32>,
      tpu.vector_store %arg15[%swap3A_92, %swap3A_93], %broadcast_in_dim3A_3 {strides = array<i32>} : memref<16x384xf32, #tpu.memory_space<vmem>>, vector<16xf32>,
      %swap3A_95 = arith.constant 10 : i32
      %swap3A_96 = arith.index_cast %swap3A_95 : i32 to index
      %swap3A_97 = arith.index_cast %mul3A_15 : i32 to index
      %swap3A_98 = tpu.vector_load %arg15[%swap3A_96, %swap3A_97] {strides = array<i32>} : memref<16x384xf32, #tpu.memory_space<vmem>>, vector<16xf32>,
      tpu.vector_store %arg15[%swap3A_96, %swap3A_97], %broadcast_in_dim3A_3 {strides = array<i32>} : memref<16x384xf32, #tpu.memory_space<vmem>>, vector<16xf32>,
      %swap3A_99 = arith.constant 11 : i32
      %swap3A_100 = arith.index_cast %swap3A_99 : i32 to index
      %swap3A_101 = arith.index_cast %mul3A_15 : i32 to index
      %swap3A_102 = tpu.vector_load %arg15[%swap3A_100, %swap3A_101] {strides = array<i32>} : memref<16x384xf32, #tpu.memory_space<vmem>>, vector<16xf32>,
      tpu.vector_store %arg15[%swap3A_100, %swap3A_101], %broadcast_in_dim3A_3 {strides = array<i32>} : memref<16x384xf32, #tpu.memory_space<vmem>>, vector<16xf32>,
      %swap3A_103 = arith.constant 12 : i32
      %swap3A_104 = arith.index_cast %swap3A_103 : i32 to index
      %swap3A_105 = arith.index_cast %mul3A_15 : i32 to index
      %swap3A_106 = tpu.vector_load %arg15[%swap3A_104, %swap3A_105] {strides = array<i32>} : memref<16x384xf32, #tpu.memory_space<vmem>>, vector<16xf32>,
      tpu.vector_store %arg15[%swap3A_104, %swap3A_105], %broadcast_in_dim3A_3 {strides = array<i32>} : memref<16x384xf32, #tpu.memory_space<vmem>>, vector<16xf32>,
      %swap3A_107 = arith.constant 13 : i32
      %swap3A_108 = arith.index_cast %swap3A_107 : i32 to index
      %swap3A_109 = arith.index_cast %mul3A_15 : i32 to index
      %swap3A_110 = tpu.vector_load %arg15[%swap3A_108, %swap3A_109] {strides = array<i32>} : memref<16x384xf32, #tpu.memory_space<vmem>>, vector<16xf32>,
      tpu.vector_store %arg15[%swap3A_108, %swap3A_109], %broadcast_in_dim3A_3 {strides = array<i32>} : memref<16x384xf32, #tpu.memory_space<vmem>>, vector<16xf32>,
      %swap3A_111 = arith.constant 14 : i32
      %swap3A_112 = arith.index_cast %swap3A_111 : i32 to index
      %swap3A_113 = arith.index_cast %mul3A_15 : i32 to index
      %swap3A_114 = tpu.vector_load %arg15[%swap3A_112, %swap3A_113] {strides = array<i32>} : memref<16x384xf32, #tpu.memory_space<vmem>>, vector<16xf32>,
      tpu.vector_store %arg15[%swap3A_112, %swap3A_113], %broadcast_in_dim3A_3 {strides = array<i32>} : memref<16x384xf32, #tpu.memory_space<vmem>>, vector<16xf32>,
      %swap3A_115 = arith.constant 15 : i32
      %swap3A_116 = arith.index_cast %swap3A_115 : i32 to index
      %swap3A_117 = arith.index_cast %mul3A_15 : i32 to index
      %swap3A_118 = tpu.vector_load %arg15[%swap3A_116, %swap3A_117] {strides = array<i32>} : memref<16x384xf32, #tpu.memory_space<vmem>>, vector<16xf32>,
      tpu.vector_store %arg15[%swap3A_116, %swap3A_117], %broadcast_in_dim3A_3 {strides = array<i32>} : memref<16x384xf32, #tpu.memory_space<vmem>>, vector<16xf32>,
      %scan3A_119 = arith.constant 0 : i32
      scf.yield %scan3A_119 : i32
    }
    %scan3A_11 = arith.constant 24 : i32
    "tpu.region"() ({
      %run_scoped3A = tpu.sem_alloc : memref<!tpu.dma_semaphore, #tpu.memory_space<semaphore_mem>>
      %dma_start3A = arith.constant 0 : i32
      %dma_start3A_12 = tpu.memref_slice %arg8[%dma_start3A, %multiple_of3A] : memref<16x12288xf32, #tpu.memory_space<hbm>> -> memref<16x384xf32, #tpu.memory_space<hbm>>
      %dma_start3A_13 = arith.constant 0 : i32
      %dma_start3A_14 = tpu.memref_slice %arg8[%dma_start3A_13, %multiple_of3A] : memref<16x12288xf32, #tpu.memory_space<hbm>> -> memref<16x384xf32, #tpu.memory_space<hbm>>
      tpu.enqueue_dma source(%arg15 : memref<16x384xf32, #tpu.memory_space<vmem>>) target(%dma_start3A_14 : memref<16x384xf32, #tpu.memory_space<hbm>>) target_semaphore(%run_scoped3A : memref<!tpu.dma_semaphore, #tpu.memory_space<semaphore_mem>>)
      %dma_wait3A = arith.constant 0 : i32
      %dma_wait3A_15 = tpu.memref_slice %arg8[%dma_wait3A, %multiple_of3A] : memref<16x12288xf32, #tpu.memory_space<hbm>> -> memref<16x384xf32, #tpu.memory_space<hbm>>
      %dma_wait3A_16 = arith.constant 0 : i32
      %dma_wait3A_17 = tpu.memref_slice %arg8[%dma_wait3A_16, %multiple_of3A] : memref<16x12288xf32, #tpu.memory_space<hbm>> -> memref<16x384xf32, #tpu.memory_space<hbm>>
      tpu.wait_dma2 semaphore(%run_scoped3A : memref<!tpu.dma_semaphore, #tpu.memory_space<semaphore_mem>>) src(%arg15 : memref<16x384xf32, #tpu.memory_space<vmem>>) dst(%dma_wait3A_17 : memref<16x384xf32, #tpu.memory_space<hbm>>)
      tpu.yield
    }) : () -> ()
    return
  }
}

module attributes {stable_mosaic.version = 14 : i64} {
  func.func @_mm1_body(%arg0: i32, %arg1: memref<1000x128xf32, #tpu.memory_space<vmem>>, %arg2: memref<1x16x1000xf32, #tpu.memory_space<vmem>>, %arg3: memref<128x128xf32, #tpu.memory_space<vmem>>, %arg4: memref<16x128xf32, #tpu.memory_space<vmem>>, %arg5: memref<1x128xf32, #tpu.memory_space<vmem>>, %arg6: memref<1000x128xf32, #tpu.memory_space<vmem>>, %arg7: memref<1000x128xf32, #tpu.memory_space<vmem>>) attributes {dimension_semantics = [#tpu.dimension_semantics<arbitrary>], iteration_bounds = array<i64: 10>, scalar_prefetch = 0 : i64, scratch_operands = 0 : i64, tpu.core_type = #tpu.core_type<tc>, window_params = [{transform_indices = @transform_0, window_bounds = array<i64: 1000, 128>}, {transform_indices = @transform_1, window_bounds = array<i64: 1, 16, 1000>}, {pipeline_mode = #tpu.pipeline_mode<synchronous>, transform_indices = @transform_2, window_bounds = array<i64: 128, 128>}, {pipeline_mode = #tpu.pipeline_mode<synchronous>, transform_indices = @transform_3, window_bounds = array<i64: 16, 128>}, {pipeline_mode = #tpu.pipeline_mode<synchronous>, transform_indices = @transform_4, window_bounds = array<i64: 1, 128>}, {transform_indices = @transform_5, window_bounds = array<i64: 1000, 128>}, {transform_indices = @transform_6, window_bounds = array<i64: 1000, 128>}]} {
    %get3A = arith.constant 0 : index
    %get3A_0 = arith.constant 0 : index
    %get3A_1 = vector.load %arg1[%get3A, %get3A_0] : memref<1000x128xf32, #tpu.memory_space<vmem>>, vector<1000x128xf32>
    %get3A_2 = arith.constant 0 : index
    %get3A_3 = arith.constant 0 : index
    %get3A_4 = vector.load %arg3[%get3A_2, %get3A_3] : memref<128x128xf32, #tpu.memory_space<vmem>>, vector<128x128xf32>
    %dot_general3A = arith.constant dense<0.000000e+00> : vector<1000x128xf32>
    %dot_general3A_5 = tpu.matmul %get3A_1, %get3A_4, %dot_general3A {dimension_numbers = #tpu.dot_dimension_numbers<[1], [0], [0], [1], [0, 0, 1, 1], [], []>, transpose_lhs_hint = false} : vector<1000x128xf32>, vector<128x128xf32>, vector<1000x128xf32> -> vector<1000x128xf32>
    %get3A_6 = arith.constant 0 : index
    %get3A_7 = arith.constant 0 : index
    %get3A_8 = arith.constant 0 : index
    %get3A_9 = vector.load %arg2[%get3A_6, %get3A_7, %get3A_8] : memref<1x16x1000xf32, #tpu.memory_space<vmem>>, vector<1x16x1000xf32>
    %get3A_10 = vector.shape_cast %get3A_9 : vector<1x16x1000xf32> to vector<16x1000xf32>
    %get3A_11 = arith.constant 0 : index
    %get3A_12 = arith.constant 0 : index
    %get3A_13 = vector.load %arg4[%get3A_11, %get3A_12] : memref<16x128xf32, #tpu.memory_space<vmem>>, vector<16x128xf32>
    %dot_general3A_14 = arith.constant dense<0.000000e+00> : vector<1000x128xf32>
    %dot_general3A_15 = tpu.matmul %get3A_10, %get3A_13, %dot_general3A_14 {dimension_numbers = #tpu.dot_dimension_numbers<[0], [0], [1], [1], [0, 1, 1, 1], [], []>, transpose_lhs_hint = false} : vector<16x1000xf32>, vector<16x128xf32>, vector<1000x128xf32> -> vector<1000x128xf32>
    %add3A = arith.addf %dot_general3A_5, %dot_general3A_15 : vector<1000x128xf32>
    %swap3A = arith.constant 0 : index
    %swap3A_16 = arith.constant 0 : index
    %swap3A_17 = vector.load %arg7[%swap3A, %swap3A_16] : memref<1000x128xf32, #tpu.memory_space<vmem>>, vector<1000x128xf32>
    tpu.vector_store %arg7[%swap3A, %swap3A_16], %add3A {strides = array<i32>} : memref<1000x128xf32, #tpu.memory_space<vmem>>, vector<1000x128xf32>,
    %get3A_18 = arith.constant 0 : index
    %get3A_19 = arith.constant 0 : index
    %get3A_20 = vector.load %arg5[%get3A_18, %get3A_19] : memref<1x128xf32, #tpu.memory_space<vmem>>, vector<1x128xf32>
    %add3A_21 = vector.broadcast %get3A_20 : vector<1x128xf32> to vector<1000x128xf32>
    %add3A_22 = arith.addf %add3A, %add3A_21 : vector<1000x128xf32>
    %swap3A_23 = arith.constant 0 : index
    %swap3A_24 = arith.constant 0 : index
    %swap3A_25 = vector.load %arg6[%swap3A_23, %swap3A_24] : memref<1000x128xf32, #tpu.memory_space<vmem>>, vector<1000x128xf32>
    tpu.vector_store %arg6[%swap3A_23, %swap3A_24], %add3A_22 {strides = array<i32>} : memref<1000x128xf32, #tpu.memory_space<vmem>>, vector<1000x128xf32>,
    return
  }
  func.func @transform_0(%arg0: i32) -> (i32, i32) {
    %c0_i32 = arith.constant 0 : i32
    %c0_i32_0 = arith.constant 0 : i32
    return %arg0, %c0_i32 : i32, i32
  }
  func.func @transform_1(%arg0: i32) -> (i32, i32, i32) {
    %c0_i32 = arith.constant 0 : i32
    %c0_i32_0 = arith.constant 0 : i32
    %c0_i32_1 = arith.constant 0 : i32
    return %arg0, %c0_i32, %c0_i32_0 : i32, i32, i32
  }
  func.func @transform_2(%arg0: i32) -> (i32, i32) {
    %c0_i32 = arith.constant 0 : i32
    %c0_i32_0 = arith.constant 0 : i32
    %c0_i32_1 = arith.constant 0 : i32
    return %c0_i32, %c0_i32_0 : i32, i32
  }
  func.func @transform_3(%arg0: i32) -> (i32, i32) {
    %c0_i32 = arith.constant 0 : i32
    %c0_i32_0 = arith.constant 0 : i32
    %c0_i32_1 = arith.constant 0 : i32
    return %c0_i32, %c0_i32_0 : i32, i32
  }
  func.func @transform_4(%arg0: i32) -> (i32, i32) {
    %c0_i32 = arith.constant 0 : i32
    %c0_i32_0 = arith.constant 0 : i32
    %c0_i32_1 = arith.constant 0 : i32
    return %c0_i32, %c0_i32_0 : i32, i32
  }
  func.func @transform_5(%arg0: i32) -> (i32, i32) {
    %c0_i32 = arith.constant 0 : i32
    %c0_i32_0 = arith.constant 0 : i32
    return %arg0, %c0_i32 : i32, i32
  }
  func.func @transform_6(%arg0: i32) -> (i32, i32) {
    %c0_i32 = arith.constant 0 : i32
    %c0_i32_0 = arith.constant 0 : i32
    return %arg0, %c0_i32 : i32, i32
  }
}

module attributes {stable_mosaic.version = 14 : i64} {
  func.func @_mm2_body(%arg0: i32, %arg1: memref<1000x256xf32, #tpu.memory_space<vmem>>, %arg2: memref<1000x256xf32, #tpu.memory_space<vmem>>, %arg3: memref<128x128xf32, #tpu.memory_space<vmem>>, %arg4: memref<1x128xf32, #tpu.memory_space<vmem>>, %arg5: memref<1000x128xf32, #tpu.memory_space<vmem>>) attributes {dimension_semantics = [#tpu.dimension_semantics<arbitrary>], iteration_bounds = array<i64: 10>, scalar_prefetch = 0 : i64, scratch_operands = 0 : i64, tpu.core_type = #tpu.core_type<tc>, window_params = [{transform_indices = @transform_0, window_bounds = array<i64: 1000, 256>}, {transform_indices = @transform_1, window_bounds = array<i64: 1000, 256>}, {pipeline_mode = #tpu.pipeline_mode<synchronous>, transform_indices = @transform_2, window_bounds = array<i64: 128, 128>}, {pipeline_mode = #tpu.pipeline_mode<synchronous>, transform_indices = @transform_3, window_bounds = array<i64: 1, 128>}, {transform_indices = @transform_4, window_bounds = array<i64: 1000, 128>}]} {
    %get3A = arith.constant 0 : index
    %get3A_0 = arith.constant 0 : index
    %get3A_1 = vector.load %arg1[%get3A, %get3A_0] : memref<1000x256xf32, #tpu.memory_space<vmem>>, vector<1000x128xf32>
    %get3A_2 = arith.constant 0 : index
    %get3A_3 = arith.constant 0 : index
    %get3A_4 = vector.load %arg2[%get3A_2, %get3A_3] : memref<1000x256xf32, #tpu.memory_space<vmem>>, vector<1000x128xf32>
    %add3A = arith.addf %get3A_1, %get3A_4 : vector<1000x128xf32>
    %get3A_5 = arith.constant 0 : index
    %get3A_6 = arith.constant 128 : index
    %get3A_7 = vector.load %arg1[%get3A_5, %get3A_6] : memref<1000x256xf32, #tpu.memory_space<vmem>>, vector<1000x1xf32>
    %get3A_8 = arith.constant 0 : index
    %get3A_9 = arith.constant 128 : index
    %get3A_10 = vector.load %arg2[%get3A_8, %get3A_9] : memref<1000x256xf32, #tpu.memory_space<vmem>>, vector<1000x1xf32>
    %add3A_11 = arith.addf %get3A_7, %get3A_10 : vector<1000x1xf32>
    %get3A_12 = arith.constant 0 : index
    %get3A_13 = arith.constant 0 : index
    %get3A_14 = vector.load %arg3[%get3A_12, %get3A_13] : memref<128x128xf32, #tpu.memory_space<vmem>>, vector<128x128xf32>
    %dot_general3A = arith.constant dense<0.000000e+00> : vector<1000x128xf32>
    %dot_general3A_15 = tpu.matmul %add3A, %get3A_14, %dot_general3A {dimension_numbers = #tpu.dot_dimension_numbers<[1], [0], [0], [1], [0, 0, 1, 1], [], []>, transpose_lhs_hint = false} : vector<1000x128xf32>, vector<128x128xf32>, vector<1000x128xf32> -> vector<1000x128xf32>
    %get3A_16 = arith.constant 0 : index
    %get3A_17 = arith.constant 0 : index
    %get3A_18 = vector.load %arg4[%get3A_16, %get3A_17] : memref<1x128xf32, #tpu.memory_space<vmem>>, vector<1x128xf32>
    %mul3A = vector.broadcast %add3A_11 : vector<1000x1xf32> to vector<1000x128xf32>
    %mul3A_19 = vector.broadcast %get3A_18 : vector<1x128xf32> to vector<1000x128xf32>
    %mul3A_20 = arith.mulf %mul3A, %mul3A_19 : vector<1000x128xf32>
    %add3A_21 = arith.addf %dot_general3A_15, %mul3A_20 : vector<1000x128xf32>
    %swap3A = arith.constant 0 : index
    %swap3A_22 = arith.constant 0 : index
    %swap3A_23 = vector.load %arg5[%swap3A, %swap3A_22] : memref<1000x128xf32, #tpu.memory_space<vmem>>, vector<1000x128xf32>
    tpu.vector_store %arg5[%swap3A, %swap3A_22], %add3A_21 {strides = array<i32>} : memref<1000x128xf32, #tpu.memory_space<vmem>>, vector<1000x128xf32>,
    return
  }
  func.func @transform_0(%arg0: i32) -> (i32, i32) {
    %c0_i32 = arith.constant 0 : i32
    %c0_i32_0 = arith.constant 0 : i32
    return %arg0, %c0_i32 : i32, i32
  }
  func.func @transform_1(%arg0: i32) -> (i32, i32) {
    %add3A = arith.constant 10 : i32
    %add3A_0 = arith.addi %arg0, %add3A : i32
    %c0_i32 = arith.constant 0 : i32
    %c0_i32_1 = arith.constant 0 : i32
    return %add3A_0, %c0_i32 : i32, i32
  }
  func.func @transform_2(%arg0: i32) -> (i32, i32) {
    %c0_i32 = arith.constant 0 : i32
    %c0_i32_0 = arith.constant 0 : i32
    %c0_i32_1 = arith.constant 0 : i32
    return %c0_i32, %c0_i32_0 : i32, i32
  }
  func.func @transform_3(%arg0: i32) -> (i32, i32) {
    %c0_i32 = arith.constant 0 : i32
    %c0_i32_0 = arith.constant 0 : i32
    %c0_i32_1 = arith.constant 0 : i32
    return %c0_i32, %c0_i32_0 : i32, i32
  }
  func.func @transform_4(%arg0: i32) -> (i32, i32) {
    %c0_i32 = arith.constant 0 : i32
    %c0_i32_0 = arith.constant 0 : i32
    return %arg0, %c0_i32 : i32, i32
  }
}

</mosaic_0001>

<sc_bundles>
// kernel: kernel.6.cloned.1.call-start
scs
__scs_entry_jumppad:
0x0: {  	(pc) =	sbr.rel $0x88, $3  }
0x1: {  	(tag) =	ssettag $0x0;
	lr =	simm.s32 $0x1  }
0x2: {  	[smem:$0x3F99] =	sst lr;
	_ =	strace $0xD0000000  }
0x3: {  	_ = 	snop  }
0x4: {  	_ = 	snop  }
0x5: {  	_ = 	snop  }
0x6: {  	_ = 	snop  }
0x7: {  	_ = 	snop  }
__scs_overlays_trampoline_lowered:
0x8: {  	[smem:$0x3FA8] =	sst s0  }
0x9: {  	[smem:$0x3FA9] =	sst s1  }
0xa: {  	[smem:$0x3FAA] =	sst s2  }
0xb: {  	[smem:$0x3FAB] =	sst s3  }
0xc: {  	[smem:$0x3FAC] =	sst s4  }
0xd: {  	[smem:$0x3FAD] =	sst s5  }
0xe: {  	[smem:$0x3FAE] =	sst s6  }
0xf: {  	[smem:$0x3FAF] =	sst s7  }
0x10: {  	[smem:$0x3FB0] =	sst s8  }
0x11: {  	[smem:$0x3FB1] =	sst s9;
	s0 =	simm.s32 @!p0 $0x0  }
0x12: {  	s1 =	sld [smem:$0x3F97];
	s0 =	simm.s32 @p0 $0x1  }
0x13: {  	[smem:$0x3FB2] =	sst s0;
	s0 =	simm.s32 @!p1 $0x0  }
0x14: {  	s2 =	sld [smem:$0x3F96];
	s0 =	simm.s32 @p1 $0x1  }
0x15: {  	[smem:$0x3FB3] =	sst s0;
	s0 =	simm.s32 @!p2 $0x0  }
0x16: {  	s3 =	sld [smem:$0x3FDB];
	s0 =	simm.s32 @p2 $0x1  }
0x17: {  	s4 =	simm.s32 $0x1BF5;
	[smem:$0x3FB5] =	sst s0  }
0x18: {  	s0 =	sld [smem:$0x3F98];
	_ =	swait.ge [sflag:s4], $0x0  }
0x19: {  	s7 =	sld [smem:$0x3F99]  }
0x1a: {  	s8 =	sadd.s32 $0xFFFFE003, lr  }
0x1b: {  	s9 =	sadd.s32 $0xFFFFFEF7, lr;
	s5 =	simm.s32 $0xFFFFFFFF;
	p2 =	slt.u32 s8, $0xFFFFF086  }
0x1c: {  	p1 =	slt.u32 s9, $0xF7A;
	s5 =	simm.s32 @!p2 $0x0  }
0x1d: {  	s5 =	simm.s32 @p1 $0x1;
	p0 =	seq.s32 s7, s2  }
0x1e: {  	s7 =	smul.u32 @!p0 $0xF7A, s2;
	p2 =	seq.s32 @!p0 s5, $0x0  }
0x1f: {  	s9 =	smul.u32 $0xF7A, s1;
	s8 =	simm.s32 @!p0 $0x1BF5;
	p2 =	por !p2, p0  }
0x20: {  	[sflag:s8] =	ssyncset.s32 @!p0 $0xFFFFF086;
	s6 =	sadd.s32 @!p0 s3, s7;
	s7 =	simm.s32 @!p0 $0x108  }
0x21: {  	s3 =	sadd.s32 s3, s9;
	s6 =	sadd.s32 @!p0 $0x88, s6;
	s7 =	simm.s32 @p2 $0x1082  }
0x22: {  	[simem:s7], [sflag:s8] =	dma.local @!p0 [hbm:s6], $0xF7A  }
0x23: {  	s9 =	sor.u32 $0xD0000000, s2;
	s6 =	simm.s32 $0x108;
	_ =	swait.ge @!p0 [sflag:s8], $0x0  }
0x24: {  	s3 =	sadd.s32 $0x88, s3;
	s6 =	simm.s32 @!p1 $0x1082;
	[sflag:s4] =	ssyncset.s32 $0xFFFFF086  }
0x25: {  	[simem:s6], [sflag:s4] =	dma.local [hbm:s3], $0xF7A  }
0x26: {  	[smem:$0x3F99] =	sst s1;
	(tag) =	ssettag s2;
	_ =	strace s9  }
0x27: {  	s1 =	sld [smem:$0x3FA9]  }
0x28: {  	s2 =	sld [smem:$0x3FAA]  }
0x29: {  	s4 =	sld [smem:$0x3FAC]  }
0x2a: {  	p0 =	seq.s32 s5, $0x0;
	s5 =	sld [smem:$0x3FAD]  }
0x2b: {  	s6 =	sld [smem:$0x3FAE]  }
0x2c: {  	s7 =	sld [smem:$0x3FAF]  }
0x2d: {  	s3 =	simm.s32 $0x108;
	s8 =	sld [smem:$0x3FB0]  }
0x2e: {  	s3 =	simm.s32 @!p0 $0x1082;
	s9 =	sld [smem:$0x3FB1]  }
0x2f: {  	lr =	sadd.s32 s0, s3;
	s0 =	sld [smem:$0x3FA8]  }
0x30: {  	s3 =	sld [smem:$0x3FAB]  }
0x31: {  	[smem:$0x3FB4] =	sst s10  }
0x32: {  	s10 =	sld [smem:$0x3FB2];
	_ =	sdelay $0x3  }
0x33: {  	p0 =	seq.s32 s10, $0x1;
	s10 =	sld [smem:$0x3FB4];
	_ =	sdelay $0x3  }
0x34: {  	[smem:$0x3FB4] =	sst s10  }
0x35: {  	s10 =	sld [smem:$0x3FB3];
	_ =	sdelay $0x3  }
0x36: {  	p1 =	seq.s32 s10, $0x1;
	s10 =	sld [smem:$0x3FB4];
	_ =	sdelay $0x3  }
0x37: {  	[smem:$0x3FB4] =	sst s10  }
0x38: {  	s10 =	sld [smem:$0x3FB5]  }
0x39: {  	_ = 	snop;
	(pc) =	sbr.ind lr, $3  }
0x3a: {  	_ = 	snop  }
0x3b: {  	_ = 	snop  }
0x3c: {  	p2 =	seq.s32 s10, $0x1;
	s10 =	sld [smem:$0x3FB4]  }
0x3d: {  	_ =	shalt  }
0x3e: {  	_ =	shalt  }
0x3f: {  	_ =	shalt  }
0x40: {  	_ =	shalt  }
0x41: {  	_ =	shalt  }
0x42: {  	_ =	shalt  }
0x43: {  	_ =	shalt  }
0x44: {  	_ =	shalt  }
0x45: {  	_ =	shalt  }
0x46: {  	_ =	shalt  }
0x47: {  	_ =	shalt  }
0x48: {  	_ =	shalt  }
0x49: {  	_ =	shalt  }
0x4a: {  	_ =	shalt  }
0x4b: {  	_ =	shalt  }
0x4c: {  	_ =	shalt  }
0x4d: {  	_ =	shalt  }
0x4e: {  	_ =	shalt  }
0x4f: {  	_ =	shalt  }
0x50: {  	_ =	shalt  }
0x51: {  	_ =	shalt  }
0x52: {  	_ =	shalt  }
0x53: {  	_ =	shalt  }
0x54: {  	_ =	shalt  }
0x55: {  	_ =	shalt  }
0x56: {  	_ =	shalt  }
0x57: {  	_ =	shalt  }
0x58: {  	_ =	shalt  }
0x59: {  	_ =	shalt  }
0x5a: {  	_ =	shalt  }
0x5b: {  	_ =	shalt  }
0x5c: {  	_ =	shalt  }
0x5d: {  	_ =	shalt  }
0x5e: {  	_ =	shalt  }
0x5f: {  	_ =	shalt  }
0x60: {  	_ =	shalt  }
0x61: {  	_ =	shalt  }
0x62: {  	_ =	shalt  }
0x63: {  	_ =	shalt  }
0x64: {  	_ =	shalt  }
0x65: {  	_ =	shalt  }
0x66: {  	_ =	shalt  }
0x67: {  	_ =	shalt  }
0x68: {  	_ =	shalt  }
0x69: {  	_ =	shalt  }
0x6a: {  	_ =	shalt  }
0x6b: {  	_ =	shalt  }
0x6c: {  	_ =	shalt  }
0x6d: {  	_ =	shalt  }
0x6e: {  	_ =	shalt  }
0x6f: {  	_ =	shalt  }
0x70: {  	_ =	shalt  }
0x71: {  	_ =	shalt  }
0x72: {  	_ =	shalt  }
0x73: {  	_ =	shalt  }
0x74: {  	_ =	shalt  }
0x75: {  	_ =	shalt  }
0x76: {  	_ =	shalt  }
0x77: {  	_ =	shalt  }
0x78: {  	_ =	shalt  }
0x79: {  	_ =	shalt  }
0x7a: {  	_ =	shalt  }
0x7b: {  	_ =	shalt  }
0x7c: {  	_ =	shalt  }
0x7d: {  	_ =	shalt  }
0x7e: {  	_ =	shalt  }
0x7f: {  	_ =	shalt  }
0x80: {  	_ =	shalt  }
0x81: {  	_ =	shalt  }
0x82: {  	_ =	shalt  }
0x83: {  	_ =	shalt  }
0x84: {  	_ =	shalt  }
0x85: {  	_ =	shalt  }
0x86: {  	_ =	shalt  }
0x87: {  	_ =	shalt  }
.Lfunc_end0:
.L_simem_size_0:
called_computation_lowered:
.L_overlay_start_0:
0x88: {  	s2 =	sld [smem:$0x3FD9]  }
0x89: {  	s3 =	sld [smem:$0x3FFE];
	_ =	sdelay $0x1  }
0x8a: {  	s1 =	srdreg.scid  }
0x8b: {  	s0 =	sand.u32 $0x1, s1  }
0x8c: {  	s17 =	sshll.u32 s0, $0xA;
	s2 =	sadd.s32 s3, s2  }
0x8d: {  	s2 =	sadd.s32 s2, s17  }
0x8e: {  	[smem:$0x3FC0] =	sst s2  }
0x8f: {  	_ = 	snop  }
0x90: {  	s2 =	sld [smem:$0x3FD0];
	(tm) =	ssettm $0x1  }
0x91: {  	s18 =	sld [smem:$0x3FFB];
	_ =	sdelay $0x3  }
0x92: {  	_ =	strace s18  }
0x93: {  	s3 =	sld [smem:$0x3FFC];
	_ =	sdelay $0x3  }
0x94: {  	_ =	strace s3  }
0x95: {  	s3 =	sld [smem:$0x3FFD];
	_ =	sdelay $0x3  }
0x96: {  	_ =	strace s3  }
0x97: {  	_ =	strace $0x8FFFFFFF  }
0x98: {  	s19 =	sld [smem:$0x3FDB];
	_ =	sdelay $0x1  }
0x99: {  	s4 =	simm.s32 $_scs_section_size  }
0x9a: {  	s5 =	simm.s32 $_size__tile_overlayer_lowered;
	s6 =	simm.s32 $_tile_overlayer_lowered  }
0x9b: {  	s22 =	simm.s32 $0x1BFF;
	s21 =	sshll.u32 s6, $0x1;
	s3 =	sadd.s32 s4, s19  }
0x9c: {  	s7 =	simm.s32 $0x0;
	s20 =	sshll.u32 s5, $0x1;
	s5 =	sadd.s32 s21, s3  }
0x9d: {  	[timem:s7], [sflag:s22] =	dma.local [hbm:s5], s20  }
0x9e: {  	_ =	swait.ge [sflag:s22], s20  }
0x9f: {  	s4 =	ssub.s32 $0x0, s20;
	[sflag:s22] =	ssyncset.done $0x0  }
0xa0: {  	[sflag:s22] =	ssyncadd.s32 s4;
	_ =	sdelay $0x1  }
0xa1: {  	s23 =	simm.s32 $0x1B8B  }
0xa2: {  	_ =	swait.ge [sflag:s23], $0x1  }
0xa3: {  	[sflag:s23] =	ssyncset.done $0x0  }
0xa4: {  	s25 =	simm.s32 $0x1B8E;
	s24 =	sld [smem:$0x3FFE];
	[sflag:s23] =	ssyncadd.s32 $0xFFFFFFFF  }
0xa5: {  	s26 =	simm.s32 $execute0_lowered;
	[smem:$0x3FD2] =	sst s25  }
0xa6: {  	s5 =	sshll.u32 s26, $0x1;
	_ =	strace $0x80000046;
	[dreg:$0x1] =	wrdreg $0xFFFFFFFF  }
0xa7: {  	s28 =	simm.s32 $_size_execute0_lowered;
	s3 =	sadd.s32 s3, s5;
	[dreg:$0x0] =	wrdreg $0x0  }
0xa8: {  	s5 =	sshll.u32 s28, $0x1;
	[dreg:$0x2] =	wrdreg s3  }
0xa9: {  	[dreg:$0x3] =	wrdreg s5  }
0xaa: {  	[dreg:$0x4] =	wrdreg $0xC0  }
0xab: {  	_ =	task [dreg:s7], $0x5FFFF  }
0xac: {  	[dreg:$0x1] =	wrdreg $0xFFFFFFFF  }
0xad: {  	[dreg:$0x0] =	wrdreg $0x60  }
0xae: {  	[dreg:$0x2] =	wrdreg s24  }
0xaf: {  	[dreg:$0x3] =	wrdreg s2  }
0xb0: {  	[dreg:$0x4] =	wrdreg $0x9  }
0xb1: {  	_ =	task.clear_ibuf [dreg:s7], $0x5FFFF;
	_ =	strace $0x90000046  }
0xb2: {  	s29 =	simm.s32 $0x9;
	_ =	strace $0x80000048  }
0xb3: {  	_ =	swait.ge [sflag:s29], $0x1  }
0xb4: {  	[sflag:s29] =	ssyncadd.s32 $0xFFFFFFFF  }
0xb5: {  	_ =	strace $0x90000048  }
0xb6: {  	_ =	sfence  }
0xb7: {  	s30 =	sld [smem:$0x0];
	_ =	sdelay $0x2  }
0xb8: {  	s31 =	sshll.u32 s1, $0xD;
	s1 =	sshrl.u32 s1, $0x2  }
0xb9: {  	s3 =	sand.u32 $0x4000, s31;
	s1 =	sadd.s32 s1, s30  }
0xba: {  	s0 =	sor.u32 s3, s0;
	s1 =	sshll.u32 s1, $0x11  }
0xbb: {  	s0 =	sor.u32 s1, s0  }
0xbc: {  	s0 =	sadd.s32 $0x8F2B, s0  }
0xbd: {  	[sflag:s0] =	ssyncadd.remote.s32 $0x1  }
0xbe: {  	_ =	sfence.sel $0xFFFF  }
0xbf: {  	[dreg:$0x0] =	wrdreg $0xFFFFFFFF;
	(pc) =	sbr.abs _section_cstart, $3  }
0xc0: {  	[dreg:$0x1] =	wrdreg $0xFFFFFFFF  }
0xc1: {  	_ =	task.clear_ibuf [dreg:s7], $0x2FFFF;
	_ =	strace $0x9FFFFFFF  }
0xc2: {  	(tm) =	ssettm $0x7FFFFFFF  }
0xc3: {  	_ =	shalt  }
tec
execute0_lowered:
.L_overlay_start_1:
0x0: {  	(tag) =	ssettag $0x1  }
0x1: {  	s6 =	rddreg [dreg:$0x0]  }
0x2: {  	s9 =	rddreg [dreg:$0x1]  }
0x3: {  	s0 =	rddreg [dreg:$0x2];
	s2 =	simm.s32 $0x0;
	s3 =	srdreg.scid  }
0x4: {  	s1 =	stileid.u32;
	s12 =	simm.s32 $0x1400;
	s13 =	simm.s32 $0x2800  }
0x5: {  	s14 =	simm.s32 $0xC00;
	s15 =	simm.s32 $0x18000;
	s16 =	simm.s32 $0x4080  }
0x6: {  	s17 =	simm.s32 $0x0;
	s4 =	sand.u32 $0x1, s3;
	s30 =	sshll.u32 s1, $0x1  }
0x7: {  	[smem:$0x7FF] =	sst s2;
	s3 =	sadd.s32 $0x1400, s6;
	s7 =	sor.u32 s4, s30  }
0x8: {  	s5 =	sadd.s32 $0xC00, s6;
	s10 =	ssub.s32 $0x2, s4;
	s8 =	smul.u32 $0x30, s7  }
0x9: {  	_ =	strace $0x80000047;
	s11 =	sshrl.u32 s10, $0x1;
	s31 =	smul.u32 $0x180, s7  }
0xa: {  	s4 =	sadd.s32 $0x1000, s6;
	s10 =	ssub.s32 s10, s11;
	s11 =	simm.s32 $0x1  }
0xb: {  	s8 =	sadd.s32 s8, s6;
	s9 =	sadd.s32 s9, s31;
	s10 =	smax.u32 s10, $0x1  }
0xc: {  	v0 =	vimm.f32 $0.0e+00;
	s6 =	sadd.s32 $0x2400, s8;
	s7 =	sadd.s32 $0x1E00, s8;
	s8 =	sadd.s32 $0x1800, s8  }
.LBB2_1:
0xd: {  	[tilespmem:s2], [sflag:$0x1] =	stream.linear.gather [hbm4b:s3+s2], $0x1400, $0x38;
	[tilespmem:$0x5880] =	vst v63  }
0xe: {  	_ =	swait.ge [sflag:s11], $0x1400  }
0xf: {  	[sflag:s11] =	ssyncset.done $0x0  }
0x10: {  	[sflag:s11] =	ssyncadd.s32 $0xFFFFEC00  }
0x11: {  	[tilespmem:s12], [sflag:$0x1] =	stream.linear.gather [hbm4b:s4+s2], $0x1400, $0x38;
	[tilespmem:$0x5880] =	vst v63  }
0x12: {  	_ =	swait.ge [sflag:s11], $0x1400  }
0x13: {  	[sflag:s11] =	ssyncset.done $0x0  }
0x14: {  	[sflag:s11] =	ssyncadd.s32 $0xFFFFEC00  }
0x15: {  	[tilespmem:s13], [sflag:$0x1] =	stream.linear.gather [hbm4b:s5+s2], $0x1400, $0x38;
	[tilespmem:$0x5880] =	vst v63  }
0x16: {  	_ =	swait.ge [sflag:s11], $0x1400  }
0x17: {  	[sflag:s11] =	ssyncset.done $0x0  }
0x18: {  	s18 =	simm.s32 $0x3C00;
	[sflag:s11] =	ssyncadd.s32 $0xFFFFEC00  }
0x19: {  	[tilespmem:s18], [sflag:$0x1] =	stream.linear.gather [hbm4b:s6+s2], $0x180, $0x38;
	[tilespmem:$0x5880] =	vst v63  }
0x1a: {  	_ =	swait.ge [sflag:s11], $0x180  }
0x1b: {  	[sflag:s11] =	ssyncset.done $0x0  }
0x1c: {  	s19 =	simm.s32 $0x3D80;
	[sflag:s11] =	ssyncadd.s32 $0xFFFFFE80  }
0x1d: {  	[tilespmem:s19], [sflag:$0x1] =	stream.linear.gather [hbm4b:s7+s2], $0x180, $0x38;
	[tilespmem:$0x5880] =	vst v63  }
0x1e: {  	_ =	swait.ge [sflag:s11], $0x180  }
0x1f: {  	[sflag:s11] =	ssyncset.done $0x0  }
0x20: {  	s20 =	simm.s32 $0x3F00;
	[sflag:s11] =	ssyncadd.s32 $0xFFFFFE80  }
0x21: {  	[tilespmem:s20], [sflag:$0x1] =	stream.linear.gather [hbm4b:s8+s2], $0x180, $0x38;
	[tilespmem:$0x5880] =	vst v63  }
0x22: {  	_ =	swait.ge [sflag:s11], $0x180  }
0x23: {  	[sflag:s11] =	ssyncset.done $0x0  }
0x24: {  	[sflag:s11] =	ssyncadd.s32 $0xFFFFFE80  }
0x25: {  	v1 =	vld [tilespmem:s20+$0x0]  }
0x26: {  	v2 =	vld [tilespmem:s18+$0x0]  }
0x27: {  	v3 =	vld [tilespmem:s19+$0x0];
	_ =	sdelay $0x5  }
0x28: {  	v4 =	vld.idx.msk [tilespmem:v1+s2+$0x0], $0xffff  }
0x29: {  	v5 =	vld.idx.msk [tilespmem:v2+s2+$0x0], $0xffff  }
0x2a: {  	v6 =	vld.idx.msk [tilespmem:v3+s2+$0x0], $0xffff;
	_ =	sdelay $0x3  }
0x2b: {  	v7 =	vsub.f32 v5, v4  }
0x2c: {  	v8 =	vsub.f32 v5, v6;
	v5 =	vadd.f32 v6, v5  }
0x2d: {  	v6 =	vsub.f32 v6, v4  }
0x2e: {  	s30 =	sand.u32 $0x70, s2;
	s31 =	sand.u32 $0xC00, s2;
	v9 =	vmin.f32 v8, v7;
	v4 =	vadd.f32 v4, v5  }
0x2f: {  	s19 =	sor.u32 s30, s31;
	v5 =	vmax.f32 v8, v7;
	v7 =	vmin.f32 v9, v6  }
0x30: {  	v5 =	vmax.f32 v5, v6;
	[tilespmem:s19+$0x4080] =	vst v7;
	v4 =	vmul.f32 $3.333333430e-01, v4  }
0x31: {  	[tilespmem:s19+$0x4200] =	vst v5  }
0x32: {  	[tilespmem:s19+$0x4380] =	vst v4  }
0x33: {  	v4 =	vld.idx.msk [tilespmem:v2+s12+$0x0], $0xffff  }
0x34: {  	v5 =	vld.idx.msk [tilespmem:v3+s12+$0x0], $0xffff  }
0x35: {  	v6 =	vld.idx.msk [tilespmem:v1+s12+$0x0], $0xffff;
	_ =	sdelay $0x3  }
0x36: {  	v7 =	vadd.f32 v5, v4  }
0x37: {  	v8 =	vsub.f32 v4, v5;
	v4 =	vsub.f32 v4, v6  }
0x38: {  	v5 =	vsub.f32 v5, v6;
	v7 =	vadd.f32 v6, v7  }
0x39: {  	s21 =	simm.s32 $0x3D90;
	s23 =	simm.s32 $0x3F10;
	v6 =	vmin.f32 v8, v4;
	v4 =	vmax.f32 v8, v4  }
0x3a: {  	s24 =	simm.s32 $0x0;
	s22 =	simm.s32 $0x0;
	s20 =	simm.s32 $0x10;
	v6 =	vmin.f32 v6, v5;
	v5 =	vmax.f32 v4, v5;
	v4 =	vmul.f32 $3.333333430e-01, v7  }
.LBB2_2:
0x3b: {  	s25 =	sor.u32 s22, s24  }
0x3c: {  	[tilespmem:s19+$0x4100] =	vst v6;
	s22 =	sadd.s32 $0x80, s22;
	s18 =	sadd.s32 $0x10, s18;
	s24 =	smov.u32 s20  }
0x3d: {  	p0 =	sne.s32 s20, $0x170;
	s20 =	sadd.s32 $0x10, s20;
	[tilespmem:s19+$0x4280] =	vst v5;
	s25 =	sor.u32 $0x380, s25  }
0x3e: {  	[tilespmem:s25+$0x4080] =	vst v4  }
0x3f: {  	v2 =	vld.idx.msk [tilespmem:v2+s13+$0x0], $0xffff  }
0x40: {  	v3 =	vld.idx.msk [tilespmem:v3+s13+$0x0], $0xffff  }
0x41: {  	v1 =	vld.idx.msk [tilespmem:v1+s13+$0x0], $0xffff  }
0x42: {  	[tilespmem:s19+$0x5000] =	vst v0  }
0x43: {  	[tilespmem:s19+$0x4D80] =	vst v0  }
0x44: {  	[tilespmem:s19+$0x4E00] =	vst v0  }
0x45: {  	[tilespmem:s19+$0x4E80] =	vst v0  }
0x46: {  	v4 =	vsub.f32 v2, v3;
	v5 =	vadd.f32 v3, v2;
	[tilespmem:s19+$0x4F00] =	vst v0  }
0x47: {  	v2 =	vsub.f32 v2, v1;
	[tilespmem:s19+$0x4D00] =	vst v0  }
0x48: {  	v3 =	vsub.f32 v3, v1;
	v1 =	vadd.f32 v1, v5;
	[tilespmem:s19+$0x4F80] =	vst v0  }
0x49: {  	v5 =	vmin.f32 v4, v2;
	v2 =	vmax.f32 v4, v2  }
0x4a: {  	v4 =	vmin.f32 v5, v3;
	v2 =	vmax.f32 v2, v3;
	v1 =	vmul.f32 $3.333333430e-01, v1  }
0x4b: {  	[tilespmem:s19+$0x4180] =	vst v4  }
0x4c: {  	[tilespmem:s19+$0x4300] =	vst v2  }
0x4d: {  	[tilespmem:s19+$0x4C80] =	vst v1  }
0x4e: {  	v1 =	vld [tilespmem:s23+$0x0]  }
0x4f: {  	v2 =	vld [tilespmem:s18+$0x0]  }
0x50: {  	v3 =	vld [tilespmem:s21+$0x0];
	_ =	sdelay $0x5  }
0x51: {  	v4 =	vld.idx.msk [tilespmem:v1+s2+$0x0], $0xffff  }
0x52: {  	v5 =	vld.idx.msk [tilespmem:v2+s2+$0x0], $0xffff  }
0x53: {  	v6 =	vld.idx.msk [tilespmem:v3+s2+$0x0], $0xffff;
	_ =	sdelay $0x4  }
0x54: {  	v7 =	vsub.f32 v5, v4  }
0x55: {  	v8 =	vsub.f32 v5, v6;
	v5 =	vadd.f32 v6, v5  }
0x56: {  	v6 =	vsub.f32 v6, v4  }
0x57: {  	s25 =	sand.u32 $0xC00, s22;
	s19 =	sand.u32 $0x70, s24;
	v9 =	vmin.f32 v8, v7;
	v7 =	vmax.f32 v8, v7;
	v4 =	vadd.f32 v4, v5  }
0x58: {  	s19 =	sor.u32 s19, s25;
	v5 =	vmin.f32 v9, v6;
	v6 =	vmax.f32 v7, v6  }
0x59: {  	v4 =	vmul.f32 $3.333333430e-01, v4;
	[tilespmem:s19+$0x4080] =	vst v5  }
0x5a: {  	[tilespmem:s19+$0x4200] =	vst v6  }
0x5b: {  	[tilespmem:s19+$0x4380] =	vst v4  }
0x5c: {  	v4 =	vld.idx.msk [tilespmem:v2+s12+$0x0], $0xffff  }
0x5d: {  	v5 =	vld.idx.msk [tilespmem:v3+s12+$0x0], $0xffff  }
0x5e: {  	v6 =	vld.idx.msk [tilespmem:v1+s12+$0x0], $0xffff;
	_ =	sdelay $0x4  }
.Ltmp0:
0x5f: {  	v7 =	vsub.f32 v4, v5;
	v8 =	vadd.f32 v5, v4;
	(pc) =	sbr.rel @p0 .LBB2_2-.Ltmp0, $4  }
0x60: {  	v4 =	vsub.f32 v4, v6;
	v5 =	vsub.f32 v5, v6  }
0x61: {  	v8 =	vadd.f32 v6, v8  }
0x62: {  	v6 =	vmin.f32 v7, v4;
	v4 =	vmax.f32 v7, v4  }
0x63: {  	s23 =	sadd.s32 $0x10, s23;
	s21 =	sadd.s32 $0x10, s21;
	v6 =	vmin.f32 v6, v5;
	v5 =	vmax.f32 v4, v5;
	v4 =	vmul.f32 $3.333333430e-01, v8  }
0x64: {  	_ = 	snop  }
0x65: {  	[tilespmem:s19+$0x4100] =	vst v6;
	s18 =	sor.u32 s22, s24  }
0x66: {  	[tilespmem:s19+$0x4280] =	vst v5;
	s18 =	sor.u32 $0x380, s18  }
0x67: {  	[tilespmem:s18+$0x4080] =	vst v4  }
0x68: {  	v2 =	vld.idx.msk [tilespmem:v2+s13+$0x0], $0xffff  }
0x69: {  	v3 =	vld.idx.msk [tilespmem:v3+s13+$0x0], $0xffff  }
0x6a: {  	v1 =	vld.idx.msk [tilespmem:v1+s13+$0x0], $0xffff;
	_ =	sdelay $0x1  }
0x6b: {  	[tilespmem:s19+$0x5000] =	vst v0  }
0x6c: {  	[tilespmem:s19+$0x4D80] =	vst v0  }
0x6d: {  	[tilespmem:s19+$0x4E00] =	vst v0;
	v60 =	vsub.f32 v2, v3  }
0x6e: {  	[tilespmem:s19+$0x4E80] =	vst v0;
	v61 =	vadd.f32 v3, v2;
	v2 =	vsub.f32 v2, v1  }
0x6f: {  	[tilespmem:s19+$0x4F00] =	vst v0;
	v3 =	vsub.f32 v3, v1  }
0x70: {  	[tilespmem:s19+$0x4D00] =	vst v0;
	v1 =	vadd.f32 v1, v61;
	v62 =	vmin.f32 v60, v2  }
0x71: {  	[tilespmem:s19+$0x4F80] =	vst v0;
	v2 =	vmax.f32 v60, v2;
	v63 =	vmin.f32 v62, v3  }
0x72: {  	s17 =	sadd.s32 $0x1, s17;
	v2 =	vmax.f32 v2, v3;
	v1 =	vmul.f32 $3.333333430e-01, v1;
	[tilespmem:s19+$0x4180] =	vst v63  }
0x73: {  	p0 =	sne.s32 s17, s10;
	[tilespmem:s19+$0x4300] =	vst v2  }
.Ltmp1:
0x74: {  	[tilespmem:s19+$0x4C80] =	vst v1;
	(pc) =	sbr.rel @p0 .LBB2_1-.Ltmp1, $4  }
0x75: {  	[hbm4b:s9+s14] =	stream.strided.scatter [tilespmem:s16], [sflag:$0x1], $0x1800, s15, s14, $0x38;
	[tilespmem:$0x5880] =	vst v63  }
0x76: {  	_ =	swait.ge [sflag:s11], $0x1800  }
0x77: {  	[sflag:s11] =	ssyncset.done $0x0  }
0x78: {  	[sflag:s11] =	ssyncadd.s32 $0xFFFFE800  }
0x79: {  	_ =	sfence.sel $0x180000  }
0x7a: {  	[bflag:$0x0] =	sbarrier.arrive $0xFFFF  }
0x7b: {  	p0 =	sne.s32 s1, $0x0;
	_ =	strace $0x90000047  }
0x7c: {  	s0 =	sadd.s32 @!p0 $0x100000, s0;
	[bflag:$0x2] =	sbarrier.arrive $0xFFFF  }
0x7d: {  	[sflag:s0] =	ssyncadd.tile.s32 @!p0 $0x1;
	_ =	shalt  }
.Lfunc_end2:
_tile_overlayer_lowered:
.L_overlay_start_2:
0x7e: {  	(tag) =	ssettag $0x2  }
0x7f: {  	s0 =	rddreg [dreg:$0x0];
	s2 =	stileid.u32  }
0x80: {  	s1 =	rddreg [dreg:$0x1];
	p0 =	sne.s32 s2, $0x0  }
0x81: {  	s3 =	rddreg [dreg:$0x2];
	[bflag:$0x3] =	sbarrier.arrive $0xFFFF;
	s2 =	simm.s32 @!p0 $0x1C01  }
0x82: {  	[timem:s3], [sflag:s2] =	dma.local @!p0 [hbm:s0], s1  }
0x83: {  	s0 =	simm.s32 @!p0 $0x1  }
0x84: {  	_ =	swait.ge @!p0 [sflag:s0], s1  }
0x85: {  	s1 =	ssub.s32 @!p0 $0x0, s1;
	[sflag:s0] =	ssyncset.done @!p0 $0x0  }
0x86: {  	[sflag:s0] =	ssyncadd.s32 @!p0 s1  }
0x87: {  	[bflag:$0x3] =	sbarrier.arrive $0xFFFF  }
0x88: {  	_ =	shalt  }

// kernel: kernel.9.cloned.1.call-start
scs
__scs_entry_jumppad:
0x0: {  	(pc) =	sbr.rel $0x88, $3  }
0x1: {  	(tag) =	ssettag $0x0;
	lr =	simm.s32 $0x1  }
0x2: {  	[smem:$0x3F99] =	sst lr;
	_ =	strace $0xD0000000  }
0x3: {  	_ = 	snop  }
0x4: {  	_ = 	snop  }
0x5: {  	_ = 	snop  }
0x6: {  	_ = 	snop  }
0x7: {  	_ = 	snop  }
__scs_overlays_trampoline_lowered:
0x8: {  	[smem:$0x3FA8] =	sst s0  }
0x9: {  	[smem:$0x3FA9] =	sst s1  }
0xa: {  	[smem:$0x3FAA] =	sst s2  }
0xb: {  	[smem:$0x3FAB] =	sst s3  }
0xc: {  	[smem:$0x3FAC] =	sst s4  }
0xd: {  	[smem:$0x3FAD] =	sst s5  }
0xe: {  	[smem:$0x3FAE] =	sst s6  }
0xf: {  	[smem:$0x3FAF] =	sst s7  }
0x10: {  	[smem:$0x3FB0] =	sst s8  }
0x11: {  	[smem:$0x3FB1] =	sst s9;
	s0 =	simm.s32 @!p0 $0x0  }
0x12: {  	s1 =	sld [smem:$0x3F97];
	s0 =	simm.s32 @p0 $0x1  }
0x13: {  	[smem:$0x3FB2] =	sst s0;
	s0 =	simm.s32 @!p1 $0x0  }
0x14: {  	s2 =	sld [smem:$0x3F96];
	s0 =	simm.s32 @p1 $0x1  }
0x15: {  	[smem:$0x3FB3] =	sst s0;
	s0 =	simm.s32 @!p2 $0x0  }
0x16: {  	s3 =	sld [smem:$0x3FDB];
	s0 =	simm.s32 @p2 $0x1  }
0x17: {  	s4 =	simm.s32 $0x1BF5;
	[smem:$0x3FB5] =	sst s0  }
0x18: {  	s0 =	sld [smem:$0x3F98];
	_ =	swait.ge [sflag:s4], $0x0  }
0x19: {  	s7 =	sld [smem:$0x3F99]  }
0x1a: {  	s8 =	sadd.s32 $0xFFFFE003, lr  }
0x1b: {  	s9 =	sadd.s32 $0xFFFFFEF7, lr;
	s5 =	simm.s32 $0xFFFFFFFF;
	p2 =	slt.u32 s8, $0xFFFFF086  }
0x1c: {  	p1 =	slt.u32 s9, $0xF7A;
	s5 =	simm.s32 @!p2 $0x0  }
0x1d: {  	s5 =	simm.s32 @p1 $0x1;
	p0 =	seq.s32 s7, s2  }
0x1e: {  	s7 =	smul.u32 @!p0 $0xF7A, s2;
	p2 =	seq.s32 @!p0 s5, $0x0  }
0x1f: {  	s9 =	smul.u32 $0xF7A, s1;
	s8 =	simm.s32 @!p0 $0x1BF5;
	p2 =	por !p2, p0  }
0x20: {  	[sflag:s8] =	ssyncset.s32 @!p0 $0xFFFFF086;
	s6 =	sadd.s32 @!p0 s3, s7;
	s7 =	simm.s32 @!p0 $0x108  }
0x21: {  	s3 =	sadd.s32 s3, s9;
	s6 =	sadd.s32 @!p0 $0x88, s6;
	s7 =	simm.s32 @p2 $0x1082  }
0x22: {  	[simem:s7], [sflag:s8] =	dma.local @!p0 [hbm:s6], $0xF7A  }
0x23: {  	s9 =	sor.u32 $0xD0000000, s2;
	s6 =	simm.s32 $0x108;
	_ =	swait.ge @!p0 [sflag:s8], $0x0  }
0x24: {  	s3 =	sadd.s32 $0x88, s3;
	s6 =	simm.s32 @!p1 $0x1082;
	[sflag:s4] =	ssyncset.s32 $0xFFFFF086  }
0x25: {  	[simem:s6], [sflag:s4] =	dma.local [hbm:s3], $0xF7A  }
0x26: {  	[smem:$0x3F99] =	sst s1;
	(tag) =	ssettag s2;
	_ =	strace s9  }
0x27: {  	s1 =	sld [smem:$0x3FA9]  }
0x28: {  	s2 =	sld [smem:$0x3FAA]  }
0x29: {  	s4 =	sld [smem:$0x3FAC]  }
0x2a: {  	p0 =	seq.s32 s5, $0x0;
	s5 =	sld [smem:$0x3FAD]  }
0x2b: {  	s6 =	sld [smem:$0x3FAE]  }
0x2c: {  	s7 =	sld [smem:$0x3FAF]  }
0x2d: {  	s3 =	simm.s32 $0x108;
	s8 =	sld [smem:$0x3FB0]  }
0x2e: {  	s3 =	simm.s32 @!p0 $0x1082;
	s9 =	sld [smem:$0x3FB1]  }
0x2f: {  	lr =	sadd.s32 s0, s3;
	s0 =	sld [smem:$0x3FA8]  }
0x30: {  	s3 =	sld [smem:$0x3FAB]  }
0x31: {  	[smem:$0x3FB4] =	sst s10  }
0x32: {  	s10 =	sld [smem:$0x3FB2];
	_ =	sdelay $0x3  }
0x33: {  	p0 =	seq.s32 s10, $0x1;
	s10 =	sld [smem:$0x3FB4];
	_ =	sdelay $0x3  }
0x34: {  	[smem:$0x3FB4] =	sst s10  }
0x35: {  	s10 =	sld [smem:$0x3FB3];
	_ =	sdelay $0x3  }
0x36: {  	p1 =	seq.s32 s10, $0x1;
	s10 =	sld [smem:$0x3FB4];
	_ =	sdelay $0x3  }
0x37: {  	[smem:$0x3FB4] =	sst s10  }
0x38: {  	s10 =	sld [smem:$0x3FB5]  }
0x39: {  	_ = 	snop;
	(pc) =	sbr.ind lr, $3  }
0x3a: {  	_ = 	snop  }
0x3b: {  	_ = 	snop  }
0x3c: {  	p2 =	seq.s32 s10, $0x1;
	s10 =	sld [smem:$0x3FB4]  }
0x3d: {  	_ =	shalt  }
0x3e: {  	_ =	shalt  }
0x3f: {  	_ =	shalt  }
0x40: {  	_ =	shalt  }
0x41: {  	_ =	shalt  }
0x42: {  	_ =	shalt  }
0x43: {  	_ =	shalt  }
0x44: {  	_ =	shalt  }
0x45: {  	_ =	shalt  }
0x46: {  	_ =	shalt  }
0x47: {  	_ =	shalt  }
0x48: {  	_ =	shalt  }
0x49: {  	_ =	shalt  }
0x4a: {  	_ =	shalt  }
0x4b: {  	_ =	shalt  }
0x4c: {  	_ =	shalt  }
0x4d: {  	_ =	shalt  }
0x4e: {  	_ =	shalt  }
0x4f: {  	_ =	shalt  }
0x50: {  	_ =	shalt  }
0x51: {  	_ =	shalt  }
0x52: {  	_ =	shalt  }
0x53: {  	_ =	shalt  }
0x54: {  	_ =	shalt  }
0x55: {  	_ =	shalt  }
0x56: {  	_ =	shalt  }
0x57: {  	_ =	shalt  }
0x58: {  	_ =	shalt  }
0x59: {  	_ =	shalt  }
0x5a: {  	_ =	shalt  }
0x5b: {  	_ =	shalt  }
0x5c: {  	_ =	shalt  }
0x5d: {  	_ =	shalt  }
0x5e: {  	_ =	shalt  }
0x5f: {  	_ =	shalt  }
0x60: {  	_ =	shalt  }
0x61: {  	_ =	shalt  }
0x62: {  	_ =	shalt  }
0x63: {  	_ =	shalt  }
0x64: {  	_ =	shalt  }
0x65: {  	_ =	shalt  }
0x66: {  	_ =	shalt  }
0x67: {  	_ =	shalt  }
0x68: {  	_ =	shalt  }
0x69: {  	_ =	shalt  }
0x6a: {  	_ =	shalt  }
0x6b: {  	_ =	shalt  }
0x6c: {  	_ =	shalt  }
0x6d: {  	_ =	shalt  }
0x6e: {  	_ =	shalt  }
0x6f: {  	_ =	shalt  }
0x70: {  	_ =	shalt  }
0x71: {  	_ =	shalt  }
0x72: {  	_ =	shalt  }
0x73: {  	_ =	shalt  }
0x74: {  	_ =	shalt  }
0x75: {  	_ =	shalt  }
0x76: {  	_ =	shalt  }
0x77: {  	_ =	shalt  }
0x78: {  	_ =	shalt  }
0x79: {  	_ =	shalt  }
0x7a: {  	_ =	shalt  }
0x7b: {  	_ =	shalt  }
0x7c: {  	_ =	shalt  }
0x7d: {  	_ =	shalt  }
0x7e: {  	_ =	shalt  }
0x7f: {  	_ =	shalt  }
0x80: {  	_ =	shalt  }
0x81: {  	_ =	shalt  }
0x82: {  	_ =	shalt  }
0x83: {  	_ =	shalt  }
0x84: {  	_ =	shalt  }
0x85: {  	_ =	shalt  }
0x86: {  	_ =	shalt  }
0x87: {  	_ =	shalt  }
.Lfunc_end0:
.L_simem_size_0:
called_computation.1_lowered:
.L_overlay_start_0:
0x88: {  	s2 =	sld [smem:$0x3FD9]  }
0x89: {  	s3 =	sld [smem:$0x3FFE];
	_ =	sdelay $0x1  }
0x8a: {  	s1 =	srdreg.scid  }
0x8b: {  	s0 =	sand.u32 $0x1, s1  }
0x8c: {  	s17 =	sshll.u32 s0, $0xA;
	s2 =	sadd.s32 s3, s2  }
0x8d: {  	s2 =	sadd.s32 s2, s17  }
0x8e: {  	[smem:$0x3FC0] =	sst s2  }
0x8f: {  	_ = 	snop  }
0x90: {  	s2 =	sld [smem:$0x3FD0];
	(tm) =	ssettm $0x1  }
0x91: {  	s18 =	sld [smem:$0x3FFB];
	_ =	sdelay $0x3  }
0x92: {  	_ =	strace s18  }
0x93: {  	s3 =	sld [smem:$0x3FFC];
	_ =	sdelay $0x3  }
0x94: {  	_ =	strace s3  }
0x95: {  	s3 =	sld [smem:$0x3FFD];
	_ =	sdelay $0x3  }
0x96: {  	_ =	strace s3  }
0x97: {  	_ =	strace $0x8FFFFFFF  }
0x98: {  	s19 =	sld [smem:$0x3FDB];
	_ =	sdelay $0x1  }
0x99: {  	s4 =	simm.s32 $_scs_section_size  }
0x9a: {  	s5 =	simm.s32 $_size__tile_overlayer_lowered;
	s6 =	simm.s32 $_tile_overlayer_lowered  }
0x9b: {  	s22 =	simm.s32 $0x1BFF;
	s21 =	sshll.u32 s6, $0x1;
	s3 =	sadd.s32 s4, s19  }
0x9c: {  	s7 =	simm.s32 $0x0;
	s20 =	sshll.u32 s5, $0x1;
	s5 =	sadd.s32 s21, s3  }
0x9d: {  	[timem:s7], [sflag:s22] =	dma.local [hbm:s5], s20  }
0x9e: {  	_ =	swait.ge [sflag:s22], s20  }
0x9f: {  	s4 =	ssub.s32 $0x0, s20;
	[sflag:s22] =	ssyncset.done $0x0  }
0xa0: {  	[sflag:s22] =	ssyncadd.s32 s4;
	_ =	sdelay $0x1  }
0xa1: {  	s23 =	simm.s32 $0x1B8B  }
0xa2: {  	_ =	swait.ge [sflag:s23], $0x1  }
0xa3: {  	[sflag:s23] =	ssyncset.done $0x0  }
0xa4: {  	s25 =	simm.s32 $0x1B8E;
	s24 =	sld [smem:$0x3FFE];
	[sflag:s23] =	ssyncadd.s32 $0xFFFFFFFF  }
0xa5: {  	s26 =	simm.s32 $execute0_lowered;
	[smem:$0x3FD2] =	sst s25  }
0xa6: {  	s5 =	sshll.u32 s26, $0x1;
	_ =	strace $0x80000049;
	[dreg:$0x1] =	wrdreg $0xFFFFFFFF  }
0xa7: {  	s28 =	simm.s32 $_size_execute0_lowered;
	s3 =	sadd.s32 s3, s5;
	[dreg:$0x0] =	wrdreg $0x0  }
0xa8: {  	s5 =	sshll.u32 s28, $0x1;
	[dreg:$0x2] =	wrdreg s3  }
0xa9: {  	[dreg:$0x3] =	wrdreg s5  }
0xaa: {  	[dreg:$0x4] =	wrdreg $0xC0  }
0xab: {  	_ =	task [dreg:s7], $0x5FFFF  }
0xac: {  	[dreg:$0x1] =	wrdreg $0xFFFFFFFF  }
0xad: {  	[dreg:$0x0] =	wrdreg $0x60  }
0xae: {  	[dreg:$0x2] =	wrdreg s2  }
0xaf: {  	[dreg:$0x3] =	wrdreg s24  }
0xb0: {  	[dreg:$0x4] =	wrdreg $0x0  }
0xb1: {  	[dreg:$0x5] =	wrdreg $0x9  }
0xb2: {  	_ =	task.clear_ibuf [dreg:s7], $0x6FFFF;
	_ =	strace $0x90000049  }
0xb3: {  	s29 =	simm.s32 $0x9;
	_ =	strace $0x8000004B  }
0xb4: {  	_ =	swait.ge [sflag:s29], $0x1  }
0xb5: {  	[sflag:s29] =	ssyncadd.s32 $0xFFFFFFFF  }
0xb6: {  	_ =	strace $0x9000004B  }
0xb7: {  	_ =	sfence  }
0xb8: {  	s30 =	sld [smem:$0x0];
	_ =	sdelay $0x2  }
0xb9: {  	s31 =	sshll.u32 s1, $0xD;
	s1 =	sshrl.u32 s1, $0x2  }
0xba: {  	s3 =	sand.u32 $0x4000, s31;
	s1 =	sadd.s32 s1, s30  }
0xbb: {  	s0 =	sor.u32 s3, s0;
	s1 =	sshll.u32 s1, $0x11  }
0xbc: {  	s0 =	sor.u32 s1, s0  }
0xbd: {  	s0 =	sadd.s32 $0x8F2B, s0  }
0xbe: {  	[sflag:s0] =	ssyncadd.remote.s32 $0x1  }
0xbf: {  	_ =	sfence.sel $0xFFFF  }
0xc0: {  	[dreg:$0x0] =	wrdreg $0xFFFFFFFF;
	(pc) =	sbr.abs _section_cstart, $3  }
0xc1: {  	[dreg:$0x1] =	wrdreg $0xFFFFFFFF  }
0xc2: {  	_ =	task.clear_ibuf [dreg:s7], $0x2FFFF;
	_ =	strace $0x9FFFFFFF  }
0xc3: {  	(tm) =	ssettm $0x7FFFFFFF  }
tec
execute0_lowered:
.L_overlay_start_1:
0x0: {  	(tag) =	ssettag $0x1  }
0x1: {  	s1 =	rddreg [dreg:$0x0]  }
0x2: {  	s0 =	rddreg [dreg:$0x1];
	s11 =	stileid.u32  }
0x3: {  	s2 =	rddreg [dreg:$0x2];
	s8 =	smul.u32 $0x4E20, s11  }
0x4: {  	s3 =	simm.s32 $0x0;
	s7 =	sshll.u32 s11, $0x1;
	s11 =	smul.u32 $0x57E40, s11  }
0x5: {  	s4 =	srdreg.scid;
	s30 =	simm.s32 $0x2;
	s31 =	simm.s32 $0x17480  }
0x6: {  	[smem:$0x7FF] =	sst s3;
	s5 =	sadd.s32 $0x16600, s0;
	s11 =	sshrl.u32 s11, $0x2  }
0x7: {  	s4 =	sand.u32 $0x1, s4;
	s6 =	sadd.s32 $0xC800, s0;
	s28 =	sadd.s32 s11, s2  }
0x8: {  	_ =	strace $0x8000004A;
	s20 =	sadd.s32 $0xE10, s28;
	[dreg:$0x6] =	wrdreg s28  }
0x9: {  	s9 =	smul.u32 $0x4E200, s4;
	s21 =	sadd.s32 $0x1C20, s28;
	[dreg:$0x9] =	wrdreg s20  }
0xa: {  	s10 =	sor.u32 s4, s7;
	s22 =	sadd.s32 $0x2A30, s28;
	[dreg:$0xa] =	wrdreg s21  }
0xb: {  	s7 =	sadd.s32 $0x2A00, s0;
	s23 =	sadd.s32 $0x3840, s28;
	[dreg:$0xb] =	wrdreg s22  }
0xc: {  	s4 =	ssub.s32 $0x2, s4;
	s24 =	sadd.s32 $0x4650, s28;
	[dreg:$0xc] =	wrdreg s23  }
0xd: {  	s10 =	smul.u32 $0x2710, s10;
	s25 =	sadd.s32 $0x5460, s28;
	[dreg:$0xd] =	wrdreg s24  }
0xe: {  	s15 =	sshrl.u32 s4, $0x1;
	s26 =	sadd.s32 $0x6270, s28;
	[dreg:$0xe] =	wrdreg s25  }
0xf: {  	s8 =	sadd.s32 s8, s9;
	s29 =	sadd.s32 $0x7080, s28;
	[dreg:$0xf] =	wrdreg s26  }
0x10: {  	s4 =	ssub.s32 s4, s15;
	s11 =	sadd.s32 $0x8CA0, s28;
	[dreg:$0x10] =	wrdreg s29  }
0x11: {  	s0 =	sadd.s32 s8, s0;
	s12 =	sadd.s32 $0x9AB0, s28;
	[dreg:$0x14] =	wrdreg s11  }
0x12: {  	s16 =	sshrl.u32 s10, $0x3;
	s13 =	sadd.s32 $0xA8C0, s28;
	[dreg:$0x15] =	wrdreg s12  }
0x13: {  	s18 =	sadd.s32 $0x28, s10;
	s14 =	sadd.s32 $0xB6D0, s28;
	[dreg:$0x16] =	wrdreg s13  }
0x14: {  	s15 =	sadd.s32 $0xC4E0, s28;
	s17 =	sadd.s32 s6, s16;
	[dreg:$0x17] =	wrdreg s14  }
0x15: {  	s8 =	sadd.s32 s7, s16;
	s19 =	sshrl.u32 s18, $0x3;
	[dreg:$0x18] =	wrdreg s15  }
0x16: {  	s22 =	sadd.s32 $0x50, s10;
	s23 =	sadd.s32 $0x78, s10;
	[dreg:$0x4] =	wrdreg s17  }
0x17: {  	s0 =	sadd.s32 $0x3D800, s0;
	s10 =	smax.u32 s4, $0x1;
	[dreg:$0x5] =	wrdreg s8  }
0x18: {  	s16 =	sadd.s32 $0xD2F0, s28;
	s18 =	sadd.s32 $0xEF10, s28;
	[dreg:$0x12] =	wrdreg s0  }
0x19: {  	s20 =	sadd.s32 $0x10B30, s28;
	s21 =	sadd.s32 $0x11940, s28;
	[dreg:$0x13] =	wrdreg s10  }
0x1a: {  	s24 =	sadd.s32 $0x12750, s28;
	s25 =	sadd.s32 $0x13560, s28;
	[dreg:$0x19] =	wrdreg s16  }
0x1b: {  	s26 =	sadd.s32 $0x14370, s28;
	s29 =	sadd.s32 $0x15180, s28;
	[dreg:$0x1b] =	wrdreg s18  }
0x1c: {  	s4 =	simm.s32 $0x3;
	s11 =	simm.s32 $0x4;
	[dreg:$0x1d] =	wrdreg s20  }
0x1d: {  	s12 =	simm.s32 $0x16058;
	s13 =	simm.s32 $0x1C700;
	[dreg:$0x1e] =	wrdreg s21  }
0x1e: {  	s15 =	simm.s32 $0x6;
	s14 =	simm.s32 $0x0;
	[dreg:$0x1f] =	wrdreg s24  }
0x1f: {  	s9 =	sadd.s32 s6, s19;
	s8 =	sadd.s32 s7, s19;
	[smem:$0x7FB] =	sst s25  }
0x20: {  	s17 =	sadd.s32 $0xE100, s28;
	s19 =	sadd.s32 $0xFD20, s28;
	[smem:$0x7FC] =	sst s26  }
0x21: {  	[smem:$0x7FD] =	sst s29;
	s18 =	simm.s32 $0x15FE0;
	s20 =	simm.s32 $0x16008  }
0x22: {  	s21 =	simm.s32 $0x1DD80;
	s24 =	simm.s32 $0x7;
	[dreg:$0x7] =	wrdreg s9  }
0x23: {  	s25 =	simm.s32 $0x1;
	s26 =	simm.s32 $0x28;
	[dreg:$0x8] =	wrdreg s8  }
0x24: {  	s0 =	simm.s32 $0x19C80;
	s9 =	sadd.s32 $0x7E90, s28;
	[dreg:$0x1a] =	wrdreg s17  }
0x25: {  	v0 =	vimm.f32 $0.0e+00;
	vm0 =	vcmask $0x300;
	[dreg:$0x1c] =	wrdreg s19;
	s17 =	simm.s32 $0x15F90;
	s19 =	simm.s32 $0x15FB8  }
0x26: {  	v1 =	vsel vm0, $0x3F800000, v0;
	s8 =	simm.s32 $0x16030;
	[dreg:$0x11] =	wrdreg s9;
	s9 =	simm.s32 $0x1B080  }
.LBB2_1:
0x27: {  	[smem:$0x7FA] =	sst s14;
	s10 =	simm.s32 $0x440;
	s14 =	simm.s32 $0x80  }
.LBB2_2:
0x28: {  	p0 =	sne.s32 s10, $0x59C0;
	[tilespmem:s14+$0x1B080] =	vst v1;
	s16 =	smov.u32 s10;
	s10 =	sadd.s32 $0x240, s10  }
.Ltmp0:
0x29: {  	[tilespmem:s14+$0x1C700] =	vst v1;
	(pc) =	sbr.rel @p0 .LBB2_2-.Ltmp0, $2  }
0x2a: {  	_ =	sdelay $0x2  }
0x2b: {  	s14 =	sshra.s32 s16, $0x2  }
0x2c: {  	[tilespmem:s14+$0x1B080] =	vst v1  }
0x2d: {  	[tilespmem:s14+$0x1C700] =	vst v1;
	s10 =	simm.s32 $0x0;
	s16 =	rddreg [dreg:$0x4]  }
0x2e: {  	[tilespmem:s17], [sflag:$0x1] =	stream.linear.gather [hbm4b:s16+s10], $0x28, $0x38;
	[tilespmem:$0x1EB90] =	vst v63  }
0x2f: {  	s29 =	rddreg [dreg:$0x5]  }
0x30: {  	[tilespmem:s18], [sflag:$0x1] =	stream.linear.gather [hbm4b:s29+s10], $0x28, $0x38;
	[tilespmem:$0x1EB90] =	vst v63  }
0x31: {  	s16 =	rddreg [dreg:$0x7]  }
0x32: {  	[tilespmem:s19], [sflag:$0x2] =	stream.linear.gather [hbm4b:s16+s10], $0x28, $0x38;
	[tilespmem:$0x1EB90] =	vst v63  }
0x33: {  	s29 =	rddreg [dreg:$0x8]  }
0x34: {  	[tilespmem:s20], [sflag:$0x2] =	stream.linear.gather [hbm4b:s29+s10], $0x28, $0x38;
	[tilespmem:$0x1EB90] =	vst v63  }
0x35: {  	s14 =	simm.s32 $0x240;
	s10 =	simm.s32 $0x0  }
.LBB2_4:
0x36: {  	p0 =	sne.s32 s14, $0x3600;
	[tilespmem:s10+$0x1DE00] =	vst v0  }
0x37: {  	[tilespmem:s10+$0x1DD80] =	vst v0  }
0x38: {  	[tilespmem:s10+$0x1DD90] =	vst v0  }
0x39: {  	[tilespmem:s10+$0x1DDA0] =	vst v0  }
.Ltmp1:
0x3a: {  	[tilespmem:s10+$0x1DDB0] =	vst v0;
	(pc) =	sbr.rel @p0 .LBB2_4-.Ltmp1, $4  }
0x3b: {  	[tilespmem:s10+$0x1DDC0] =	vst v0  }
0x3c: {  	[tilespmem:s10+$0x1DDD0] =	vst v0  }
0x3d: {  	[tilespmem:s10+$0x1DDE0] =	vst v0  }
0x3e: {  	[tilespmem:s10+$0x1DDF0] =	vst v0;
	s10 =	sshra.s32 s14, $0x2;
	s14 =	sadd.s32 $0x240, s14  }
0x3f: {  	[tilespmem:s10+$0x1DE00] =	vst v0  }
0x40: {  	[tilespmem:s10+$0x1DD80] =	vst v0  }
0x41: {  	[tilespmem:s10+$0x1DD90] =	vst v0  }
0x42: {  	[tilespmem:s10+$0x1DDA0] =	vst v0  }
0x43: {  	[tilespmem:s10+$0x1DDB0] =	vst v0  }
0x44: {  	[tilespmem:s10+$0x1DDC0] =	vst v0  }
0x45: {  	[tilespmem:s10+$0x1DDD0] =	vst v0  }
0x46: {  	[tilespmem:s10+$0x1DDE0] =	vst v0  }
0x47: {  	[tilespmem:s10+$0x1DDF0] =	vst v0  }
0x48: {  	[spmem:s28] =	stream.linear.scatter [tilespmem:s21], [sflag:$0x7], $0xE10, $0x38;
	[tilespmem:$0x1EB90] =	vst v63  }
0x49: {  	_ =	swait.ge [sflag:s24], $0xE10  }
0x4a: {  	[sflag:s24] =	ssyncset.done $0x0  }
0x4b: {  	s28 =	rddreg [dreg:$0x9];
	[sflag:s24] =	ssyncadd.s32 $0xFFFFF1F0  }
0x4c: {  	[spmem:s28] =	stream.linear.scatter [tilespmem:s21], [sflag:$0x7], $0xE10, $0x38;
	[tilespmem:$0x1EB90] =	vst v63  }
0x4d: {  	_ =	swait.ge [sflag:s24], $0xE10  }
0x4e: {  	[sflag:s24] =	ssyncset.done $0x0  }
0x4f: {  	s29 =	rddreg [dreg:$0xa];
	[sflag:s24] =	ssyncadd.s32 $0xFFFFF1F0  }
0x50: {  	[spmem:s29] =	stream.linear.scatter [tilespmem:s21], [sflag:$0x7], $0xE10, $0x38;
	[tilespmem:$0x1EB90] =	vst v63  }
0x51: {  	_ =	swait.ge [sflag:s24], $0xE10  }
0x52: {  	[sflag:s24] =	ssyncset.done $0x0  }
0x53: {  	s14 =	rddreg [dreg:$0xb];
	[sflag:s24] =	ssyncadd.s32 $0xFFFFF1F0  }
0x54: {  	[spmem:s14] =	stream.linear.scatter [tilespmem:s21], [sflag:$0x7], $0xE10, $0x38;
	[tilespmem:$0x1EB90] =	vst v63  }
0x55: {  	_ =	swait.ge [sflag:s24], $0xE10  }
0x56: {  	[sflag:s24] =	ssyncset.done $0x0  }
0x57: {  	s16 =	rddreg [dreg:$0xc];
	[sflag:s24] =	ssyncadd.s32 $0xFFFFF1F0  }
0x58: {  	[spmem:s16] =	stream.linear.scatter [tilespmem:s21], [sflag:$0x7], $0xE10, $0x38;
	[tilespmem:$0x1EB90] =	vst v63  }
0x59: {  	_ =	swait.ge [sflag:s24], $0xE10  }
0x5a: {  	[sflag:s24] =	ssyncset.done $0x0  }
0x5b: {  	s28 =	rddreg [dreg:$0xd];
	[sflag:s24] =	ssyncadd.s32 $0xFFFFF1F0  }
0x5c: {  	[spmem:s28] =	stream.linear.scatter [tilespmem:s21], [sflag:$0x7], $0xE10, $0x38;
	[tilespmem:$0x1EB90] =	vst v63  }
0x5d: {  	_ =	swait.ge [sflag:s24], $0xE10  }
0x5e: {  	[sflag:s24] =	ssyncset.done $0x0  }
0x5f: {  	s29 =	rddreg [dreg:$0xe];
	[sflag:s24] =	ssyncadd.s32 $0xFFFFF1F0  }
0x60: {  	[spmem:s29] =	stream.linear.scatter [tilespmem:s21], [sflag:$0x7], $0xE10, $0x38;
	[tilespmem:$0x1EB90] =	vst v63  }
0x61: {  	_ =	swait.ge [sflag:s24], $0xE10  }
0x62: {  	[sflag:s24] =	ssyncset.done $0x0  }
0x63: {  	s14 =	rddreg [dreg:$0xf];
	[sflag:s24] =	ssyncadd.s32 $0xFFFFF1F0  }
0x64: {  	[spmem:s14] =	stream.linear.scatter [tilespmem:s21], [sflag:$0x7], $0xE10, $0x38;
	[tilespmem:$0x1EB90] =	vst v63  }
0x65: {  	_ =	swait.ge [sflag:s24], $0xE10  }
0x66: {  	[sflag:s24] =	ssyncset.done $0x0  }
0x67: {  	s16 =	rddreg [dreg:$0x10];
	[sflag:s24] =	ssyncadd.s32 $0xFFFFF1F0  }
0x68: {  	[spmem:s16] =	stream.linear.scatter [tilespmem:s21], [sflag:$0x7], $0xE10, $0x38;
	[tilespmem:$0x1EB90] =	vst v63  }
0x69: {  	_ =	swait.ge [sflag:s24], $0xE10  }
0x6a: {  	[sflag:s24] =	ssyncset.done $0x0  }
0x6b: {  	s28 =	rddreg [dreg:$0x11];
	[sflag:s24] =	ssyncadd.s32 $0xFFFFF1F0  }
0x6c: {  	[spmem:s28] =	stream.linear.scatter [tilespmem:s21], [sflag:$0x7], $0xE10, $0x38;
	[tilespmem:$0x1EB90] =	vst v63  }
0x6d: {  	_ =	swait.ge [sflag:s24], $0xE10  }
0x6e: {  	[sflag:s24] =	ssyncset.done $0x0  }
0x6f: {  	s29 =	rddreg [dreg:$0x14];
	[sflag:s24] =	ssyncadd.s32 $0xFFFFF1F0  }
0x70: {  	[spmem:s29] =	stream.linear.scatter [tilespmem:s21], [sflag:$0x7], $0xE10, $0x38;
	[tilespmem:$0x1EB90] =	vst v63  }
0x71: {  	_ =	swait.ge [sflag:s24], $0xE10  }
0x72: {  	[sflag:s24] =	ssyncset.done $0x0  }
0x73: {  	s14 =	rddreg [dreg:$0x15];
	[sflag:s24] =	ssyncadd.s32 $0xFFFFF1F0  }
0x74: {  	[spmem:s14] =	stream.linear.scatter [tilespmem:s21], [sflag:$0x7], $0xE10, $0x38;
	[tilespmem:$0x1EB90] =	vst v63  }
0x75: {  	_ =	swait.ge [sflag:s24], $0xE10  }
0x76: {  	[sflag:s24] =	ssyncset.done $0x0  }
0x77: {  	s16 =	rddreg [dreg:$0x16];
	[sflag:s24] =	ssyncadd.s32 $0xFFFFF1F0  }
0x78: {  	[spmem:s16] =	stream.linear.scatter [tilespmem:s21], [sflag:$0x7], $0xE10, $0x38;
	[tilespmem:$0x1EB90] =	vst v63  }
0x79: {  	_ =	swait.ge [sflag:s24], $0xE10  }
0x7a: {  	[sflag:s24] =	ssyncset.done $0x0  }
0x7b: {  	s28 =	rddreg [dreg:$0x17];
	[sflag:s24] =	ssyncadd.s32 $0xFFFFF1F0  }
0x7c: {  	[spmem:s28] =	stream.linear.scatter [tilespmem:s21], [sflag:$0x7], $0xE10, $0x38;
	[tilespmem:$0x1EB90] =	vst v63  }
0x7d: {  	_ =	swait.ge [sflag:s24], $0xE10  }
0x7e: {  	[sflag:s24] =	ssyncset.done $0x0  }
0x7f: {  	s29 =	rddreg [dreg:$0x18];
	[sflag:s24] =	ssyncadd.s32 $0xFFFFF1F0  }
0x80: {  	[spmem:s29] =	stream.linear.scatter [tilespmem:s21], [sflag:$0x7], $0xE10, $0x38;
	[tilespmem:$0x1EB90] =	vst v63  }
0x81: {  	_ =	swait.ge [sflag:s24], $0xE10  }
0x82: {  	[sflag:s24] =	ssyncset.done $0x0  }
0x83: {  	s14 =	rddreg [dreg:$0x19];
	[sflag:s24] =	ssyncadd.s32 $0xFFFFF1F0  }
0x84: {  	[spmem:s14] =	stream.linear.scatter [tilespmem:s21], [sflag:$0x7], $0xE10, $0x38;
	[tilespmem:$0x1EB90] =	vst v63  }
0x85: {  	_ =	swait.ge [sflag:s24], $0xE10  }
0x86: {  	[sflag:s24] =	ssyncset.done $0x0  }
0x87: {  	s16 =	rddreg [dreg:$0x1a];
	[sflag:s24] =	ssyncadd.s32 $0xFFFFF1F0  }
0x88: {  	[spmem:s16] =	stream.linear.scatter [tilespmem:s21], [sflag:$0x7], $0xE10, $0x38;
	[tilespmem:$0x1EB90] =	vst v63  }
0x89: {  	_ =	swait.ge [sflag:s24], $0xE10  }
0x8a: {  	[sflag:s24] =	ssyncset.done $0x0  }
0x8b: {  	s28 =	rddreg [dreg:$0x1b];
	[sflag:s24] =	ssyncadd.s32 $0xFFFFF1F0  }
0x8c: {  	[spmem:s28] =	stream.linear.scatter [tilespmem:s21], [sflag:$0x7], $0xE10, $0x38;
	[tilespmem:$0x1EB90] =	vst v63  }
0x8d: {  	_ =	swait.ge [sflag:s24], $0xE10  }
0x8e: {  	[sflag:s24] =	ssyncset.done $0x0  }
0x8f: {  	s29 =	rddreg [dreg:$0x1c];
	[sflag:s24] =	ssyncadd.s32 $0xFFFFF1F0  }
0x90: {  	[spmem:s29] =	stream.linear.scatter [tilespmem:s21], [sflag:$0x7], $0xE10, $0x38;
	[tilespmem:$0x1EB90] =	vst v63  }
0x91: {  	_ =	swait.ge [sflag:s24], $0xE10  }
0x92: {  	[sflag:s24] =	ssyncset.done $0x0  }
0x93: {  	s14 =	rddreg [dreg:$0x1d];
	[sflag:s24] =	ssyncadd.s32 $0xFFFFF1F0  }
0x94: {  	[spmem:s14] =	stream.linear.scatter [tilespmem:s21], [sflag:$0x7], $0xE10, $0x38;
	[tilespmem:$0x1EB90] =	vst v63  }
0x95: {  	_ =	swait.ge [sflag:s24], $0xE10  }
0x96: {  	[sflag:s24] =	ssyncset.done $0x0  }
0x97: {  	s16 =	rddreg [dreg:$0x1e];
	[sflag:s24] =	ssyncadd.s32 $0xFFFFF1F0  }
0x98: {  	[spmem:s16] =	stream.linear.scatter [tilespmem:s21], [sflag:$0x7], $0xE10, $0x38;
	[tilespmem:$0x1EB90] =	vst v63  }
0x99: {  	_ =	swait.ge [sflag:s24], $0xE10  }
0x9a: {  	[sflag:s24] =	ssyncset.done $0x0  }
0x9b: {  	s28 =	rddreg [dreg:$0x1f];
	[sflag:s24] =	ssyncadd.s32 $0xFFFFF1F0  }
0x9c: {  	[spmem:s28] =	stream.linear.scatter [tilespmem:s21], [sflag:$0x7], $0xE10, $0x38;
	[tilespmem:$0x1EB90] =	vst v63  }
0x9d: {  	_ =	swait.ge [sflag:s24], $0xE10  }
0x9e: {  	s29 =	sld [smem:$0x7FB]  }
0x9f: {  	[sflag:s24] =	ssyncset.done $0x0  }
0xa0: {  	[sflag:s24] =	ssyncadd.s32 $0xFFFFF1F0  }
0xa1: {  	[spmem:s29] =	stream.linear.scatter [tilespmem:s21], [sflag:$0x7], $0xE10, $0x38;
	[tilespmem:$0x1EB90] =	vst v63  }
0xa2: {  	_ =	swait.ge [sflag:s24], $0xE10  }
0xa3: {  	s14 =	sld [smem:$0x7FC]  }
0xa4: {  	[sflag:s24] =	ssyncset.done $0x0  }
0xa5: {  	[sflag:s24] =	ssyncadd.s32 $0xFFFFF1F0  }
0xa6: {  	[spmem:s14] =	stream.linear.scatter [tilespmem:s21], [sflag:$0x7], $0xE10, $0x38;
	[tilespmem:$0x1EB90] =	vst v63  }
0xa7: {  	_ =	swait.ge [sflag:s24], $0xE10  }
0xa8: {  	s16 =	sld [smem:$0x7FD]  }
0xa9: {  	[sflag:s24] =	ssyncset.done $0x0  }
0xaa: {  	[sflag:s24] =	ssyncadd.s32 $0xFFFFF1F0  }
0xab: {  	[spmem:s16] =	stream.linear.scatter [tilespmem:s21], [sflag:$0x7], $0xE10, $0x38;
	[tilespmem:$0x1EB90] =	vst v63  }
0xac: {  	_ =	swait.ge [sflag:s24], $0xE10  }
0xad: {  	[sflag:s24] =	ssyncset.done $0x0  }
0xae: {  	[sflag:s24] =	ssyncadd.s32 $0xFFFFF1F0  }
0xaf: {  	_ =	swait.ge [sflag:s25], $0x28  }
0xb0: {  	[sflag:s25] =	ssyncset.done $0x0  }
0xb1: {  	[sflag:s25] =	ssyncadd.s32 $0xFFFFFFD8  }
0xb2: {  	_ =	swait.ge [sflag:s25], $0x28  }
0xb3: {  	[sflag:s25] =	ssyncset.done $0x0  }
0xb4: {  	s28 =	simm.s32 $0x16080;
	[sflag:s25] =	ssyncadd.s32 $0xFFFFFFD8  }
0xb5: {  	[tilespmem:s28], [sflag:$0x3] =	stream.indirect.gather [hbm4b:s1+s26], $0x80, s17, s26, $0xb8;
	[tilespmem:$0x1EB90] =	vst v63  }
0xb6: {  	s29 =	simm.s32 $0x18880  }
0xb7: {  	[tilespmem:s29], [sflag:$0x3] =	stream.indirect.gather [hbm4b:s5+s26], $0x80, s18, s26, $0xb8;
	[tilespmem:$0x1EB90] =	vst v63  }
0xb8: {  	s14 =	simm.s32 $0x0;
	[bflag:$0x0] =	sbarrier.arrive $0xFFFF  }
.LBB2_6:
0xb9: {  	p0 =	seq.s32 s14, $0x0  }
0xba: {  	s10 =	simm.s32 @!p0 $0x5  }
0xbb: {  	_ =	swait.ge @!p0 [sflag:s10], $0x1680  }
0xbc: {  	[sflag:s10] =	ssyncset.done @!p0 $0x0  }
0xbd: {  	[sflag:s10] =	ssyncadd.s32 @!p0 $0xFFFFE980  }
0xbe: {  	v2 =	vld [tilespmem:$0x15F90]  }
0xbf: {  	v3 =	vld [tilespmem:$0x15FA0]  }
0xc0: {  	v4 =	vld [tilespmem:$0x15FA8];
	_ =	sdelay $0x2  }
0xc1: {  	[tilespmem:$0x16030] =	vst v2  }
0xc2: {  	[tilespmem:$0x16040] =	vst v3  }
0xc3: {  	[tilespmem:$0x16048] =	vst v4  }
0xc4: {  	_ =	swait.ge [sflag:s30], $0x28  }
0xc5: {  	[sflag:s30] =	ssyncset.done $0x0  }
0xc6: {  	[sflag:s30] =	ssyncadd.s32 $0xFFFFFFD8  }
0xc7: {  	_ =	swait.ge [sflag:s30], $0x28  }
0xc8: {  	[sflag:s30] =	ssyncset.done $0x0  }
0xc9: {  	[sflag:s30] =	ssyncadd.s32 $0xFFFFFFD8  }
0xca: {  	[tilespmem:s31], [sflag:$0x4] =	stream.indirect.gather [hbm4b:s1+s26], $0x80, s19, s26, $0xb8;
	[tilespmem:$0x1EB90] =	vst v63  }
0xcb: {  	_ = 	snop  }
0xcc: {  	[tilespmem:s0], [sflag:$0x4] =	stream.indirect.gather [hbm4b:s5+s26], $0x80, s20, s26, $0xb8;
	[tilespmem:$0x1EB90] =	vst v63  }
0xcd: {  	p0 =	seq.s32 s14, $0x7C;
	_ =	swait.ge [sflag:s4], $0x1400  }
0xce: {  	s10 =	smul.u32 @!p0 $0x50, s14;
	[sflag:s4] =	ssyncset.done $0x0  }
0xcf: {  	[sflag:s4] =	ssyncadd.s32 $0xFFFFEC00  }
0xd0: {  	s10 =	sadd.s32 @!p0 s10, s22;
	_ =	swait.ge [sflag:s4], $0x1400  }
0xd1: {  	s28 =	simm.s32 @!p0 $0x0;
	s10 =	sshrl.u32 @!p0 s10, $0x3;
	[sflag:s4] =	ssyncset.done $0x0  }
0xd2: {  	s29 =	simm.s32 @!p0 $0x15F90;
	s16 =	sadd.s32 @!p0 s6, s10;
	[sflag:s4] =	ssyncadd.s32 $0xFFFFEC00  }
0xd3: {  	[tilespmem:s29], [sflag:$0x1] =	stream.linear.gather @!p0 [hbm4b:s16+s28], $0x28, $0x38;
	[tilespmem:$0x1EB90] =	vst v63  }
0xd4: {  	s10 =	sadd.s32 @!p0 s7, s10;
	s16 =	simm.s32 @!p0 $0x15FE0  }
0xd5: {  	[tilespmem:s16], [sflag:$0x1] =	stream.linear.gather @!p0 [hbm4b:s10+s28], $0x28, $0x38;
	[tilespmem:$0x1EB90] =	vst v63  }
0xd6: {  	s28 =	simm.s32 $0x16280  }
0xd7: {  	s16 =	simm.s32 $0x18A80;
	v2 =	vld [tilespmem:s28+$0x180]  }
0xd8: {  	v3 =	vld [tilespmem:s16+$0x180]  }
0xd9: {  	v4 =	vld [tilespmem:s16+$0xFFFFFE00]  }
0xda: {  	v5 =	vld [tilespmem:s28+$0xFFFFFE80]  }
0xdb: {  	v6 =	vld [tilespmem:s16+$0xFFFFFE80]  }
0xdc: {  	v7 =	vld [tilespmem:s28+$0xFFFFFF00]  }
0xdd: {  	v8 =	vld [tilespmem:s16+$0xFFFFFF00]  }
0xde: {  	v9 =	vld [tilespmem:s16+$0xFFFFFF80]  }
0xdf: {  	v10 =	vld [tilespmem:s28+$0x0]  }
0xe0: {  	v12 =	vld [tilespmem:s16+$0x0];
	v2 =	vsub.f32 v2, v3  }
0xe1: {  	v13 =	vld [tilespmem:s28+$0x80];
	v5 =	vsub.f32 v5, v6  }
0xe2: {  	s10 =	simm.s32 $0x1B2C0;
	v3 =	vld [tilespmem:s28+$0xFFFFFF80];
	v2 =	vmax.f32 v2, $0.0e+00  }
0xe3: {  	v14 =	vld [tilespmem:s28+$0x100];
	v5 =	vmax.f32 v5, $0.0e+00;
	[tilespmem:s10+$0x1B0] =	vst v2  }
0xe4: {  	[tilespmem:s10+$0xFFFFFE50] =	vst v5;
	v5 =	vld [tilespmem:s28+$0xFFFFFE00]  }
0xe5: {  	v7 =	vsub.f32 v7, v8;
	v2 =	vld [tilespmem:s28+$0x190]  }
0xe6: {  	v11 =	vld [tilespmem:s16+$0x190]  }
0xe7: {  	v6 =	vld [tilespmem:s16+$0x80];
	v7 =	vmax.f32 v7, $0.0e+00;
	v3 =	vsub.f32 v3, v9  }
0xe8: {  	[tilespmem:s10+$0xFFFFFEE0] =	vst v7;
	v8 =	vld [tilespmem:s28+$0xFFFFFE90]  }
0xe9: {  	v3 =	vmax.f32 v3, $0.0e+00;
	v4 =	vsub.f32 v5, v4;
	v5 =	vld [tilespmem:s28+$0xFFFFFF10]  }
0xea: {  	[tilespmem:s10+$0xFFFFFF70] =	vst v3;
	v3 =	vld [tilespmem:s16+$0xFFFFFF10]  }
0xeb: {  	v2 =	vsub.f32 v2, v11;
	v11 =	vld [tilespmem:s16+$0x100]  }
0xec: {  	v41 =	vld [tilespmem:s28+$0xFFFFFF90];
	v4 =	vmax.f32 v4, $0.0e+00  }
0xed: {  	v2 =	vmax.f32 v2, $0.0e+00;
	[tilespmem:s10+$0xFFFFFDC0] =	vst v4;
	v4 =	vld [tilespmem:s16+$0xFFFFFF90]  }
0xee: {  	v10 =	vsub.f32 v10, v12;
	[tilespmem:s10+$0x1C0] =	vst v2;
	v2 =	vld [tilespmem:s16+$0xFFFFFE90]  }
0xef: {  	v6 =	vsub.f32 v13, v6;
	v9 =	vld [tilespmem:s28+$0x1A0]  }
0xf0: {  	v10 =	vmax.f32 v10, $0.0e+00;
	v7 =	vld [tilespmem:s16+$0x1A0];
	v3 =	vsub.f32 v5, v3  }
0xf1: {  	[tilespmem:s10+$0x0] =	vst v10;
	v6 =	vmax.f32 v6, $0.0e+00;
	v11 =	vsub.f32 v14, v11  }
0xf2: {  	v42 =	vld [tilespmem:s28+$0x10];
	[tilespmem:s10+$0x90] =	vst v6;
	v3 =	vmax.f32 v3, $0.0e+00  }
0xf3: {  	v10 =	vld [tilespmem:s16+$0xFFFFFE10];
	v11 =	vmax.f32 v11, $0.0e+00;
	v4 =	vsub.f32 v41, v4;
	[tilespmem:s10+$0xFFFFFEF0] =	vst v3  }
0xf4: {  	[tilespmem:s10+$0x120] =	vst v11;
	v11 =	vld [tilespmem:s16+$0x90];
	v2 =	vsub.f32 v8, v2  }
0xf5: {  	v46 =	vld [tilespmem:s28+$0xFFFFFF20];
	v7 =	vsub.f32 v9, v7;
	v4 =	vmax.f32 v4, $0.0e+00  }
0xf6: {  	v9 =	vld [tilespmem:s28+$0xFFFFFE10];
	v2 =	vmax.f32 v2, $0.0e+00;
	[tilespmem:s10+$0xFFFFFF80] =	vst v4  }
0xf7: {  	v4 =	vld [tilespmem:s16+$0xFFFFFF20];
	v7 =	vmax.f32 v7, $0.0e+00;
	[tilespmem:s10+$0xFFFFFE60] =	vst v2  }
0xf8: {  	[tilespmem:s10+$0x1D0] =	vst v7;
	v7 =	vld [tilespmem:s16+$0x10]  }
0xf9: {  	v5 =	vld [tilespmem:s28+$0xFFFFFEA0]  }
0xfa: {  	v43 =	vld [tilespmem:s28+$0x1B0]  }
0xfb: {  	v6 =	vld [tilespmem:s16+$0x1B0];
	v9 =	vsub.f32 v9, v10  }
0xfc: {  	v10 =	vld [tilespmem:s28+$0x90]  }
0xfd: {  	v8 =	vmax.f32 v9, $0.0e+00;
	v9 =	vld [tilespmem:s28+$0x110]  }
0xfe: {  	[tilespmem:s10+$0xFFFFFDD0] =	vst v8;
	v8 =	vld [tilespmem:s16+$0x110]  }
0xff: {  	v7 =	vsub.f32 v42, v7;
	v44 =	vld [tilespmem:s28+$0xFFFFFE20]  }
0x100: {  	v6 =	vsub.f32 v43, v6;
	v2 =	vld [tilespmem:s16+$0xFFFFFE20]  }
0x101: {  	v7 =	vmax.f32 v7, $0.0e+00;
	v10 =	vsub.f32 v10, v11;
	v11 =	vld [tilespmem:s28+$0xFFFFFFA0]  }
0x102: {  	v6 =	vmax.f32 v6, $0.0e+00;
	[tilespmem:s10+$0x10] =	vst v7;
	v7 =	vld [tilespmem:s16+$0xFFFFFFA0]  }
0x103: {  	[tilespmem:s10+$0x1E0] =	vst v6;
	v6 =	vld [tilespmem:s16+$0xFFFFFEA0]  }
0x104: {  	v45 =	vld [tilespmem:s28+$0x1C0]  }
0x105: {  	v3 =	vld [tilespmem:s16+$0x1C0];
	v8 =	vsub.f32 v9, v8  }
0x106: {  	v10 =	vmax.f32 v10, $0.0e+00;
	v47 =	vld [tilespmem:s28+$0x20]  }
0x107: {  	[tilespmem:s10+$0xA0] =	vst v10;
	v10 =	vld [tilespmem:s16+$0x20];
	v2 =	vsub.f32 v44, v2;
	v8 =	vmax.f32 v8, $0.0e+00  }
0x108: {  	v9 =	vld [tilespmem:s28+$0xA0];
	[tilespmem:s10+$0x130] =	vst v8  }
0x109: {  	v2 =	vmax.f32 v2, $0.0e+00;
	v5 =	vsub.f32 v5, v6;
	v6 =	vld [tilespmem:s28+$0x120]  }
0x10a: {  	[tilespmem:s10+$0xFFFFFDE0] =	vst v2;
	v2 =	vld [tilespmem:s16+$0x120];
	v3 =	vsub.f32 v45, v3  }
0x10b: {  	v49 =	vld [tilespmem:s28+$0xFFFFFE30];
	v5 =	vmax.f32 v5, $0.0e+00  }
0x10c: {  	v4 =	vsub.f32 v46, v4;
	v3 =	vmax.f32 v3, $0.0e+00;
	[tilespmem:s10+$0xFFFFFE70] =	vst v5;
	v5 =	vld [tilespmem:s16+$0xFFFFFE30]  }
0x10d: {  	[tilespmem:s10+$0x1F0] =	vst v3;
	v3 =	vld [tilespmem:s16+$0xA0]  }
0x10e: {  	v4 =	vmax.f32 v4, $0.0e+00;
	v50 =	vld [tilespmem:s28+$0xFFFFFEB0]  }
0x10f: {  	[tilespmem:s10+$0xFFFFFF00] =	vst v4;
	v7 =	vsub.f32 v11, v7;
	v4 =	vld [tilespmem:s16+$0xFFFFFEB0]  }
0x110: {  	v10 =	vsub.f32 v47, v10;
	v48 =	vld [tilespmem:s28+$0x1D0]  }
0x111: {  	v7 =	vmax.f32 v7, $0.0e+00;
	v8 =	vld [tilespmem:s16+$0x1D0]  }
0x112: {  	v11 =	vld [tilespmem:s28+$0xFFFFFF30];
	[tilespmem:s10+$0xFFFFFF90] =	vst v7;
	v10 =	vmax.f32 v10, $0.0e+00;
	v2 =	vsub.f32 v6, v2  }
0x113: {  	[tilespmem:s10+$0x20] =	vst v10;
	v10 =	vld [tilespmem:s16+$0xFFFFFFB0];
	v5 =	vsub.f32 v49, v5  }
0x114: {  	v6 =	vld [tilespmem:s28+$0x30];
	v2 =	vmax.f32 v2, $0.0e+00;
	v3 =	vsub.f32 v9, v3  }
0x115: {  	[tilespmem:s10+$0x140] =	vst v2;
	v9 =	vld [tilespmem:s28+$0xFFFFFFB0];
	v4 =	vsub.f32 v50, v4;
	v5 =	vmax.f32 v5, $0.0e+00  }
0x116: {  	v53 =	vld [tilespmem:s28+$0x130];
	v8 =	vsub.f32 v48, v8;
	v3 =	vmax.f32 v3, $0.0e+00;
	[tilespmem:s10+$0xFFFFFDF0] =	vst v5  }
0x117: {  	v4 =	vmax.f32 v4, $0.0e+00;
	[tilespmem:s10+$0xB0] =	vst v3;
	v3 =	vld [tilespmem:s16+$0x30]  }
0x118: {  	v8 =	vmax.f32 v8, $0.0e+00;
	[tilespmem:s10+$0xFFFFFE80] =	vst v4;
	v4 =	vld [tilespmem:s16+$0xFFFFFE40]  }
0x119: {  	[tilespmem:s10+$0x200] =	vst v8;
	v8 =	vld [tilespmem:s16+$0xFFFFFF30]  }
0x11a: {  	v52 =	vld [tilespmem:s28+$0xB0]  }
0x11b: {  	v51 =	vld [tilespmem:s28+$0x1E0]  }
0x11c: {  	v7 =	vld [tilespmem:s16+$0x1E0];
	v9 =	vsub.f32 v9, v10  }
0x11d: {  	v2 =	vld [tilespmem:s16+$0xB0]  }
0x11e: {  	v10 =	vld [tilespmem:s28+$0xFFFFFEC0];
	v9 =	vmax.f32 v9, $0.0e+00;
	v3 =	vsub.f32 v6, v3  }
0x11f: {  	[tilespmem:s10+$0xFFFFFFA0] =	vst v9;
	v8 =	vsub.f32 v11, v8;
	v11 =	vld [tilespmem:s28+$0xFFFFFE40]  }
0x120: {  	v55 =	vld [tilespmem:s28+$0xFFFFFFC0];
	v3 =	vmax.f32 v3, $0.0e+00  }
0x121: {  	v7 =	vsub.f32 v51, v7;
	v8 =	vmax.f32 v8, $0.0e+00;
	[tilespmem:s10+$0x30] =	vst v3;
	v3 =	vld [tilespmem:s16+$0xFFFFFFC0]  }
0x122: {  	[tilespmem:s10+$0xFFFFFF10] =	vst v8;
	v8 =	vld [tilespmem:s16+$0xFFFFFEC0]  }
0x123: {  	v7 =	vmax.f32 v7, $0.0e+00;
	v56 =	vld [tilespmem:s28+$0x40]  }
0x124: {  	v2 =	vsub.f32 v52, v2;
	[tilespmem:s10+$0x210] =	vst v7;
	v7 =	vld [tilespmem:s16+$0x130]  }
0x125: {  	v6 =	vld [tilespmem:s28+$0xFFFFFF40]  }
0x126: {  	v2 =	vmax.f32 v2, $0.0e+00;
	v9 =	vld [tilespmem:s16+$0xFFFFFF40]  }
0x127: {  	[tilespmem:s10+$0xC0] =	vst v2;
	v2 =	vld [tilespmem:s16+$0x40];
	v4 =	vsub.f32 v11, v4  }
0x128: {  	v54 =	vld [tilespmem:s28+$0x1F0]  }
0x129: {  	v5 =	vld [tilespmem:s16+$0x1F0];
	v4 =	vmax.f32 v4, $0.0e+00;
	v8 =	vsub.f32 v10, v8  }
0x12a: {  	v11 =	vld [tilespmem:s28+$0xC0];
	[tilespmem:s10+$0xFFFFFE00] =	vst v4;
	v7 =	vsub.f32 v53, v7  }
0x12b: {  	v6 =	vsub.f32 v6, v9;
	v9 =	vld [tilespmem:s28+$0xFFFFFE50];
	v8 =	vmax.f32 v8, $0.0e+00  }
0x12c: {  	v7 =	vmax.f32 v7, $0.0e+00;
	[tilespmem:s10+$0xFFFFFE90] =	vst v8;
	v8 =	vld [tilespmem:s16+$0xFFFFFE50]  }
0x12d: {  	[tilespmem:s10+$0x150] =	vst v7;
	v7 =	vld [tilespmem:s16+$0xC0]  }
0x12e: {  	v3 =	vsub.f32 v55, v3;
	v6 =	vmax.f32 v6, $0.0e+00;
	v57 =	vld [tilespmem:s28+$0xFFFFFED0]  }
0x12f: {  	v2 =	vsub.f32 v56, v2;
	[tilespmem:s10+$0xFFFFFF20] =	vst v6;
	v6 =	vld [tilespmem:s16+$0xFFFFFED0]  }
0x130: {  	v3 =	vmax.f32 v3, $0.0e+00;
	v10 =	vld [tilespmem:s28+$0x140]  }
0x131: {  	[tilespmem:s10+$0xFFFFFFB0] =	vst v3;
	v2 =	vmax.f32 v2, $0.0e+00;
	v4 =	vld [tilespmem:s16+$0x140]  }
0x132: {  	[tilespmem:s10+$0x40] =	vst v2;
	v2 =	vld [tilespmem:s16+$0xFFFFFFD0]  }
0x133: {  	v58 =	vld [tilespmem:s28+$0xFFFFFF50];
	v8 =	vsub.f32 v9, v8  }
0x134: {  	v3 =	vld [tilespmem:s16+$0xFFFFFF50];
	v7 =	vsub.f32 v11, v7  }
0x135: {  	v11 =	vld [tilespmem:s28+$0xFFFFFFD0];
	v8 =	vmax.f32 v8, $0.0e+00  }
0x136: {  	v6 =	vsub.f32 v57, v6;
	v4 =	vsub.f32 v10, v4;
	v10 =	vld [tilespmem:s28+$0x50];
	v7 =	vmax.f32 v7, $0.0e+00;
	[tilespmem:s10+$0xFFFFFE10] =	vst v8  }
0x137: {  	[tilespmem:s10+$0xD0] =	vst v7;
	v7 =	vld [tilespmem:s16+$0x50]  }
0x138: {  	v6 =	vmax.f32 v6, $0.0e+00;
	v60 =	vld [tilespmem:s28+$0xFFFFFE60]  }
0x139: {  	v3 =	vsub.f32 v58, v3;
	[tilespmem:s10+$0xFFFFFEA0] =	vst v6;
	v6 =	vld [tilespmem:s16+$0xFFFFFE60]  }
0x13a: {  	v4 =	vmax.f32 v4, $0.0e+00;
	v9 =	vld [tilespmem:s28+$0xD0]  }
0x13b: {  	v3 =	vmax.f32 v3, $0.0e+00;
	[tilespmem:s10+$0x160] =	vst v4;
	v4 =	vld [tilespmem:s16+$0xD0]  }
0x13c: {  	[tilespmem:s10+$0xFFFFFF30] =	vst v3;
	v3 =	vld [tilespmem:s16+$0xFFFFFEE0]  }
0x13d: {  	v59 =	vld [tilespmem:s28+$0x150]  }
0x13e: {  	v8 =	vld [tilespmem:s16+$0x150];
	v2 =	vsub.f32 v11, v2  }
0x13f: {  	v11 =	vld [tilespmem:s28+$0xFFFFFEE0]  }
0x140: {  	v2 =	vmax.f32 v2, $0.0e+00;
	v7 =	vsub.f32 v10, v7;
	v10 =	vld [tilespmem:s28+$0xFFFFFF60]  }
0x141: {  	[tilespmem:s10+$0xFFFFFFC0] =	vst v2;
	v2 =	vld [tilespmem:s16+$0xFFFFFF60]  }
0x142: {  	v4 =	vsub.f32 v9, v4;
	v9 =	vld [tilespmem:s28+$0xFFFFFFE0];
	v7 =	vmax.f32 v7, $0.0e+00  }
0x143: {  	v6 =	vsub.f32 v60, v6;
	[tilespmem:s10+$0x50] =	vst v7;
	v7 =	vld [tilespmem:s16+$0xFFFFFFE0]  }
0x144: {  	v8 =	vsub.f32 v59, v8;
	v4 =	vmax.f32 v4, $0.0e+00;
	v61 =	vld [tilespmem:s28+$0x60]  }
0x145: {  	v6 =	vmax.f32 v6, $0.0e+00;
	[tilespmem:s10+$0xE0] =	vst v4;
	v4 =	vld [tilespmem:s16+$0x60]  }
0x146: {  	v3 =	vsub.f32 v11, v3;
	[tilespmem:s10+$0xFFFFFE20] =	vst v6;
	v8 =	vmax.f32 v8, $0.0e+00;
	v62 =	vld [tilespmem:s28+$0xE0]  }
0x147: {  	[tilespmem:s10+$0x170] =	vst v8;
	v8 =	vld [tilespmem:s16+$0xE0]  }
0x148: {  	v3 =	vmax.f32 v3, $0.0e+00;
	v2 =	vsub.f32 v10, v2;
	v10 =	vld [tilespmem:s28+$0xFFFFFE70]  }
0x149: {  	[tilespmem:s10+$0xFFFFFEB0] =	vst v3;
	v3 =	vld [tilespmem:s16+$0xFFFFFE70]  }
0x14a: {  	v11 =	vld [tilespmem:s28+$0x160]  }
0x14b: {  	v6 =	vld [tilespmem:s16+$0x160]  }
0x14c: {  	v15 =	vld [tilespmem:s16+$0xFFFFFEF0];
	v2 =	vmax.f32 v2, $0.0e+00;
	v7 =	vsub.f32 v9, v7  }
0x14d: {  	v9 =	vld [tilespmem:s28+$0xFFFFFEF0];
	[tilespmem:s10+$0xFFFFFF40] =	vst v2  }
0x14e: {  	v4 =	vsub.f32 v61, v4;
	v63 =	vld [tilespmem:s16+$0xFFFFFF70];
	v2 =	vmax.f32 v7, $0.0e+00  }
0x14f: {  	v5 =	vsub.f32 v54, v5;
	v7 =	vld [tilespmem:s28+$0xFFFFFF70];
	[tilespmem:s10+$0xFFFFFFD0] =	vst v2  }
0x150: {  	v2 =	vmax.f32 v4, $0.0e+00;
	v4 =	vsub.f32 v62, v8;
	v8 =	vld [tilespmem:s28+$0xFFFFFFF0]  }
0x151: {  	[tilespmem:s10+$0x60] =	vst v2;
	v2 =	vmax.f32 v5, $0.0e+00;
	v5 =	vsub.f32 v11, v6;
	v11 =	vld [tilespmem:s16+$0xFFFFFFF0]  }
0x152: {  	v3 =	vsub.f32 v10, v3;
	[tilespmem:s10+$0x220] =	vst v2;
	v4 =	vmax.f32 v4, $0.0e+00;
	v2 =	vld [tilespmem:s28+$0x70]  }
0x153: {  	v6 =	vsub.f32 v9, v15;
	[tilespmem:s10+$0xF0] =	vst v4;
	v5 =	vmax.f32 v5, $0.0e+00;
	v4 =	vld [tilespmem:s16+$0x70]  }
0x154: {  	[tilespmem:s10+$0x180] =	vst v5;
	v5 =	vmax.f32 v3, $0.0e+00;
	v7 =	vsub.f32 v7, v63;
	v3 =	vld [tilespmem:s28+$0xF0]  }
0x155: {  	[tilespmem:s10+$0xFFFFFE30] =	vst v5;
	v5 =	vmax.f32 v6, $0.0e+00;
	v6 =	vld [tilespmem:s16+$0xF0]  }
0x156: {  	[tilespmem:s10+$0xFFFFFEC0] =	vst v5;
	v7 =	vmax.f32 v7, $0.0e+00;
	v5 =	vld [tilespmem:s28+$0x170];
	v8 =	vsub.f32 v8, v11  }
0x157: {  	s29 =	simm.s32 $0x16680;
	s28 =	simm.s32 $0x0;
	[tilespmem:s10+$0xFFFFFF50] =	vst v7;
	v7 =	vld [tilespmem:s16+$0x170]  }
.LBB2_7:
0x158: {  	v9 =	vld [tilespmem:s29+$0x180];
	v8 =	vmax.f32 v8, $0.0e+00;
	v2 =	vsub.f32 v2, v4;
	s16 =	sadd.s32 $0x400, s16  }
0x159: {  	v4 =	vld [tilespmem:s16+$0x180];
	[tilespmem:s10+$0xFFFFFFE0] =	vst v8  }
0x15a: {  	v8 =	vld [tilespmem:s16+$0xFFFFFE00];
	v2 =	vmax.f32 v2, $0.0e+00;
	v3 =	vsub.f32 v3, v6  }
0x15b: {  	v6 =	vld [tilespmem:s29+$0xFFFFFE80];
	[tilespmem:s10+$0x70] =	vst v2  }
0x15c: {  	v2 =	vld [tilespmem:s16+$0xFFFFFE80];
	v3 =	vmax.f32 v3, $0.0e+00;
	v5 =	vsub.f32 v5, v7  }
0x15d: {  	v7 =	vld [tilespmem:s29+$0xFFFFFF00];
	[tilespmem:s10+$0x100] =	vst v3  }
0x15e: {  	v3 =	vld [tilespmem:s16+$0xFFFFFF00];
	v4 =	vsub.f32 v9, v4;
	v5 =	vmax.f32 v5, $0.0e+00  }
0x15f: {  	v9 =	vld [tilespmem:s29+$0xFFFFFF80];
	[tilespmem:s10+$0x190] =	vst v5  }
0x160: {  	s28 =	sadd.s32 $0x8, s28;
	s10 =	sadd.s32 $0x480, s10;
	v5 =	vld [tilespmem:s16+$0xFFFFFF80];
	v4 =	vmax.f32 v4, $0.0e+00  }
0x161: {  	p1 =	slt.u32 s28, $0x20;
	v2 =	vsub.f32 v6, v2;
	v6 =	vld [tilespmem:s29+$0x0];
	[tilespmem:s10+$0x1B0] =	vst v4  }
0x162: {  	v4 =	vld [tilespmem:s29+$0x190]  }
0x163: {  	v2 =	vmax.f32 v2, $0.0e+00;
	v3 =	vsub.f32 v7, v3;
	v7 =	vld [tilespmem:s16+$0x190]  }
0x164: {  	[tilespmem:s10+$0xFFFFFE50] =	vst v2;
	v2 =	vld [tilespmem:s16+$0x0]  }
0x165: {  	v3 =	vmax.f32 v3, $0.0e+00;
	v5 =	vsub.f32 v9, v5;
	v9 =	vld [tilespmem:s29+$0x80]  }
0x166: {  	[tilespmem:s10+$0xFFFFFEE0] =	vst v3;
	v3 =	vld [tilespmem:s16+$0x80]  }
0x167: {  	v5 =	vmax.f32 v5, $0.0e+00;
	v10 =	vld [tilespmem:s29+$0x100]  }
0x168: {  	[tilespmem:s10+$0xFFFFFF70] =	vst v5;
	v5 =	vld [tilespmem:s16+$0x100];
	v4 =	vsub.f32 v4, v7  }
0x169: {  	v7 =	vld [tilespmem:s29+$0xFFFFFE00];
	v2 =	vsub.f32 v6, v2  }
0x16a: {  	v6 =	vld [tilespmem:s29+$0xFFFFFE90];
	v4 =	vmax.f32 v4, $0.0e+00  }
0x16b: {  	v11 =	vld [tilespmem:s16+$0xFFFFFE90];
	v2 =	vmax.f32 v2, $0.0e+00;
	v3 =	vsub.f32 v9, v3;
	[tilespmem:s10+$0x1C0] =	vst v4  }
0x16c: {  	[tilespmem:s10+$0x0] =	vst v2;
	v2 =	vld [tilespmem:s29+$0x1A0]  }
0x16d: {  	v3 =	vmax.f32 v3, $0.0e+00;
	v4 =	vsub.f32 v10, v5;
	v5 =	vld [tilespmem:s16+$0x1A0]  }
0x16e: {  	v7 =	vsub.f32 v7, v8;
	v8 =	vld [tilespmem:s29+$0xFFFFFF10];
	[tilespmem:s10+$0x90] =	vst v3  }
0x16f: {  	v3 =	vld [tilespmem:s16+$0xFFFFFF10];
	v4 =	vmax.f32 v4, $0.0e+00  }
0x170: {  	v7 =	vmax.f32 v7, $0.0e+00;
	v6 =	vsub.f32 v6, v11;
	v9 =	vld [tilespmem:s29+$0xFFFFFF90];
	[tilespmem:s10+$0x120] =	vst v4  }
0x171: {  	[tilespmem:s10+$0xFFFFFDC0] =	vst v7;
	v4 =	vld [tilespmem:s16+$0xFFFFFF90]  }
0x172: {  	v7 =	vld [tilespmem:s29+$0xFFFFFE10];
	v6 =	vmax.f32 v6, $0.0e+00;
	v2 =	vsub.f32 v2, v5  }
0x173: {  	v5 =	vld [tilespmem:s16+$0xFFFFFE10];
	[tilespmem:s10+$0xFFFFFE60] =	vst v6  }
0x174: {  	v3 =	vsub.f32 v8, v3;
	v6 =	vld [tilespmem:s29+$0x10];
	v2 =	vmax.f32 v2, $0.0e+00  }
0x175: {  	v8 =	vld [tilespmem:s16+$0x10];
	[tilespmem:s10+$0x1D0] =	vst v2  }
0x176: {  	v2 =	vmax.f32 v3, $0.0e+00;
	v3 =	vsub.f32 v9, v4;
	v4 =	vld [tilespmem:s29+$0x1B0]  }
0x177: {  	[tilespmem:s10+$0xFFFFFEF0] =	vst v2;
	v2 =	vld [tilespmem:s16+$0x1B0]  }
0x178: {  	v5 =	vsub.f32 v7, v5;
	v3 =	vmax.f32 v3, $0.0e+00;
	v7 =	vld [tilespmem:s29+$0x90]  }
0x179: {  	[tilespmem:s10+$0xFFFFFF80] =	vst v3;
	v3 =	vld [tilespmem:s16+$0x90]  }
0x17a: {  	v5 =	vmax.f32 v5, $0.0e+00;
	v6 =	vsub.f32 v6, v8;
	v8 =	vld [tilespmem:s29+$0x110]  }
0x17b: {  	[tilespmem:s10+$0xFFFFFDD0] =	vst v5;
	v5 =	vld [tilespmem:s16+$0x110]  }
0x17c: {  	v9 =	vld [tilespmem:s29+$0xFFFFFE20];
	v6 =	vmax.f32 v6, $0.0e+00;
	v2 =	vsub.f32 v4, v2  }
0x17d: {  	v4 =	vld [tilespmem:s16+$0xFFFFFE20];
	[tilespmem:s10+$0x10] =	vst v6  }
0x17e: {  	v6 =	vld [tilespmem:s29+$0xFFFFFEA0];
	v3 =	vsub.f32 v7, v3;
	v2 =	vmax.f32 v2, $0.0e+00  }
0x17f: {  	v7 =	vld [tilespmem:s16+$0xFFFFFEA0];
	[tilespmem:s10+$0x1E0] =	vst v2  }
0x180: {  	v2 =	vmax.f32 v3, $0.0e+00;
	v3 =	vsub.f32 v8, v5;
	v5 =	vld [tilespmem:s29+$0x1C0]  }
0x181: {  	[tilespmem:s10+$0xA0] =	vst v2;
	v2 =	vld [tilespmem:s16+$0x1C0]  }
0x182: {  	v4 =	vsub.f32 v9, v4;
	v8 =	vld [tilespmem:s29+$0xFFFFFF20];
	v3 =	vmax.f32 v3, $0.0e+00  }
0x183: {  	v9 =	vld [tilespmem:s16+$0xFFFFFF20];
	[tilespmem:s10+$0x130] =	vst v3  }
0x184: {  	v3 =	vmax.f32 v4, $0.0e+00;
	v4 =	vsub.f32 v6, v7;
	v6 =	vld [tilespmem:s29+$0xFFFFFFA0]  }
0x185: {  	[tilespmem:s10+$0xFFFFFDE0] =	vst v3;
	v3 =	vld [tilespmem:s16+$0xFFFFFFA0]  }
0x186: {  	v4 =	vmax.f32 v4, $0.0e+00;
	v7 =	vld [tilespmem:s29+$0x20];
	v2 =	vsub.f32 v5, v2  }
0x187: {  	[tilespmem:s10+$0xFFFFFE70] =	vst v4;
	v4 =	vld [tilespmem:s16+$0x20]  }
0x188: {  	v5 =	vsub.f32 v8, v9;
	v8 =	vld [tilespmem:s29+$0xA0];
	v2 =	vmax.f32 v2, $0.0e+00  }
0x189: {  	v9 =	vld [tilespmem:s16+$0xA0];
	[tilespmem:s10+$0x1F0] =	vst v2  }
0x18a: {  	v2 =	vmax.f32 v5, $0.0e+00;
	v3 =	vsub.f32 v6, v3;
	v5 =	vld [tilespmem:s29+$0x1D0]  }
0x18b: {  	[tilespmem:s10+$0xFFFFFF00] =	vst v2;
	v2 =	vld [tilespmem:s16+$0x1D0]  }
0x18c: {  	v3 =	vmax.f32 v3, $0.0e+00;
	v4 =	vsub.f32 v7, v4;
	v6 =	vld [tilespmem:s29+$0x120]  }
0x18d: {  	[tilespmem:s10+$0xFFFFFF90] =	vst v3;
	v3 =	vld [tilespmem:s16+$0x120]  }
0x18e: {  	v7 =	vld [tilespmem:s29+$0xFFFFFE30];
	v4 =	vmax.f32 v4, $0.0e+00;
	v8 =	vsub.f32 v8, v9  }
0x18f: {  	v9 =	vld [tilespmem:s16+$0xFFFFFE30];
	[tilespmem:s10+$0x20] =	vst v4  }
0x190: {  	v4 =	vld [tilespmem:s29+$0xFFFFFEB0];
	v8 =	vmax.f32 v8, $0.0e+00;
	v2 =	vsub.f32 v5, v2  }
0x191: {  	v5 =	vld [tilespmem:s16+$0xFFFFFEB0];
	[tilespmem:s10+$0xB0] =	vst v8  }
0x192: {  	v8 =	vld [tilespmem:s29+$0xFFFFFF30];
	v3 =	vsub.f32 v6, v3;
	v2 =	vmax.f32 v2, $0.0e+00  }
0x193: {  	v6 =	vld [tilespmem:s16+$0xFFFFFF30];
	[tilespmem:s10+$0x200] =	vst v2  }
0x194: {  	v2 =	vsub.f32 v7, v9;
	v3 =	vmax.f32 v3, $0.0e+00;
	v7 =	vld [tilespmem:s29+$0x1E0]  }
0x195: {  	[tilespmem:s10+$0x140] =	vst v3;
	v3 =	vld [tilespmem:s16+$0x1E0]  }
0x196: {  	v2 =	vmax.f32 v2, $0.0e+00;
	v4 =	vsub.f32 v4, v5;
	v5 =	vld [tilespmem:s29+$0xFFFFFFB0]  }
0x197: {  	[tilespmem:s10+$0xFFFFFDF0] =	vst v2;
	v2 =	vld [tilespmem:s16+$0xFFFFFFB0]  }
0x198: {  	v4 =	vmax.f32 v4, $0.0e+00;
	v6 =	vsub.f32 v8, v6;
	v8 =	vld [tilespmem:s29+$0x30]  }
0x199: {  	[tilespmem:s10+$0xFFFFFE80] =	vst v4;
	v4 =	vld [tilespmem:s16+$0x30]  }
0x19a: {  	v6 =	vmax.f32 v6, $0.0e+00;
	v9 =	vld [tilespmem:s29+$0xB0];
	v3 =	vsub.f32 v7, v3  }
0x19b: {  	[tilespmem:s10+$0xFFFFFF10] =	vst v6;
	v6 =	vld [tilespmem:s16+$0xB0]  }
0x19c: {  	v2 =	vsub.f32 v5, v2;
	v5 =	vld [tilespmem:s29+$0x130];
	v3 =	vmax.f32 v3, $0.0e+00  }
0x19d: {  	v7 =	vld [tilespmem:s16+$0x130];
	[tilespmem:s10+$0x210] =	vst v3  }
0x19e: {  	v2 =	vmax.f32 v2, $0.0e+00;
	v3 =	vsub.f32 v8, v4;
	v4 =	vld [tilespmem:s29+$0x1F0]  }
0x19f: {  	[tilespmem:s10+$0xFFFFFFA0] =	vst v2;
	v2 =	vld [tilespmem:s16+$0x1F0]  }
0x1a0: {  	v8 =	vld [tilespmem:s29+$0xFFFFFE40];
	v3 =	vmax.f32 v3, $0.0e+00;
	v6 =	vsub.f32 v9, v6  }
0x1a1: {  	v9 =	vld [tilespmem:s16+$0xFFFFFE40];
	[tilespmem:s10+$0x30] =	vst v3  }
0x1a2: {  	v3 =	vld [tilespmem:s29+$0xFFFFFEC0];
	v6 =	vmax.f32 v6, $0.0e+00;
	v5 =	vsub.f32 v5, v7  }
0x1a3: {  	v7 =	vld [tilespmem:s16+$0xFFFFFEC0];
	[tilespmem:s10+$0xC0] =	vst v6  }
0x1a4: {  	v6 =	vld [tilespmem:s29+$0xFFFFFF40];
	v5 =	vmax.f32 v5, $0.0e+00;
	v2 =	vsub.f32 v4, v2  }
0x1a5: {  	v4 =	vld [tilespmem:s16+$0xFFFFFF40];
	[tilespmem:s10+$0x150] =	vst v5  }
0x1a6: {  	v5 =	vsub.f32 v8, v9;
	v8 =	vld [tilespmem:s29+$0xFFFFFFC0];
	v2 =	vmax.f32 v2, $0.0e+00  }
0x1a7: {  	v9 =	vld [tilespmem:s16+$0xFFFFFFC0];
	[tilespmem:s10+$0x220] =	vst v2  }
0x1a8: {  	v2 =	vmax.f32 v5, $0.0e+00;
	v3 =	vsub.f32 v3, v7;
	v5 =	vld [tilespmem:s29+$0x40]  }
0x1a9: {  	[tilespmem:s10+$0xFFFFFE00] =	vst v2;
	v2 =	vld [tilespmem:s16+$0x40]  }
0x1aa: {  	v3 =	vmax.f32 v3, $0.0e+00;
	v4 =	vsub.f32 v6, v4;
	v6 =	vld [tilespmem:s29+$0xC0]  }
0x1ab: {  	[tilespmem:s10+$0xFFFFFE90] =	vst v3;
	v3 =	vld [tilespmem:s16+$0xC0]  }
0x1ac: {  	v4 =	vmax.f32 v4, $0.0e+00;
	v7 =	vsub.f32 v8, v9;
	v8 =	vld [tilespmem:s29+$0x140]  }
0x1ad: {  	[tilespmem:s10+$0xFFFFFF20] =	vst v4;
	v4 =	vld [tilespmem:s16+$0x140]  }
0x1ae: {  	v9 =	vld [tilespmem:s29+$0xFFFFFE50];
	v7 =	vmax.f32 v7, $0.0e+00;
	v2 =	vsub.f32 v5, v2  }
0x1af: {  	v5 =	vld [tilespmem:s16+$0xFFFFFE50];
	[tilespmem:s10+$0xFFFFFFB0] =	vst v7  }
0x1b0: {  	v7 =	vld [tilespmem:s29+$0xFFFFFED0];
	v2 =	vmax.f32 v2, $0.0e+00;
	v3 =	vsub.f32 v6, v3  }
0x1b1: {  	v6 =	vld [tilespmem:s16+$0xFFFFFED0];
	[tilespmem:s10+$0x40] =	vst v2  }
0x1b2: {  	v2 =	vld [tilespmem:s29+$0xFFFFFF50];
	v3 =	vmax.f32 v3, $0.0e+00;
	v4 =	vsub.f32 v8, v4  }
0x1b3: {  	v8 =	vld [tilespmem:s16+$0xFFFFFF50];
	[tilespmem:s10+$0xD0] =	vst v3  }
0x1b4: {  	v3 =	vsub.f32 v9, v5;
	v5 =	vld [tilespmem:s29+$0xFFFFFFD0];
	v4 =	vmax.f32 v4, $0.0e+00  }
0x1b5: {  	v9 =	vld [tilespmem:s16+$0xFFFFFFD0];
	[tilespmem:s10+$0x160] =	vst v4  }
0x1b6: {  	v3 =	vmax.f32 v3, $0.0e+00;
	v4 =	vsub.f32 v7, v6;
	v6 =	vld [tilespmem:s29+$0x50]  }
0x1b7: {  	[tilespmem:s10+$0xFFFFFE10] =	vst v3;
	v3 =	vld [tilespmem:s16+$0x50]  }
0x1b8: {  	v4 =	vmax.f32 v4, $0.0e+00;
	v2 =	vsub.f32 v2, v8;
	v7 =	vld [tilespmem:s29+$0xD0]  }
0x1b9: {  	[tilespmem:s10+$0xFFFFFEA0] =	vst v4;
	v4 =	vld [tilespmem:s16+$0xD0]  }
0x1ba: {  	v2 =	vmax.f32 v2, $0.0e+00;
	v5 =	vsub.f32 v5, v9;
	v8 =	vld [tilespmem:s29+$0x150]  }
0x1bb: {  	[tilespmem:s10+$0xFFFFFF30] =	vst v2;
	v2 =	vld [tilespmem:s16+$0x150]  }
0x1bc: {  	v9 =	vld [tilespmem:s29+$0xFFFFFE60];
	v5 =	vmax.f32 v5, $0.0e+00;
	v3 =	vsub.f32 v6, v3  }
0x1bd: {  	v6 =	vld [tilespmem:s16+$0xFFFFFE60];
	[tilespmem:s10+$0xFFFFFFC0] =	vst v5  }
0x1be: {  	v5 =	vld [tilespmem:s29+$0xFFFFFEE0];
	v3 =	vmax.f32 v3, $0.0e+00;
	v4 =	vsub.f32 v7, v4  }
0x1bf: {  	v7 =	vld [tilespmem:s16+$0xFFFFFEE0];
	[tilespmem:s10+$0x50] =	vst v3  }
0x1c0: {  	v3 =	vld [tilespmem:s29+$0xFFFFFF60];
	v4 =	vmax.f32 v4, $0.0e+00;
	v2 =	vsub.f32 v8, v2  }
0x1c1: {  	v8 =	vld [tilespmem:s16+$0xFFFFFF60];
	[tilespmem:s10+$0xE0] =	vst v4  }
0x1c2: {  	v4 =	vsub.f32 v9, v6;
	v6 =	vld [tilespmem:s29+$0xFFFFFFE0];
	v2 =	vmax.f32 v2, $0.0e+00  }
0x1c3: {  	v9 =	vld [tilespmem:s16+$0xFFFFFFE0];
	[tilespmem:s10+$0x170] =	vst v2  }
0x1c4: {  	v2 =	vmax.f32 v4, $0.0e+00;
	v4 =	vsub.f32 v5, v7;
	v5 =	vld [tilespmem:s29+$0x60]  }
0x1c5: {  	[tilespmem:s10+$0xFFFFFE20] =	vst v2;
	v2 =	vld [tilespmem:s16+$0x60]  }
0x1c6: {  	v4 =	vmax.f32 v4, $0.0e+00;
	v3 =	vsub.f32 v3, v8;
	v7 =	vld [tilespmem:s29+$0xE0]  }
0x1c7: {  	[tilespmem:s10+$0xFFFFFEB0] =	vst v4;
	v4 =	vld [tilespmem:s16+$0xE0]  }
0x1c8: {  	v3 =	vmax.f32 v3, $0.0e+00;
	v6 =	vsub.f32 v6, v9;
	v8 =	vld [tilespmem:s29+$0x160]  }
0x1c9: {  	[tilespmem:s10+$0xFFFFFF40] =	vst v3;
	v3 =	vld [tilespmem:s16+$0x160]  }
0x1ca: {  	v9 =	vld [tilespmem:s29+$0xFFFFFE70];
	v6 =	vmax.f32 v6, $0.0e+00;
	v2 =	vsub.f32 v5, v2  }
0x1cb: {  	v5 =	vld [tilespmem:s16+$0xFFFFFE70];
	[tilespmem:s10+$0xFFFFFFD0] =	vst v6  }
0x1cc: {  	v6 =	vld [tilespmem:s29+$0xFFFFFEF0];
	v2 =	vmax.f32 v2, $0.0e+00;
	v4 =	vsub.f32 v7, v4  }
0x1cd: {  	v7 =	vld [tilespmem:s16+$0xFFFFFEF0];
	[tilespmem:s10+$0x60] =	vst v2  }
0x1ce: {  	v10 =	vld [tilespmem:s29+$0xFFFFFF70];
	v2 =	vmax.f32 v4, $0.0e+00;
	v3 =	vsub.f32 v8, v3  }
0x1cf: {  	v8 =	vld [tilespmem:s16+$0xFFFFFF70];
	[tilespmem:s10+$0xF0] =	vst v2  }
0x1d0: {  	v2 =	vsub.f32 v9, v5;
	v5 =	vld [tilespmem:s29+$0xFFFFFFF0];
	v3 =	vmax.f32 v3, $0.0e+00  }
0x1d1: {  	v9 =	vld [tilespmem:s16+$0xFFFFFFF0];
	[tilespmem:s10+$0x180] =	vst v3  }
0x1d2: {  	v3 =	vmax.f32 v2, $0.0e+00;
	v6 =	vsub.f32 v6, v7;
	v2 =	vld [tilespmem:s29+$0x70]  }
.Ltmp2:
0x1d3: {  	[tilespmem:s10+$0xFFFFFE30] =	vst v3;
	v4 =	vld [tilespmem:s16+$0x70];
	(pc) =	sbr.rel @p1 .LBB2_7-.Ltmp2, $4  }
0x1d4: {  	v6 =	vmax.f32 v6, $0.0e+00;
	v7 =	vsub.f32 v10, v8;
	v3 =	vld [tilespmem:s29+$0xF0]  }
0x1d5: {  	[tilespmem:s10+$0xFFFFFEC0] =	vst v6;
	v6 =	vld [tilespmem:s16+$0xF0]  }
0x1d6: {  	v7 =	vmax.f32 v7, $0.0e+00;
	v8 =	vsub.f32 v5, v9;
	v5 =	vld [tilespmem:s29+$0x170]  }
0x1d7: {  	s29 =	sadd.s32 $0x400, s29;
	[tilespmem:s10+$0xFFFFFF50] =	vst v7;
	v7 =	vld [tilespmem:s16+$0x170]  }
0x1d8: {  	_ =	sdelay $0x1  }
0x1d9: {  	v2 =	vsub.f32 v2, v4  }
0x1da: {  	v62 =	vmax.f32 v8, $0.0e+00;
	p1 =	sne.s32 s14, $0x0;
	v3 =	vsub.f32 v3, v6  }
.Ltmp3:
0x1db: {  	[tilespmem:s10+$0xFFFFFFE0] =	vst v62;
	v2 =	vmax.f32 v2, $0.0e+00;
	v63 =	vsub.f32 v5, v7;
	(pc) =	sbr.rel @!p1 .LBB2_9-.Ltmp3, $4  }
0x1dc: {  	[tilespmem:s10+$0x70] =	vst v2;
	v2 =	vmax.f32 v3, $0.0e+00  }
0x1dd: {  	[tilespmem:s10+$0x100] =	vst v2;
	v2 =	vmax.f32 v63, $0.0e+00  }
0x1de: {  	[tilespmem:s10+$0x190] =	vst v2  }
0x1df: {  	[spmem:s2] =	stream.indirect.scatter.add.f32 [tilespmem:s9], [sflag:$0x5], $0x90, s8, s26, $0xb8;
	[tilespmem:$0x1EB90] =	vst v63  }
0x1e0: {  	_ =	swait.ge [sflag:s15], $0x1680  }
0x1e1: {  	[sflag:s15] =	ssyncset.done $0x0  }
0x1e2: {  	[sflag:s15] =	ssyncadd.s32 $0xFFFFE980  }
0x1e3: {  	v2 =	vld [tilespmem:$0x15FB8]  }
0x1e4: {  	v3 =	vld [tilespmem:$0x15FC8]  }
0x1e5: {  	v4 =	vld [tilespmem:$0x15FD0]  }
.Ltmp4:
0x1e6: {  	_ = 	snop;
	(pc) =	sbr.rel @!p0 .LBB2_11-.Ltmp4, $4  }
0x1e7: {  	_ = 	snop  }
0x1e8: {  	[tilespmem:$0x16058] =	vst v2  }
0x1e9: {  	[tilespmem:$0x16068] =	vst v3  }
0x1ea: {  	[tilespmem:$0x16070] =	vst v4  }
0x1eb: {  	_ =	swait.ge [sflag:s11], $0x1400  }
.Ltmp5:
0x1ec: {  	[sflag:s11] =	ssyncset.done $0x0;
	(pc) =	sbr.rel .LBB2_13-.Ltmp5, $4  }
0x1ed: {  	[sflag:s11] =	ssyncadd.s32 $0xFFFFEC00  }
0x1ee: {  	_ =	swait.ge [sflag:s11], $0x1400  }
0x1ef: {  	[sflag:s11] =	ssyncset.done $0x0  }
0x1f0: {  	[sflag:s11] =	ssyncadd.s32 $0xFFFFEC00  }
.LBB2_9:
0x1f1: {  	v2 =	vld [tilespmem:$0x15FB8]  }
0x1f2: {  	v3 =	vld [tilespmem:$0x15FC8]  }
0x1f3: {  	v4 =	vld [tilespmem:$0x15FD0];
	_ =	sdelay $0x2  }
0x1f4: {  	[tilespmem:$0x16058] =	vst v2  }
0x1f5: {  	[tilespmem:$0x16068] =	vst v3  }
0x1f6: {  	[tilespmem:$0x16070] =	vst v4  }
.LBB2_11:
0x1f7: {  	_ =	swait.ge [sflag:s25], $0x28  }
0x1f8: {  	[sflag:s25] =	ssyncset.done $0x0  }
0x1f9: {  	[sflag:s25] =	ssyncadd.s32 $0xFFFFFFD8  }
0x1fa: {  	_ =	swait.ge [sflag:s25], $0x28  }
0x1fb: {  	[sflag:s25] =	ssyncset.done $0x0  }
0x1fc: {  	s10 =	simm.s32 $0x16080;
	[sflag:s25] =	ssyncadd.s32 $0xFFFFFFD8  }
0x1fd: {  	[tilespmem:s10], [sflag:$0x3] =	stream.indirect.gather [hbm4b:s1+s26], $0x80, s17, s26, $0xb8;
	[tilespmem:$0x1EB90] =	vst v63  }
0x1fe: {  	s28 =	simm.s32 $0x18880  }
0x1ff: {  	[tilespmem:s28], [sflag:$0x3] =	stream.indirect.gather [hbm4b:s5+s26], $0x80, s18, s26, $0xb8;
	[tilespmem:$0x1EB90] =	vst v63  }
0x200: {  	_ =	swait.ge [sflag:s11], $0x1400  }
0x201: {  	s29 =	smul.u32 $0x50, s14;
	[sflag:s11] =	ssyncset.done $0x0  }
0x202: {  	[sflag:s11] =	ssyncadd.s32 $0xFFFFEC00  }
0x203: {  	s10 =	sadd.s32 s29, s23;
	_ =	swait.ge [sflag:s11], $0x1400  }
0x204: {  	s10 =	sshrl.u32 s10, $0x3;
	[sflag:s11] =	ssyncset.done $0x0  }
0x205: {  	s16 =	sadd.s32 s6, s10;
	[sflag:s11] =	ssyncadd.s32 $0xFFFFEC00  }
0x206: {  	[tilespmem:s19], [sflag:$0x2] =	stream.linear.gather [hbm4b:s16+s3], $0x28, $0x38;
	[tilespmem:$0x1EB90] =	vst v63  }
0x207: {  	s10 =	sadd.s32 s7, s10  }
0x208: {  	[tilespmem:s20], [sflag:$0x2] =	stream.linear.gather [hbm4b:s10+s3], $0x28, $0x38;
	[tilespmem:$0x1EB90] =	vst v63  }
.LBB2_13:
0x209: {  	s28 =	simm.s32 $0x17680  }
0x20a: {  	s16 =	simm.s32 $0x19E80;
	v2 =	vld [tilespmem:s28+$0x180]  }
0x20b: {  	v3 =	vld [tilespmem:s16+$0x180]  }
0x20c: {  	v4 =	vld [tilespmem:s16+$0xFFFFFE00]  }
0x20d: {  	v5 =	vld [tilespmem:s28+$0xFFFFFE80]  }
0x20e: {  	v6 =	vld [tilespmem:s16+$0xFFFFFE80]  }
0x20f: {  	v7 =	vld [tilespmem:s28+$0xFFFFFF00]  }
0x210: {  	v8 =	vld [tilespmem:s16+$0xFFFFFF00]  }
0x211: {  	v9 =	vld [tilespmem:s16+$0xFFFFFF80]  }
0x212: {  	v10 =	vld [tilespmem:s28+$0x0]  }
0x213: {  	v12 =	vld [tilespmem:s16+$0x0];
	v2 =	vsub.f32 v2, v3  }
0x214: {  	v13 =	vld [tilespmem:s28+$0x80];
	v5 =	vsub.f32 v5, v6  }
0x215: {  	s10 =	simm.s32 $0x1C940;
	v3 =	vld [tilespmem:s28+$0xFFFFFF80];
	v2 =	vmax.f32 v2, $0.0e+00  }
0x216: {  	v14 =	vld [tilespmem:s28+$0x100];
	v5 =	vmax.f32 v5, $0.0e+00;
	[tilespmem:s10+$0x1B0] =	vst v2  }
0x217: {  	[tilespmem:s10+$0xFFFFFE50] =	vst v5;
	v5 =	vld [tilespmem:s28+$0xFFFFFE00]  }
0x218: {  	v7 =	vsub.f32 v7, v8;
	v2 =	vld [tilespmem:s28+$0x190]  }
0x219: {  	v11 =	vld [tilespmem:s16+$0x190]  }
0x21a: {  	v6 =	vld [tilespmem:s16+$0x80];
	v7 =	vmax.f32 v7, $0.0e+00;
	v3 =	vsub.f32 v3, v9  }
0x21b: {  	[tilespmem:s10+$0xFFFFFEE0] =	vst v7;
	v8 =	vld [tilespmem:s28+$0xFFFFFE90]  }
0x21c: {  	v3 =	vmax.f32 v3, $0.0e+00;
	v4 =	vsub.f32 v5, v4;
	v5 =	vld [tilespmem:s28+$0xFFFFFF10]  }
0x21d: {  	[tilespmem:s10+$0xFFFFFF70] =	vst v3;
	v3 =	vld [tilespmem:s16+$0xFFFFFF10]  }
0x21e: {  	v2 =	vsub.f32 v2, v11;
	v11 =	vld [tilespmem:s16+$0x100]  }
0x21f: {  	v41 =	vld [tilespmem:s28+$0xFFFFFF90];
	v4 =	vmax.f32 v4, $0.0e+00  }
0x220: {  	v2 =	vmax.f32 v2, $0.0e+00;
	[tilespmem:s10+$0xFFFFFDC0] =	vst v4;
	v4 =	vld [tilespmem:s16+$0xFFFFFF90]  }
0x221: {  	v10 =	vsub.f32 v10, v12;
	[tilespmem:s10+$0x1C0] =	vst v2;
	v2 =	vld [tilespmem:s16+$0xFFFFFE90]  }
0x222: {  	v6 =	vsub.f32 v13, v6;
	v9 =	vld [tilespmem:s28+$0x1A0]  }
0x223: {  	v10 =	vmax.f32 v10, $0.0e+00;
	v7 =	vld [tilespmem:s16+$0x1A0];
	v3 =	vsub.f32 v5, v3  }
0x224: {  	[tilespmem:s10+$0x0] =	vst v10;
	v6 =	vmax.f32 v6, $0.0e+00;
	v11 =	vsub.f32 v14, v11  }
0x225: {  	v42 =	vld [tilespmem:s28+$0x10];
	[tilespmem:s10+$0x90] =	vst v6;
	v3 =	vmax.f32 v3, $0.0e+00  }
0x226: {  	v10 =	vld [tilespmem:s16+$0xFFFFFE10];
	v11 =	vmax.f32 v11, $0.0e+00;
	v4 =	vsub.f32 v41, v4;
	[tilespmem:s10+$0xFFFFFEF0] =	vst v3  }
0x227: {  	[tilespmem:s10+$0x120] =	vst v11;
	v11 =	vld [tilespmem:s16+$0x90];
	v2 =	vsub.f32 v8, v2  }
0x228: {  	v46 =	vld [tilespmem:s28+$0xFFFFFF20];
	v7 =	vsub.f32 v9, v7;
	v4 =	vmax.f32 v4, $0.0e+00  }
0x229: {  	v9 =	vld [tilespmem:s28+$0xFFFFFE10];
	v2 =	vmax.f32 v2, $0.0e+00;
	[tilespmem:s10+$0xFFFFFF80] =	vst v4  }
0x22a: {  	v4 =	vld [tilespmem:s16+$0xFFFFFF20];
	v7 =	vmax.f32 v7, $0.0e+00;
	[tilespmem:s10+$0xFFFFFE60] =	vst v2  }
0x22b: {  	[tilespmem:s10+$0x1D0] =	vst v7;
	v7 =	vld [tilespmem:s16+$0x10]  }
0x22c: {  	v5 =	vld [tilespmem:s28+$0xFFFFFEA0]  }
0x22d: {  	v43 =	vld [tilespmem:s28+$0x1B0]  }
0x22e: {  	v6 =	vld [tilespmem:s16+$0x1B0];
	v9 =	vsub.f32 v9, v10  }
0x22f: {  	v10 =	vld [tilespmem:s28+$0x90]  }
0x230: {  	v8 =	vmax.f32 v9, $0.0e+00;
	v9 =	vld [tilespmem:s28+$0x110]  }
0x231: {  	[tilespmem:s10+$0xFFFFFDD0] =	vst v8;
	v8 =	vld [tilespmem:s16+$0x110]  }
0x232: {  	v7 =	vsub.f32 v42, v7;
	v44 =	vld [tilespmem:s28+$0xFFFFFE20]  }
0x233: {  	v6 =	vsub.f32 v43, v6;
	v2 =	vld [tilespmem:s16+$0xFFFFFE20]  }
0x234: {  	v7 =	vmax.f32 v7, $0.0e+00;
	v10 =	vsub.f32 v10, v11;
	v11 =	vld [tilespmem:s28+$0xFFFFFFA0]  }
0x235: {  	v6 =	vmax.f32 v6, $0.0e+00;
	[tilespmem:s10+$0x10] =	vst v7;
	v7 =	vld [tilespmem:s16+$0xFFFFFFA0]  }
0x236: {  	[tilespmem:s10+$0x1E0] =	vst v6;
	v6 =	vld [tilespmem:s16+$0xFFFFFEA0]  }
0x237: {  	v45 =	vld [tilespmem:s28+$0x1C0]  }
0x238: {  	v3 =	vld [tilespmem:s16+$0x1C0];
	v8 =	vsub.f32 v9, v8  }
0x239: {  	v10 =	vmax.f32 v10, $0.0e+00;
	v47 =	vld [tilespmem:s28+$0x20]  }
0x23a: {  	[tilespmem:s10+$0xA0] =	vst v10;
	v10 =	vld [tilespmem:s16+$0x20];
	v2 =	vsub.f32 v44, v2;
	v8 =	vmax.f32 v8, $0.0e+00  }
0x23b: {  	v9 =	vld [tilespmem:s28+$0xA0];
	[tilespmem:s10+$0x130] =	vst v8  }
0x23c: {  	v2 =	vmax.f32 v2, $0.0e+00;
	v5 =	vsub.f32 v5, v6;
	v6 =	vld [tilespmem:s28+$0x120]  }
0x23d: {  	[tilespmem:s10+$0xFFFFFDE0] =	vst v2;
	v2 =	vld [tilespmem:s16+$0x120];
	v3 =	vsub.f32 v45, v3  }
0x23e: {  	v49 =	vld [tilespmem:s28+$0xFFFFFE30];
	v5 =	vmax.f32 v5, $0.0e+00  }
0x23f: {  	v4 =	vsub.f32 v46, v4;
	v3 =	vmax.f32 v3, $0.0e+00;
	[tilespmem:s10+$0xFFFFFE70] =	vst v5;
	v5 =	vld [tilespmem:s16+$0xFFFFFE30]  }
0x240: {  	[tilespmem:s10+$0x1F0] =	vst v3;
	v3 =	vld [tilespmem:s16+$0xA0]  }
0x241: {  	v4 =	vmax.f32 v4, $0.0e+00;
	v50 =	vld [tilespmem:s28+$0xFFFFFEB0]  }
0x242: {  	[tilespmem:s10+$0xFFFFFF00] =	vst v4;
	v7 =	vsub.f32 v11, v7;
	v4 =	vld [tilespmem:s16+$0xFFFFFEB0]  }
0x243: {  	v10 =	vsub.f32 v47, v10;
	v48 =	vld [tilespmem:s28+$0x1D0]  }
0x244: {  	v7 =	vmax.f32 v7, $0.0e+00;
	v8 =	vld [tilespmem:s16+$0x1D0]  }
0x245: {  	v11 =	vld [tilespmem:s28+$0xFFFFFF30];
	[tilespmem:s10+$0xFFFFFF90] =	vst v7;
	v10 =	vmax.f32 v10, $0.0e+00;
	v2 =	vsub.f32 v6, v2  }
0x246: {  	[tilespmem:s10+$0x20] =	vst v10;
	v10 =	vld [tilespmem:s16+$0xFFFFFFB0];
	v5 =	vsub.f32 v49, v5  }
0x247: {  	v6 =	vld [tilespmem:s28+$0x30];
	v2 =	vmax.f32 v2, $0.0e+00;
	v3 =	vsub.f32 v9, v3  }
0x248: {  	[tilespmem:s10+$0x140] =	vst v2;
	v9 =	vld [tilespmem:s28+$0xFFFFFFB0];
	v4 =	vsub.f32 v50, v4;
	v5 =	vmax.f32 v5, $0.0e+00  }
0x249: {  	v53 =	vld [tilespmem:s28+$0x130];
	v8 =	vsub.f32 v48, v8;
	v3 =	vmax.f32 v3, $0.0e+00;
	[tilespmem:s10+$0xFFFFFDF0] =	vst v5  }
0x24a: {  	v4 =	vmax.f32 v4, $0.0e+00;
	[tilespmem:s10+$0xB0] =	vst v3;
	v3 =	vld [tilespmem:s16+$0x30]  }
0x24b: {  	v8 =	vmax.f32 v8, $0.0e+00;
	[tilespmem:s10+$0xFFFFFE80] =	vst v4;
	v4 =	vld [tilespmem:s16+$0xFFFFFE40]  }
0x24c: {  	[tilespmem:s10+$0x200] =	vst v8;
	v8 =	vld [tilespmem:s16+$0xFFFFFF30]  }
0x24d: {  	v52 =	vld [tilespmem:s28+$0xB0]  }
0x24e: {  	v51 =	vld [tilespmem:s28+$0x1E0]  }
0x24f: {  	v7 =	vld [tilespmem:s16+$0x1E0];
	v9 =	vsub.f32 v9, v10  }
0x250: {  	v2 =	vld [tilespmem:s16+$0xB0]  }
0x251: {  	v10 =	vld [tilespmem:s28+$0xFFFFFEC0];
	v9 =	vmax.f32 v9, $0.0e+00;
	v3 =	vsub.f32 v6, v3  }
0x252: {  	[tilespmem:s10+$0xFFFFFFA0] =	vst v9;
	v8 =	vsub.f32 v11, v8;
	v11 =	vld [tilespmem:s28+$0xFFFFFE40]  }
0x253: {  	v55 =	vld [tilespmem:s28+$0xFFFFFFC0];
	v3 =	vmax.f32 v3, $0.0e+00  }
0x254: {  	v7 =	vsub.f32 v51, v7;
	v8 =	vmax.f32 v8, $0.0e+00;
	[tilespmem:s10+$0x30] =	vst v3;
	v3 =	vld [tilespmem:s16+$0xFFFFFFC0]  }
0x255: {  	[tilespmem:s10+$0xFFFFFF10] =	vst v8;
	v8 =	vld [tilespmem:s16+$0xFFFFFEC0]  }
0x256: {  	v7 =	vmax.f32 v7, $0.0e+00;
	v56 =	vld [tilespmem:s28+$0x40]  }
0x257: {  	v2 =	vsub.f32 v52, v2;
	[tilespmem:s10+$0x210] =	vst v7;
	v7 =	vld [tilespmem:s16+$0x130]  }
0x258: {  	v6 =	vld [tilespmem:s28+$0xFFFFFF40]  }
0x259: {  	v2 =	vmax.f32 v2, $0.0e+00;
	v9 =	vld [tilespmem:s16+$0xFFFFFF40]  }
0x25a: {  	[tilespmem:s10+$0xC0] =	vst v2;
	v2 =	vld [tilespmem:s16+$0x40];
	v4 =	vsub.f32 v11, v4  }
0x25b: {  	v54 =	vld [tilespmem:s28+$0x1F0]  }
0x25c: {  	v5 =	vld [tilespmem:s16+$0x1F0];
	v4 =	vmax.f32 v4, $0.0e+00;
	v8 =	vsub.f32 v10, v8  }
0x25d: {  	v11 =	vld [tilespmem:s28+$0xC0];
	[tilespmem:s10+$0xFFFFFE00] =	vst v4;
	v7 =	vsub.f32 v53, v7  }
0x25e: {  	v6 =	vsub.f32 v6, v9;
	v9 =	vld [tilespmem:s28+$0xFFFFFE50];
	v8 =	vmax.f32 v8, $0.0e+00  }
0x25f: {  	v7 =	vmax.f32 v7, $0.0e+00;
	[tilespmem:s10+$0xFFFFFE90] =	vst v8;
	v8 =	vld [tilespmem:s16+$0xFFFFFE50]  }
0x260: {  	[tilespmem:s10+$0x150] =	vst v7;
	v7 =	vld [tilespmem:s16+$0xC0]  }
0x261: {  	v3 =	vsub.f32 v55, v3;
	v6 =	vmax.f32 v6, $0.0e+00;
	v57 =	vld [tilespmem:s28+$0xFFFFFED0]  }
0x262: {  	v2 =	vsub.f32 v56, v2;
	[tilespmem:s10+$0xFFFFFF20] =	vst v6;
	v6 =	vld [tilespmem:s16+$0xFFFFFED0]  }
0x263: {  	v3 =	vmax.f32 v3, $0.0e+00;
	v10 =	vld [tilespmem:s28+$0x140]  }
0x264: {  	[tilespmem:s10+$0xFFFFFFB0] =	vst v3;
	v2 =	vmax.f32 v2, $0.0e+00;
	v4 =	vld [tilespmem:s16+$0x140]  }
0x265: {  	[tilespmem:s10+$0x40] =	vst v2;
	v2 =	vld [tilespmem:s16+$0xFFFFFFD0]  }
0x266: {  	v58 =	vld [tilespmem:s28+$0xFFFFFF50];
	v8 =	vsub.f32 v9, v8  }
0x267: {  	v3 =	vld [tilespmem:s16+$0xFFFFFF50];
	v7 =	vsub.f32 v11, v7  }
0x268: {  	v11 =	vld [tilespmem:s28+$0xFFFFFFD0];
	v8 =	vmax.f32 v8, $0.0e+00  }
0x269: {  	v6 =	vsub.f32 v57, v6;
	v4 =	vsub.f32 v10, v4;
	v10 =	vld [tilespmem:s28+$0x50];
	v7 =	vmax.f32 v7, $0.0e+00;
	[tilespmem:s10+$0xFFFFFE10] =	vst v8  }
0x26a: {  	[tilespmem:s10+$0xD0] =	vst v7;
	v7 =	vld [tilespmem:s16+$0x50]  }
0x26b: {  	v6 =	vmax.f32 v6, $0.0e+00;
	v60 =	vld [tilespmem:s28+$0xFFFFFE60]  }
0x26c: {  	v3 =	vsub.f32 v58, v3;
	[tilespmem:s10+$0xFFFFFEA0] =	vst v6;
	v6 =	vld [tilespmem:s16+$0xFFFFFE60]  }
0x26d: {  	v4 =	vmax.f32 v4, $0.0e+00;
	v9 =	vld [tilespmem:s28+$0xD0]  }
0x26e: {  	v3 =	vmax.f32 v3, $0.0e+00;
	[tilespmem:s10+$0x160] =	vst v4;
	v4 =	vld [tilespmem:s16+$0xD0]  }
0x26f: {  	[tilespmem:s10+$0xFFFFFF30] =	vst v3;
	v3 =	vld [tilespmem:s16+$0xFFFFFEE0]  }
0x270: {  	v59 =	vld [tilespmem:s28+$0x150]  }
0x271: {  	v8 =	vld [tilespmem:s16+$0x150];
	v2 =	vsub.f32 v11, v2  }
0x272: {  	v11 =	vld [tilespmem:s28+$0xFFFFFEE0]  }
0x273: {  	v2 =	vmax.f32 v2, $0.0e+00;
	v7 =	vsub.f32 v10, v7;
	v10 =	vld [tilespmem:s28+$0xFFFFFF60]  }
0x274: {  	[tilespmem:s10+$0xFFFFFFC0] =	vst v2;
	v2 =	vld [tilespmem:s16+$0xFFFFFF60]  }
0x275: {  	v4 =	vsub.f32 v9, v4;
	v9 =	vld [tilespmem:s28+$0xFFFFFFE0];
	v7 =	vmax.f32 v7, $0.0e+00  }
0x276: {  	v6 =	vsub.f32 v60, v6;
	[tilespmem:s10+$0x50] =	vst v7;
	v7 =	vld [tilespmem:s16+$0xFFFFFFE0]  }
0x277: {  	v8 =	vsub.f32 v59, v8;
	v4 =	vmax.f32 v4, $0.0e+00;
	v61 =	vld [tilespmem:s28+$0x60]  }
0x278: {  	v6 =	vmax.f32 v6, $0.0e+00;
	[tilespmem:s10+$0xE0] =	vst v4;
	v4 =	vld [tilespmem:s16+$0x60]  }
0x279: {  	v3 =	vsub.f32 v11, v3;
	[tilespmem:s10+$0xFFFFFE20] =	vst v6;
	v8 =	vmax.f32 v8, $0.0e+00;
	v62 =	vld [tilespmem:s28+$0xE0]  }
0x27a: {  	[tilespmem:s10+$0x170] =	vst v8;
	v8 =	vld [tilespmem:s16+$0xE0]  }
0x27b: {  	v3 =	vmax.f32 v3, $0.0e+00;
	v2 =	vsub.f32 v10, v2;
	v10 =	vld [tilespmem:s28+$0xFFFFFE70]  }
0x27c: {  	[tilespmem:s10+$0xFFFFFEB0] =	vst v3;
	v3 =	vld [tilespmem:s16+$0xFFFFFE70]  }
0x27d: {  	v11 =	vld [tilespmem:s28+$0x160]  }
0x27e: {  	v6 =	vld [tilespmem:s16+$0x160]  }
0x27f: {  	v15 =	vld [tilespmem:s16+$0xFFFFFEF0];
	v2 =	vmax.f32 v2, $0.0e+00;
	v7 =	vsub.f32 v9, v7  }
0x280: {  	v9 =	vld [tilespmem:s28+$0xFFFFFEF0];
	[tilespmem:s10+$0xFFFFFF40] =	vst v2  }
0x281: {  	v4 =	vsub.f32 v61, v4;
	v63 =	vld [tilespmem:s16+$0xFFFFFF70];
	v2 =	vmax.f32 v7, $0.0e+00  }
0x282: {  	v5 =	vsub.f32 v54, v5;
	v7 =	vld [tilespmem:s28+$0xFFFFFF70];
	[tilespmem:s10+$0xFFFFFFD0] =	vst v2  }
0x283: {  	v2 =	vmax.f32 v4, $0.0e+00;
	v4 =	vsub.f32 v62, v8;
	v8 =	vld [tilespmem:s28+$0xFFFFFFF0]  }
0x284: {  	[tilespmem:s10+$0x60] =	vst v2;
	v2 =	vmax.f32 v5, $0.0e+00;
	v5 =	vsub.f32 v11, v6;
	v11 =	vld [tilespmem:s16+$0xFFFFFFF0]  }
0x285: {  	v3 =	vsub.f32 v10, v3;
	[tilespmem:s10+$0x220] =	vst v2;
	v4 =	vmax.f32 v4, $0.0e+00;
	v2 =	vld [tilespmem:s28+$0x70]  }
0x286: {  	v6 =	vsub.f32 v9, v15;
	[tilespmem:s10+$0xF0] =	vst v4;
	v5 =	vmax.f32 v5, $0.0e+00;
	v4 =	vld [tilespmem:s16+$0x70]  }
0x287: {  	[tilespmem:s10+$0x180] =	vst v5;
	v5 =	vmax.f32 v3, $0.0e+00;
	v7 =	vsub.f32 v7, v63;
	v3 =	vld [tilespmem:s28+$0xF0]  }
0x288: {  	[tilespmem:s10+$0xFFFFFE30] =	vst v5;
	v5 =	vmax.f32 v6, $0.0e+00;
	v6 =	vld [tilespmem:s16+$0xF0]  }
0x289: {  	[tilespmem:s10+$0xFFFFFEC0] =	vst v5;
	v7 =	vmax.f32 v7, $0.0e+00;
	v5 =	vld [tilespmem:s28+$0x170];
	v8 =	vsub.f32 v8, v11  }
0x28a: {  	s29 =	simm.s32 $0x17A80;
	s28 =	simm.s32 $0x0;
	[tilespmem:s10+$0xFFFFFF50] =	vst v7;
	v7 =	vld [tilespmem:s16+$0x170]  }
.LBB2_14:
0x28b: {  	v9 =	vld [tilespmem:s29+$0x180];
	v8 =	vmax.f32 v8, $0.0e+00;
	v2 =	vsub.f32 v2, v4;
	s16 =	sadd.s32 $0x400, s16  }
0x28c: {  	v4 =	vld [tilespmem:s16+$0x180];
	[tilespmem:s10+$0xFFFFFFE0] =	vst v8  }
0x28d: {  	v8 =	vld [tilespmem:s16+$0xFFFFFE00];
	v2 =	vmax.f32 v2, $0.0e+00;
	v3 =	vsub.f32 v3, v6  }
0x28e: {  	v6 =	vld [tilespmem:s29+$0xFFFFFE80];
	[tilespmem:s10+$0x70] =	vst v2  }
0x28f: {  	v2 =	vld [tilespmem:s16+$0xFFFFFE80];
	v3 =	vmax.f32 v3, $0.0e+00;
	v5 =	vsub.f32 v5, v7  }
0x290: {  	v7 =	vld [tilespmem:s29+$0xFFFFFF00];
	[tilespmem:s10+$0x100] =	vst v3  }
0x291: {  	v3 =	vld [tilespmem:s16+$0xFFFFFF00];
	v4 =	vsub.f32 v9, v4;
	v5 =	vmax.f32 v5, $0.0e+00  }
0x292: {  	v9 =	vld [tilespmem:s29+$0xFFFFFF80];
	[tilespmem:s10+$0x190] =	vst v5  }
0x293: {  	s28 =	sadd.s32 $0x8, s28;
	s10 =	sadd.s32 $0x480, s10;
	v5 =	vld [tilespmem:s16+$0xFFFFFF80];
	v4 =	vmax.f32 v4, $0.0e+00  }
0x294: {  	p0 =	slt.u32 s28, $0x20;
	v2 =	vsub.f32 v6, v2;
	v6 =	vld [tilespmem:s29+$0x0];
	[tilespmem:s10+$0x1B0] =	vst v4  }
0x295: {  	v4 =	vld [tilespmem:s29+$0x190]  }
0x296: {  	v2 =	vmax.f32 v2, $0.0e+00;
	v3 =	vsub.f32 v7, v3;
	v7 =	vld [tilespmem:s16+$0x190]  }
0x297: {  	[tilespmem:s10+$0xFFFFFE50] =	vst v2;
	v2 =	vld [tilespmem:s16+$0x0]  }
0x298: {  	v3 =	vmax.f32 v3, $0.0e+00;
	v5 =	vsub.f32 v9, v5;
	v9 =	vld [tilespmem:s29+$0x80]  }
0x299: {  	[tilespmem:s10+$0xFFFFFEE0] =	vst v3;
	v3 =	vld [tilespmem:s16+$0x80]  }
0x29a: {  	v5 =	vmax.f32 v5, $0.0e+00;
	v10 =	vld [tilespmem:s29+$0x100]  }
0x29b: {  	[tilespmem:s10+$0xFFFFFF70] =	vst v5;
	v5 =	vld [tilespmem:s16+$0x100];
	v4 =	vsub.f32 v4, v7  }
0x29c: {  	v7 =	vld [tilespmem:s29+$0xFFFFFE00];
	v2 =	vsub.f32 v6, v2  }
0x29d: {  	v6 =	vld [tilespmem:s29+$0xFFFFFE90];
	v4 =	vmax.f32 v4, $0.0e+00  }
0x29e: {  	v11 =	vld [tilespmem:s16+$0xFFFFFE90];
	v2 =	vmax.f32 v2, $0.0e+00;
	v3 =	vsub.f32 v9, v3;
	[tilespmem:s10+$0x1C0] =	vst v4  }
0x29f: {  	[tilespmem:s10+$0x0] =	vst v2;
	v2 =	vld [tilespmem:s29+$0x1A0]  }
0x2a0: {  	v3 =	vmax.f32 v3, $0.0e+00;
	v4 =	vsub.f32 v10, v5;
	v5 =	vld [tilespmem:s16+$0x1A0]  }
0x2a1: {  	v7 =	vsub.f32 v7, v8;
	v8 =	vld [tilespmem:s29+$0xFFFFFF10];
	[tilespmem:s10+$0x90] =	vst v3  }
0x2a2: {  	v3 =	vld [tilespmem:s16+$0xFFFFFF10];
	v4 =	vmax.f32 v4, $0.0e+00  }
0x2a3: {  	v7 =	vmax.f32 v7, $0.0e+00;
	v6 =	vsub.f32 v6, v11;
	v9 =	vld [tilespmem:s29+$0xFFFFFF90];
	[tilespmem:s10+$0x120] =	vst v4  }
0x2a4: {  	[tilespmem:s10+$0xFFFFFDC0] =	vst v7;
	v4 =	vld [tilespmem:s16+$0xFFFFFF90]  }
0x2a5: {  	v7 =	vld [tilespmem:s29+$0xFFFFFE10];
	v6 =	vmax.f32 v6, $0.0e+00;
	v2 =	vsub.f32 v2, v5  }
0x2a6: {  	v5 =	vld [tilespmem:s16+$0xFFFFFE10];
	[tilespmem:s10+$0xFFFFFE60] =	vst v6  }
0x2a7: {  	v3 =	vsub.f32 v8, v3;
	v6 =	vld [tilespmem:s29+$0x10];
	v2 =	vmax.f32 v2, $0.0e+00  }
0x2a8: {  	v8 =	vld [tilespmem:s16+$0x10];
	[tilespmem:s10+$0x1D0] =	vst v2  }
0x2a9: {  	v2 =	vmax.f32 v3, $0.0e+00;
	v3 =	vsub.f32 v9, v4;
	v4 =	vld [tilespmem:s29+$0x1B0]  }
0x2aa: {  	[tilespmem:s10+$0xFFFFFEF0] =	vst v2;
	v2 =	vld [tilespmem:s16+$0x1B0]  }
0x2ab: {  	v5 =	vsub.f32 v7, v5;
	v3 =	vmax.f32 v3, $0.0e+00;
	v7 =	vld [tilespmem:s29+$0x90]  }
0x2ac: {  	[tilespmem:s10+$0xFFFFFF80] =	vst v3;
	v3 =	vld [tilespmem:s16+$0x90]  }
0x2ad: {  	v5 =	vmax.f32 v5, $0.0e+00;
	v6 =	vsub.f32 v6, v8;
	v8 =	vld [tilespmem:s29+$0x110]  }
0x2ae: {  	[tilespmem:s10+$0xFFFFFDD0] =	vst v5;
	v5 =	vld [tilespmem:s16+$0x110]  }
0x2af: {  	v9 =	vld [tilespmem:s29+$0xFFFFFE20];
	v6 =	vmax.f32 v6, $0.0e+00;
	v2 =	vsub.f32 v4, v2  }
0x2b0: {  	v4 =	vld [tilespmem:s16+$0xFFFFFE20];
	[tilespmem:s10+$0x10] =	vst v6  }
0x2b1: {  	v6 =	vld [tilespmem:s29+$0xFFFFFEA0];
	v3 =	vsub.f32 v7, v3;
	v2 =	vmax.f32 v2, $0.0e+00  }
0x2b2: {  	v7 =	vld [tilespmem:s16+$0xFFFFFEA0];
	[tilespmem:s10+$0x1E0] =	vst v2  }
0x2b3: {  	v2 =	vmax.f32 v3, $0.0e+00;
	v3 =	vsub.f32 v8, v5;
	v5 =	vld [tilespmem:s29+$0x1C0]  }
0x2b4: {  	[tilespmem:s10+$0xA0] =	vst v2;
	v2 =	vld [tilespmem:s16+$0x1C0]  }
0x2b5: {  	v4 =	vsub.f32 v9, v4;
	v8 =	vld [tilespmem:s29+$0xFFFFFF20];
	v3 =	vmax.f32 v3, $0.0e+00  }
0x2b6: {  	v9 =	vld [tilespmem:s16+$0xFFFFFF20];
	[tilespmem:s10+$0x130] =	vst v3  }
0x2b7: {  	v3 =	vmax.f32 v4, $0.0e+00;
	v4 =	vsub.f32 v6, v7;
	v6 =	vld [tilespmem:s29+$0xFFFFFFA0]  }
0x2b8: {  	[tilespmem:s10+$0xFFFFFDE0] =	vst v3;
	v3 =	vld [tilespmem:s16+$0xFFFFFFA0]  }
0x2b9: {  	v4 =	vmax.f32 v4, $0.0e+00;
	v7 =	vld [tilespmem:s29+$0x20];
	v2 =	vsub.f32 v5, v2  }
0x2ba: {  	[tilespmem:s10+$0xFFFFFE70] =	vst v4;
	v4 =	vld [tilespmem:s16+$0x20]  }
0x2bb: {  	v5 =	vsub.f32 v8, v9;
	v8 =	vld [tilespmem:s29+$0xA0];
	v2 =	vmax.f32 v2, $0.0e+00  }
0x2bc: {  	v9 =	vld [tilespmem:s16+$0xA0];
	[tilespmem:s10+$0x1F0] =	vst v2  }
0x2bd: {  	v2 =	vmax.f32 v5, $0.0e+00;
	v3 =	vsub.f32 v6, v3;
	v5 =	vld [tilespmem:s29+$0x1D0]  }
0x2be: {  	[tilespmem:s10+$0xFFFFFF00] =	vst v2;
	v2 =	vld [tilespmem:s16+$0x1D0]  }
0x2bf: {  	v3 =	vmax.f32 v3, $0.0e+00;
	v4 =	vsub.f32 v7, v4;
	v6 =	vld [tilespmem:s29+$0x120]  }
0x2c0: {  	[tilespmem:s10+$0xFFFFFF90] =	vst v3;
	v3 =	vld [tilespmem:s16+$0x120]  }
0x2c1: {  	v7 =	vld [tilespmem:s29+$0xFFFFFE30];
	v4 =	vmax.f32 v4, $0.0e+00;
	v8 =	vsub.f32 v8, v9  }
0x2c2: {  	v9 =	vld [tilespmem:s16+$0xFFFFFE30];
	[tilespmem:s10+$0x20] =	vst v4  }
0x2c3: {  	v4 =	vld [tilespmem:s29+$0xFFFFFEB0];
	v8 =	vmax.f32 v8, $0.0e+00;
	v2 =	vsub.f32 v5, v2  }
0x2c4: {  	v5 =	vld [tilespmem:s16+$0xFFFFFEB0];
	[tilespmem:s10+$0xB0] =	vst v8  }
0x2c5: {  	v8 =	vld [tilespmem:s29+$0xFFFFFF30];
	v3 =	vsub.f32 v6, v3;
	v2 =	vmax.f32 v2, $0.0e+00  }
0x2c6: {  	v6 =	vld [tilespmem:s16+$0xFFFFFF30];
	[tilespmem:s10+$0x200] =	vst v2  }
0x2c7: {  	v2 =	vsub.f32 v7, v9;
	v3 =	vmax.f32 v3, $0.0e+00;
	v7 =	vld [tilespmem:s29+$0x1E0]  }
0x2c8: {  	[tilespmem:s10+$0x140] =	vst v3;
	v3 =	vld [tilespmem:s16+$0x1E0]  }
0x2c9: {  	v2 =	vmax.f32 v2, $0.0e+00;
	v4 =	vsub.f32 v4, v5;
	v5 =	vld [tilespmem:s29+$0xFFFFFFB0]  }
0x2ca: {  	[tilespmem:s10+$0xFFFFFDF0] =	vst v2;
	v2 =	vld [tilespmem:s16+$0xFFFFFFB0]  }
0x2cb: {  	v4 =	vmax.f32 v4, $0.0e+00;
	v6 =	vsub.f32 v8, v6;
	v8 =	vld [tilespmem:s29+$0x30]  }
0x2cc: {  	[tilespmem:s10+$0xFFFFFE80] =	vst v4;
	v4 =	vld [tilespmem:s16+$0x30]  }
0x2cd: {  	v6 =	vmax.f32 v6, $0.0e+00;
	v9 =	vld [tilespmem:s29+$0xB0];
	v3 =	vsub.f32 v7, v3  }
0x2ce: {  	[tilespmem:s10+$0xFFFFFF10] =	vst v6;
	v6 =	vld [tilespmem:s16+$0xB0]  }
0x2cf: {  	v2 =	vsub.f32 v5, v2;
	v5 =	vld [tilespmem:s29+$0x130];
	v3 =	vmax.f32 v3, $0.0e+00  }
0x2d0: {  	v7 =	vld [tilespmem:s16+$0x130];
	[tilespmem:s10+$0x210] =	vst v3  }
0x2d1: {  	v2 =	vmax.f32 v2, $0.0e+00;
	v3 =	vsub.f32 v8, v4;
	v4 =	vld [tilespmem:s29+$0x1F0]  }
0x2d2: {  	[tilespmem:s10+$0xFFFFFFA0] =	vst v2;
	v2 =	vld [tilespmem:s16+$0x1F0]  }
0x2d3: {  	v8 =	vld [tilespmem:s29+$0xFFFFFE40];
	v3 =	vmax.f32 v3, $0.0e+00;
	v6 =	vsub.f32 v9, v6  }
0x2d4: {  	v9 =	vld [tilespmem:s16+$0xFFFFFE40];
	[tilespmem:s10+$0x30] =	vst v3  }
0x2d5: {  	v3 =	vld [tilespmem:s29+$0xFFFFFEC0];
	v6 =	vmax.f32 v6, $0.0e+00;
	v5 =	vsub.f32 v5, v7  }
0x2d6: {  	v7 =	vld [tilespmem:s16+$0xFFFFFEC0];
	[tilespmem:s10+$0xC0] =	vst v6  }
0x2d7: {  	v6 =	vld [tilespmem:s29+$0xFFFFFF40];
	v5 =	vmax.f32 v5, $0.0e+00;
	v2 =	vsub.f32 v4, v2  }
0x2d8: {  	v4 =	vld [tilespmem:s16+$0xFFFFFF40];
	[tilespmem:s10+$0x150] =	vst v5  }
0x2d9: {  	v5 =	vsub.f32 v8, v9;
	v8 =	vld [tilespmem:s29+$0xFFFFFFC0];
	v2 =	vmax.f32 v2, $0.0e+00  }
0x2da: {  	v9 =	vld [tilespmem:s16+$0xFFFFFFC0];
	[tilespmem:s10+$0x220] =	vst v2  }
0x2db: {  	v2 =	vmax.f32 v5, $0.0e+00;
	v3 =	vsub.f32 v3, v7;
	v5 =	vld [tilespmem:s29+$0x40]  }
0x2dc: {  	[tilespmem:s10+$0xFFFFFE00] =	vst v2;
	v2 =	vld [tilespmem:s16+$0x40]  }
0x2dd: {  	v3 =	vmax.f32 v3, $0.0e+00;
	v4 =	vsub.f32 v6, v4;
	v6 =	vld [tilespmem:s29+$0xC0]  }
0x2de: {  	[tilespmem:s10+$0xFFFFFE90] =	vst v3;
	v3 =	vld [tilespmem:s16+$0xC0]  }
0x2df: {  	v4 =	vmax.f32 v4, $0.0e+00;
	v7 =	vsub.f32 v8, v9;
	v8 =	vld [tilespmem:s29+$0x140]  }
0x2e0: {  	[tilespmem:s10+$0xFFFFFF20] =	vst v4;
	v4 =	vld [tilespmem:s16+$0x140]  }
0x2e1: {  	v9 =	vld [tilespmem:s29+$0xFFFFFE50];
	v7 =	vmax.f32 v7, $0.0e+00;
	v2 =	vsub.f32 v5, v2  }
0x2e2: {  	v5 =	vld [tilespmem:s16+$0xFFFFFE50];
	[tilespmem:s10+$0xFFFFFFB0] =	vst v7  }
0x2e3: {  	v7 =	vld [tilespmem:s29+$0xFFFFFED0];
	v2 =	vmax.f32 v2, $0.0e+00;
	v3 =	vsub.f32 v6, v3  }
0x2e4: {  	v6 =	vld [tilespmem:s16+$0xFFFFFED0];
	[tilespmem:s10+$0x40] =	vst v2  }
0x2e5: {  	v2 =	vld [tilespmem:s29+$0xFFFFFF50];
	v3 =	vmax.f32 v3, $0.0e+00;
	v4 =	vsub.f32 v8, v4  }
0x2e6: {  	v8 =	vld [tilespmem:s16+$0xFFFFFF50];
	[tilespmem:s10+$0xD0] =	vst v3  }
0x2e7: {  	v3 =	vsub.f32 v9, v5;
	v5 =	vld [tilespmem:s29+$0xFFFFFFD0];
	v4 =	vmax.f32 v4, $0.0e+00  }
0x2e8: {  	v9 =	vld [tilespmem:s16+$0xFFFFFFD0];
	[tilespmem:s10+$0x160] =	vst v4  }
0x2e9: {  	v3 =	vmax.f32 v3, $0.0e+00;
	v4 =	vsub.f32 v7, v6;
	v6 =	vld [tilespmem:s29+$0x50]  }
0x2ea: {  	[tilespmem:s10+$0xFFFFFE10] =	vst v3;
	v3 =	vld [tilespmem:s16+$0x50]  }
0x2eb: {  	v4 =	vmax.f32 v4, $0.0e+00;
	v2 =	vsub.f32 v2, v8;
	v7 =	vld [tilespmem:s29+$0xD0]  }
0x2ec: {  	[tilespmem:s10+$0xFFFFFEA0] =	vst v4;
	v4 =	vld [tilespmem:s16+$0xD0]  }
0x2ed: {  	v2 =	vmax.f32 v2, $0.0e+00;
	v5 =	vsub.f32 v5, v9;
	v8 =	vld [tilespmem:s29+$0x150]  }
0x2ee: {  	[tilespmem:s10+$0xFFFFFF30] =	vst v2;
	v2 =	vld [tilespmem:s16+$0x150]  }
0x2ef: {  	v9 =	vld [tilespmem:s29+$0xFFFFFE60];
	v5 =	vmax.f32 v5, $0.0e+00;
	v3 =	vsub.f32 v6, v3  }
0x2f0: {  	v6 =	vld [tilespmem:s16+$0xFFFFFE60];
	[tilespmem:s10+$0xFFFFFFC0] =	vst v5  }
0x2f1: {  	v5 =	vld [tilespmem:s29+$0xFFFFFEE0];
	v3 =	vmax.f32 v3, $0.0e+00;
	v4 =	vsub.f32 v7, v4  }
0x2f2: {  	v7 =	vld [tilespmem:s16+$0xFFFFFEE0];
	[tilespmem:s10+$0x50] =	vst v3  }
0x2f3: {  	v3 =	vld [tilespmem:s29+$0xFFFFFF60];
	v4 =	vmax.f32 v4, $0.0e+00;
	v2 =	vsub.f32 v8, v2  }
0x2f4: {  	v8 =	vld [tilespmem:s16+$0xFFFFFF60];
	[tilespmem:s10+$0xE0] =	vst v4  }
0x2f5: {  	v4 =	vsub.f32 v9, v6;
	v6 =	vld [tilespmem:s29+$0xFFFFFFE0];
	v2 =	vmax.f32 v2, $0.0e+00  }
0x2f6: {  	v9 =	vld [tilespmem:s16+$0xFFFFFFE0];
	[tilespmem:s10+$0x170] =	vst v2  }
0x2f7: {  	v2 =	vmax.f32 v4, $0.0e+00;
	v4 =	vsub.f32 v5, v7;
	v5 =	vld [tilespmem:s29+$0x60]  }
0x2f8: {  	[tilespmem:s10+$0xFFFFFE20] =	vst v2;
	v2 =	vld [tilespmem:s16+$0x60]  }
0x2f9: {  	v4 =	vmax.f32 v4, $0.0e+00;
	v3 =	vsub.f32 v3, v8;
	v7 =	vld [tilespmem:s29+$0xE0]  }
0x2fa: {  	[tilespmem:s10+$0xFFFFFEB0] =	vst v4;
	v4 =	vld [tilespmem:s16+$0xE0]  }
0x2fb: {  	v3 =	vmax.f32 v3, $0.0e+00;
	v6 =	vsub.f32 v6, v9;
	v8 =	vld [tilespmem:s29+$0x160]  }
0x2fc: {  	[tilespmem:s10+$0xFFFFFF40] =	vst v3;
	v3 =	vld [tilespmem:s16+$0x160]  }
0x2fd: {  	v9 =	vld [tilespmem:s29+$0xFFFFFE70];
	v6 =	vmax.f32 v6, $0.0e+00;
	v2 =	vsub.f32 v5, v2  }
0x2fe: {  	v5 =	vld [tilespmem:s16+$0xFFFFFE70];
	[tilespmem:s10+$0xFFFFFFD0] =	vst v6  }
0x2ff: {  	v6 =	vld [tilespmem:s29+$0xFFFFFEF0];
	v2 =	vmax.f32 v2, $0.0e+00;
	v4 =	vsub.f32 v7, v4  }
0x300: {  	v7 =	vld [tilespmem:s16+$0xFFFFFEF0];
	[tilespmem:s10+$0x60] =	vst v2  }
0x301: {  	v10 =	vld [tilespmem:s29+$0xFFFFFF70];
	v2 =	vmax.f32 v4, $0.0e+00;
	v3 =	vsub.f32 v8, v3  }
0x302: {  	v8 =	vld [tilespmem:s16+$0xFFFFFF70];
	[tilespmem:s10+$0xF0] =	vst v2  }
0x303: {  	v2 =	vsub.f32 v9, v5;
	v5 =	vld [tilespmem:s29+$0xFFFFFFF0];
	v3 =	vmax.f32 v3, $0.0e+00  }
0x304: {  	v9 =	vld [tilespmem:s16+$0xFFFFFFF0];
	[tilespmem:s10+$0x180] =	vst v3  }
0x305: {  	v3 =	vmax.f32 v2, $0.0e+00;
	v6 =	vsub.f32 v6, v7;
	v2 =	vld [tilespmem:s29+$0x70]  }
.Ltmp6:
0x306: {  	[tilespmem:s10+$0xFFFFFE30] =	vst v3;
	v4 =	vld [tilespmem:s16+$0x70];
	(pc) =	sbr.rel @p0 .LBB2_14-.Ltmp6, $4  }
0x307: {  	v6 =	vmax.f32 v6, $0.0e+00;
	v7 =	vsub.f32 v10, v8;
	v3 =	vld [tilespmem:s29+$0xF0]  }
0x308: {  	[tilespmem:s10+$0xFFFFFEC0] =	vst v6;
	v6 =	vld [tilespmem:s16+$0xF0]  }
0x309: {  	v7 =	vmax.f32 v7, $0.0e+00;
	v8 =	vsub.f32 v5, v9;
	v5 =	vld [tilespmem:s29+$0x170]  }
0x30a: {  	s29 =	sadd.s32 $0x400, s29;
	[tilespmem:s10+$0xFFFFFF50] =	vst v7;
	v7 =	vld [tilespmem:s16+$0x170]  }
0x30b: {  	_ =	sdelay $0x1  }
0x30c: {  	v2 =	vsub.f32 v2, v4;
	s14 =	sadd.s32 $0x1, s14  }
0x30d: {  	v62 =	vmax.f32 v8, $0.0e+00;
	p0 =	sne.s32 s14, $0x7D;
	v3 =	vsub.f32 v3, v6  }
.Ltmp7:
0x30e: {  	[tilespmem:s10+$0xFFFFFFE0] =	vst v62;
	v2 =	vmax.f32 v2, $0.0e+00;
	v63 =	vsub.f32 v5, v7;
	(pc) =	sbr.rel @p0 .LBB2_6-.Ltmp7, $4  }
0x30f: {  	[tilespmem:s10+$0x70] =	vst v2;
	v2 =	vmax.f32 v3, $0.0e+00  }
0x310: {  	[tilespmem:s10+$0x100] =	vst v2;
	v2 =	vmax.f32 v63, $0.0e+00  }
0x311: {  	[tilespmem:s10+$0x190] =	vst v2  }
0x312: {  	[spmem:s2] =	stream.indirect.scatter.add.f32 [tilespmem:s13], [sflag:$0x6], $0x90, s12, s26, $0xb8;
	[tilespmem:$0x1EB90] =	vst v63  }
0x313: {  	s10 =	simm.s32 $0x5  }
0x314: {  	_ =	swait.ge [sflag:s10], $0x1680  }
0x315: {  	[sflag:s10] =	ssyncset.done $0x0  }
0x316: {  	[sflag:s10] =	ssyncadd.s32 $0xFFFFE980  }
0x317: {  	_ =	swait.ge [sflag:s15], $0x1680  }
0x318: {  	[sflag:s15] =	ssyncset.done $0x0  }
0x319: {  	[sflag:s15] =	ssyncadd.s32 $0xFFFFE980  }
0x31a: {  	s14 =	stileid.u32;
	s29 =	simm.s32 $0x20;
	[bflag:$0x0] =	sbarrier.arrive $0xFFFF  }
0x31b: {  	s17 =	simm.s32 $0x12;
	s10 =	sshll.u32 s14, $0x6;
	s28 =	rddreg [dreg:$0x6]  }
0x31c: {  	s10 =	sor.u32 $0x1C07, s10;
	s16 =	rddreg [dreg:$0x12];
	s14 =	sshrl.u32 s28, $0x3  }
0x31d: {  	[hbm:s16@s29], [sflag:s10] =	dma.strided [spmem:s14@s17], $0x2BF2, s30, $0x9   }
0x31e: {  	_ =	swait.ge [sflag:s24], $0x2BF2  }
0x31f: {  	s16 =	sld [smem:$0x7FA];
	_ =	sdelay $0x2  }
0x320: {  	s29 =	rddreg [dreg:$0x13];
	s14 =	sadd.s32 $0x1, s16  }
0x321: {  	p0 =	sne.s32 s14, s29  }
.Ltmp8:
0x322: {  	_ = 	snop;
	(pc) =	sbr.rel @p0 .LBB2_1-.Ltmp8, $3  }
0x323: {  	_ =	sdelay $0x1  }
0x324: {  	[sflag:s24] =	ssyncset.done $0x0  }
0x325: {  	s17 =	simm.s32 $0x15F90;
	[sflag:s24] =	ssyncadd.s32 $0xFFFFD40E  }
0x326: {  	_ =	sfence.sel $0x180000  }
0x327: {  	[bflag:$0x0] =	sbarrier.arrive $0xFFFF  }
0x328: {  	_ =	strace $0x9000004A  }
0x329: {  	s0 =	stileid.u32;
	[bflag:$0x2] =	sbarrier.arrive $0xFFFF  }
0x32a: {  	p0 =	sne.s32 s0, $0x0;
	s0 =	rddreg [dreg:$0x3]  }
0x32b: {  	s0 =	sadd.s32 @!p0 $0x100000, s0  }
0x32c: {  	[sflag:s0] =	ssyncadd.tile.s32 @!p0 $0x1;
	_ =	shalt  }
.Lfunc_end2:
_tile_overlayer_lowered:
.L_overlay_start_2:
0x32d: {  	(tag) =	ssettag $0x2  }
0x32e: {  	s0 =	rddreg [dreg:$0x0];
	s2 =	stileid.u32  }
0x32f: {  	s1 =	rddreg [dreg:$0x1];
	p0 =	sne.s32 s2, $0x0  }
0x330: {  	s3 =	rddreg [dreg:$0x2];
	[bflag:$0x3] =	sbarrier.arrive $0xFFFF;
	s2 =	simm.s32 @!p0 $0x1C07  }
0x331: {  	[timem:s3], [sflag:s2] =	dma.local @!p0 [hbm:s0], s1  }
0x332: {  	s0 =	simm.s32 @!p0 $0x7  }
0x333: {  	_ =	swait.ge @!p0 [sflag:s0], s1  }
0x334: {  	s1 =	ssub.s32 @!p0 $0x0, s1;
	[sflag:s0] =	ssyncset.done @!p0 $0x0  }
0x335: {  	[sflag:s0] =	ssyncadd.s32 @!p0 s1  }
0x336: {  	[bflag:$0x3] =	sbarrier.arrive $0xFFFF  }
0x337: {  	_ =	shalt  }

</sc_bundles>
